<compile_context>
chip_gen: v7x
topology: tpu7x:2x2x1
jax: 0.10.2.dev20260603
libtpu: 0.0.44.dev20260713+nightly
codegen_flags: <defaults>
</compile_context>

<pallas_src>
import functools

import jax
import jax.numpy as jnp
from jax import lax
from jax.experimental import pallas as pl
from jax.experimental.pallas import tpu as pltpu
from jax.experimental.pallas import tpu_sc as plsc

E_DIM = 64
N_NEIGHBORS = 16
B = 16384

NC = 2
NS = 16
NW = NC * NS
PER_W = B // NW

CHUNK1 = 64
N_CHUNKS1 = PER_W // CHUNK1
IDX1 = CHUNK1 * N_NEIGHBORS
CHUNK2 = 32
N_CHUNKS2 = PER_W // CHUNK2
IDX2 = CHUNK2 * N_NEIGHBORS
STREAM = 128
N_STREAMS2 = IDX2 // STREAM


def _norm_body(x_ref, o_ref):
    x = x_ref[...]
    n = jnp.sqrt(jnp.sum(x * x, axis=-1, keepdims=True))
    o_ref[...] = jnp.minimum(1.0, 1.0 / jnp.maximum(n, 1e-7))


def _row_scales(table):
    rows = table.shape[0]
    blk = 2000
    grid = rows // blk
    return pl.pallas_call(
        _norm_body,
        grid=(grid,),
        in_specs=[pl.BlockSpec((blk, E_DIM), lambda i: (i, 0))],
        out_specs=pl.BlockSpec((blk, 1), lambda i: (i, 0)),
        out_shape=jax.ShapeDtypeStruct((rows, 1), jnp.float32),
    )(table)


def _sc1_body(users_hbm, items_hbm, adj_e_hbm, adj_r_hbm, user_tab_hbm,
              ent_tab_hbm, out_u, out_e0, out_nid, out_rel,
              idx_u, idx_i, nbr_ids, nbr_flat, rel_buf, rows_u, rows_e0,
              sem_a, sem_b):
    wid = lax.axis_index("s") * NC + lax.axis_index("c")

    def chunk_body(t, carry):
        base = wid * PER_W + t * CHUNK1
        pltpu.sync_copy(users_hbm.at[pl.ds(base, CHUNK1)], idx_u)
        pltpu.sync_copy(items_hbm.at[pl.ds(base, CHUNK1)], idx_i)

        h_ids = pltpu.async_copy(adj_e_hbm.at[idx_i], nbr_ids, sem_a)
        h_rel = pltpu.async_copy(adj_r_hbm.at[idx_i], rel_buf, sem_b)
        h_u = pltpu.async_copy(user_tab_hbm.at[idx_u], rows_u, sem_b)
        h_e0 = pltpu.async_copy(ent_tab_hbm.at[idx_i], rows_e0, sem_b)

        h_ids.wait()

        def flat_body(c, _):
            v = nbr_ids[c, :]
            nbr_flat[pl.ds(pl.multiple_of(c * 16, 16), 16)] = v
            return 0

        lax.fori_loop(0, CHUNK1, flat_body, 0)

        h_rel.wait()
        h_u.wait()
        h_e0.wait()

        pltpu.sync_copy(rows_u, out_u.at[pl.ds(base, CHUNK1)])
        pltpu.sync_copy(rows_e0, out_e0.at[pl.ds(base, CHUNK1)])
        pltpu.sync_copy(nbr_flat, out_nid.at[pl.ds(base * 16, IDX1)])
        pltpu.sync_copy(rel_buf, out_rel.at[pl.ds(base, CHUNK1)])
        return carry

    lax.fori_loop(0, N_CHUNKS1, chunk_body, 0)


def _sc1_gather(users_i, items_i, adj_e, adj_r, user_table, entity_table):
    mesh = plsc.VectorSubcoreMesh(core_axis_name="c", subcore_axis_name="s")
    f = functools.partial(
        pl.kernel,
        out_type=(
            jax.ShapeDtypeStruct((B, E_DIM), jnp.float32),
            jax.ShapeDtypeStruct((B, E_DIM), jnp.float32),
            jax.ShapeDtypeStruct((B * N_NEIGHBORS,), jnp.int32),
            jax.ShapeDtypeStruct((B, N_NEIGHBORS), jnp.int32),
        ),
        mesh=mesh,
        compiler_params=pltpu.CompilerParams(use_tc_tiling_on_sc=False),
        scratch_types=(
            pltpu.VMEM((CHUNK1,), jnp.int32),
            pltpu.VMEM((CHUNK1,), jnp.int32),
            pltpu.VMEM((CHUNK1, N_NEIGHBORS), jnp.int32),
            pltpu.VMEM((IDX1,), jnp.int32),
            pltpu.VMEM((CHUNK1, N_NEIGHBORS), jnp.int32),
            pltpu.VMEM((CHUNK1, E_DIM), jnp.float32),
            pltpu.VMEM((CHUNK1, E_DIM), jnp.float32),
            pltpu.SemaphoreType.DMA,
            pltpu.SemaphoreType.DMA,
        ),
    )(_sc1_body)
    return f(users_i, items_i, adj_e, adj_r, user_table, entity_table)


def _weights_body(u_ref, e0_ref, rel_ref, reltab_ref, uout_ref, e0out_ref,
                  w_ref):
    rel = reltab_ref[...]
    rn = jnp.sqrt(jnp.sum(rel * rel, axis=-1, keepdims=True))
    rel_n = rel * jnp.minimum(1.0, 1.0 / jnp.maximum(rn, 1e-7))

    u = u_ref[...]
    un = jnp.sqrt(jnp.sum(u * u, axis=-1, keepdims=True))
    u_n = u * jnp.minimum(1.0, 1.0 / jnp.maximum(un, 1e-7))
    uout_ref[...] = u_n

    e0 = e0_ref[...]
    en = jnp.sqrt(jnp.sum(e0 * e0, axis=-1, keepdims=True))
    e0out_ref[...] = e0 * jnp.minimum(1.0, 1.0 / jnp.maximum(en, 1e-7))

    p = lax.dot_general(u_n, rel_n, (((1,), (1,)), ((), ())))
    ids = rel_ref[...]
    s = jnp.take_along_axis(p, ids, axis=1)

    m = jnp.max(s, axis=1, keepdims=True)
    e = jnp.exp(s - m)
    w_ref[...] = e / jnp.sum(e, axis=1, keepdims=True)


def _tc_weights(rows_u, rows_e0, rel2, relation_table):
    bt = 512
    grid = B // bt
    return pl.pallas_call(
        _weights_body,
        grid=(grid,),
        in_specs=[
            pl.BlockSpec((bt, E_DIM), lambda i: (i, 0)),
            pl.BlockSpec((bt, E_DIM), lambda i: (i, 0)),
            pl.BlockSpec((bt, N_NEIGHBORS), lambda i: (i, 0)),
            pl.BlockSpec((32, E_DIM), lambda i: (0, 0)),
        ],
        out_specs=[
            pl.BlockSpec((bt, E_DIM), lambda i: (i, 0)),
            pl.BlockSpec((bt, E_DIM), lambda i: (i, 0)),
            pl.BlockSpec((bt, N_NEIGHBORS), lambda i: (i, 0)),
        ],
        out_shape=[
            jax.ShapeDtypeStruct((B, E_DIM), jnp.float32),
            jax.ShapeDtypeStruct((B, E_DIM), jnp.float32),
            jax.ShapeDtypeStruct((B, N_NEIGHBORS), jnp.float32),
        ],
    )(rows_u, rows_e0, rel2, relation_table)


def _sc2_body(nid_hbm, w_hbm, ent_tab_hbm, scale_hbm, out_agg,
              ids0, ids1, w0, w1, sc0, sc1, rows0, rows1, agg0, agg1,
              sem_i0, sem_i1, sem_r0, sem_r1, sem_s0, sem_s1, sem_w0,
              sem_w1):
    wid = lax.axis_index("s") * NC + lax.axis_index("c")
    ids_b = (ids0, ids1)
    w_b = (w0, w1)
    sc_b = (sc0, sc1)
    rows_b = (rows0, rows1)
    agg_b = (agg0, agg1)
    sem_i = (sem_i0, sem_i1)
    sem_r = (sem_r0, sem_r1)
    sem_s = (sem_s0, sem_s1)
    sem_w = (sem_w0, sem_w1)

    def base_of(t):
        return wid * PER_W + t * CHUNK2

    def fire_ids(t, slot):
        b16 = base_of(t) * 16
        pltpu.async_copy(nid_hbm.at[pl.ds(b16, IDX2)], ids_b[slot],
                         sem_i[slot])
        pltpu.async_copy(w_hbm.at[pl.ds(b16, IDX2)], w_b[slot], sem_i[slot])

    def fire_rows(t, slot):
        b16 = base_of(t) * 16
        pltpu.make_async_copy(nid_hbm.at[pl.ds(b16, IDX2)], ids_b[slot],
                              sem_i[slot]).wait()
        pltpu.make_async_copy(w_hbm.at[pl.ds(b16, IDX2)], w_b[slot],
                              sem_i[slot]).wait()
        for j in range(N_STREAMS2):
            sl = pl.ds(j * STREAM, STREAM)
            pltpu.async_copy(
                ent_tab_hbm.at[ids_b[slot].at[sl]], rows_b[slot].at[sl],
                sem_r[slot])
            pltpu.async_copy(
                scale_hbm.at[ids_b[slot].at[sl]], sc_b[slot].at[sl],
                sem_s[slot])

    def drain_rows(slot):
        for j in range(N_STREAMS2):
            sl = pl.ds(j * STREAM, STREAM)
            pltpu.make_async_copy(
                ent_tab_hbm.at[ids_b[slot].at[sl]], rows_b[slot].at[sl],
                sem_r[slot]).wait()
            pltpu.make_async_copy(
                scale_hbm.at[ids_b[slot].at[sl]], sc_b[slot].at[sl],
                sem_s[slot]).wait()

    def finish_rest(t, slot):
        base = base_of(t)

        @pl.when(t >= 2)
        def _():
            pltpu.make_async_copy(
                agg_b[slot], out_agg.at[pl.ds(base, CHUNK2)],
                sem_w[slot]).wait()

        w_v, sc_v, rows_v, agg_v = (w_b[slot], sc_b[slot], rows_b[slot],
                                    agg_b[slot])

        def elem_body(c, _):
            sl16 = pl.ds(pl.multiple_of(c * 16, 16), 16)
            wv = w_v[sl16] * sc_v[sl16]
            for g in range(E_DIM // 16):
                terms = [wv[k] * rows_v[c * 16 + k, pl.ds(g * 16, 16)]
                         for k in range(N_NEIGHBORS)]
                while len(terms) > 1:
                    terms = [terms[i] + terms[i + 1]
                             for i in range(0, len(terms), 2)]
                agg_v[c, pl.ds(g * 16, 16)] = terms[0]
            return 0

        lax.fori_loop(0, CHUNK2, elem_body, 0)
        pltpu.async_copy(agg_v, out_agg.at[pl.ds(base, CHUNK2)], sem_w[slot])

    fire_ids(0, 0)
    fire_rows(0, 0)
    fire_ids(1, 1)

    def pair_body(i, carry):
        t0 = 2 * i
        t1 = t0 + 1
        fire_rows(t1, 1)
        drain_rows(0)
        finish_rest(t0, 0)

        @pl.when(t0 + 2 < N_CHUNKS2)
        def _():
            fire_ids(t0 + 2, 0)

        drain_rows(1)
        finish_rest(t1, 1)

        @pl.when(t0 + 3 < N_CHUNKS2)
        def _():
            fire_ids(t0 + 3, 1)

        @pl.when(t0 + 2 < N_CHUNKS2)
        def _():
            fire_rows(t0 + 2, 0)

        return carry

    lax.fori_loop(0, N_CHUNKS2 // 2, pair_body, 0)

    for slot, t in ((0, N_CHUNKS2 - 2), (1, N_CHUNKS2 - 1)):
        pltpu.make_async_copy(
            agg_b[slot], out_agg.at[pl.ds(base_of(t), CHUNK2)],
            sem_w[slot]).wait()


def _sc2_reduce(nbr_ids_flat, w_flat, entity_table, scales):
    mesh = plsc.VectorSubcoreMesh(core_axis_name="c", subcore_axis_name="s")
    f = functools.partial(
        pl.kernel,
        out_type=jax.ShapeDtypeStruct((B, E_DIM), jnp.float32),
        mesh=mesh,
        compiler_params=pltpu.CompilerParams(use_tc_tiling_on_sc=False),
        scratch_types=(
            pltpu.VMEM((IDX2,), jnp.int32),
            pltpu.VMEM((IDX2,), jnp.int32),
            pltpu.VMEM((IDX2,), jnp.float32),
            pltpu.VMEM((IDX2,), jnp.float32),
            pltpu.VMEM((IDX2,), jnp.float32),
            pltpu.VMEM((IDX2,), jnp.float32),
            pltpu.VMEM((IDX2, E_DIM), jnp.float32),
            pltpu.VMEM((IDX2, E_DIM), jnp.float32),
            pltpu.VMEM((CHUNK2, E_DIM), jnp.float32),
            pltpu.VMEM((CHUNK2, E_DIM), jnp.float32),
            pltpu.SemaphoreType.DMA,
            pltpu.SemaphoreType.DMA,
            pltpu.SemaphoreType.DMA,
            pltpu.SemaphoreType.DMA,
            pltpu.SemaphoreType.DMA,
            pltpu.SemaphoreType.DMA,
            pltpu.SemaphoreType.DMA,
            pltpu.SemaphoreType.DMA,
        ),
    )(_sc2_body)
    return f(nbr_ids_flat, w_flat, entity_table, scales)


def _final_body(e0_ref, agg_ref, w_ref, b_ref, o_ref):
    out = (e0_ref[...] + agg_ref[...]) @ w_ref[...] + b_ref[...]
    o_ref[...] = jnp.tanh(out)


def _tc_final(e0_n, agg, W_agg, b2):
    bt = 1024
    grid = B // bt
    return pl.pallas_call(
        _final_body,
        grid=(grid,),
        in_specs=[
            pl.BlockSpec((bt, E_DIM), lambda i: (i, 0)),
            pl.BlockSpec((bt, E_DIM), lambda i: (i, 0)),
            pl.BlockSpec((E_DIM, E_DIM), lambda i: (0, 0)),
            pl.BlockSpec((1, E_DIM), lambda i: (0, 0)),
        ],
        out_specs=pl.BlockSpec((bt, E_DIM), lambda i: (i, 0)),
        out_shape=jax.ShapeDtypeStruct((B, E_DIM), jnp.float32),
    )(e0_n, agg, W_agg, b2)


def kernel(users, items, adj_entity, adj_relation, user_table, entity_table,
           relation_table, W_agg, b_agg):
    users_i = users.astype(jnp.int32)
    items_i = items.astype(jnp.int32)
    adj_e = adj_entity.astype(jnp.int32)
    adj_r = adj_relation.astype(jnp.int32)

    scales = _row_scales(entity_table).reshape(-1)
    rows_u, rows_e0, nbr_ids_flat, rel2 = _sc1_gather(
        users_i, items_i, adj_e, adj_r, user_table, entity_table)
    u_n, e0_n, w = _tc_weights(rows_u, rows_e0, rel2, relation_table)
    agg = _sc2_reduce(nbr_ids_flat, w.reshape(-1), entity_table, scales)
    item_out = _tc_final(e0_n, agg, W_agg, b_agg.reshape(1, E_DIM))
    return u_n.reshape(B, 1, E_DIM), item_out

# --- scband reference (transcript-rebuilt; emitter-appended) ---
"""Pipeline reference for scband-kgcn-75694503625257 (READ-ONLY COPY).

The authoritative reference and input builder live on the scoring server;
editing this copy changes nothing except your own understanding.
"""

import jax, jax.numpy as jnp
import numpy as np

E_DIM = 64
N_NEIGHBORS = 16

def _lookup_maxnorm(table, idx):
    # emulates nn.Embedding(max_norm=1): rows with norm > 1 are renormalized at lookup
    v = jnp.take(table, idx, axis=0)
    n = jnp.linalg.norm(v, axis=-1, keepdims=True)
    return v * jnp.minimum(1.0, 1.0 / jnp.maximum(n, 1e-7))

def setup_inputs(seed: int = 0):
    key = jax.random.key(seed)
    ks = jax.random.split(key, 9)
    B = 16384
    n_users = 50000
    n_entitys = 50000
    n_relations = 32
    users = jax.random.randint(ks[0], (B,), 0, n_users, dtype=jnp.int64) if jax.config.jax_enable_x64 else jax.random.randint(ks[0], (B,), 0, n_users)
    items = jax.random.randint(ks[1], (B,), 0, n_entitys)
    adj_entity = jax.random.randint(ks[2], (n_entitys, N_NEIGHBORS), 0, n_entitys)
    adj_relation = jax.random.randint(ks[3], (n_entitys, N_NEIGHBORS), 0, n_relations)
    user_table = jax.random.normal(ks[4], (n_users, E_DIM), dtype=jnp.float32)
    entity_table = jax.random.normal(ks[5], (n_entitys, E_DIM), dtype=jnp.float32)
    relation_table = jax.random.normal(ks[6], (n_relations, E_DIM), dtype=jnp.float32)
    W_agg = jax.random.normal(ks[7], (E_DIM, E_DIM), dtype=jnp.float32) * (1.0 / np.sqrt(E_DIM))
    b_agg = jnp.zeros((E_DIM,), dtype=jnp.float32)
    return {"users": users, "items": items, "adj_entity": adj_entity, "adj_relation": adj_relation,
            "user_table": user_table, "entity_table": entity_table, "relation_table": relation_table,
            "W_agg": W_agg, "b_agg": b_agg}

def reference(users, items, adj_entity, adj_relation, user_table, entity_table, relation_table, W_agg, b_agg):
    B = items.shape[0]
    users2 = users.reshape(B, 1)
    items2 = items.reshape(B, 1)
    user_embeddings = _lookup_maxnorm(user_table, users2)  # (B,1,D)
    # get_neighbors, n_iter = 1
    neighbor_ent_ids = jnp.take(adj_entity, items2.reshape(-1), axis=0).reshape(B, -1)    # (B,16)
    neighbor_rel_ids = jnp.take(adj_relation, items2.reshape(-1), axis=0).reshape(B, -1)  # (B,16)
    entity_vec0 = _lookup_maxnorm(entity_table, items2)[None]            # (1,B,1,D)
    entity_vec1 = _lookup_maxnorm(entity_table, neighbor_ent_ids)[None]  # (1,B,16,D)
    relation_vec0 = _lookup_maxnorm(relation_table, neighbor_rel_ids)[None]  # (1,B,16,D)
    # aggregator (method='sum'), last iter -> act = tanh
    neighbor_vectors = entity_vec1.reshape(B, -1, N_NEIGHBORS, E_DIM)
    neighbor_relations = relation_vec0.reshape(B, -1, N_NEIGHBORS, E_DIM)
    u = user_embeddings.reshape(B, 1, 1, E_DIM)
    user_relation_scores = jnp.sum(u * neighbor_relations, axis=-1)       # (B,1,16)
    user_relation_scores = jax.nn.softmax(user_relation_scores, axis=-1)[..., None]
    neighbors_agg = jnp.sum(user_relation_scores * neighbor_vectors, axis=2)  # (B,1,D)
    output = entity_vec0.reshape(-1, E_DIM) + neighbors_agg.reshape(-1, E_DIM)
    output = output @ W_agg + b_agg
    output = jnp.tanh(output).reshape(B, -1, E_DIM)
    out_item_embeddings = output.reshape(B, E_DIM)
    return (user_embeddings, out_item_embeddings)

if __name__ == "__main__":
    import jax
    _d = setup_inputs()
    print(jax.jit(kernel)(*tuple(_d.values())))

</pallas_src>

<mosaic_0001>
#map = affine_map<(d0, d1) -> (0)>
#map1 = affine_map<(d0, d1) -> (0, 0)>
module attributes {stable_mosaic.version = 14 : i64} {
  func.func @_sc2_body(%arg0: i32, %arg1: i32, %arg2: memref<262144xi32, #tpu.memory_space<hbm>>, %arg3: memref<262144xf32, #tpu.memory_space<hbm>>, %arg4: memref<50000x64xf32, #tpu.memory_space<hbm>>, %arg5: memref<50000xf32, #tpu.memory_space<hbm>>, %arg6: memref<16384x64xf32, #tpu.memory_space<hbm>>, %arg7: memref<512xi32, #tpu.memory_space<vmem>>, %arg8: memref<512xi32, #tpu.memory_space<vmem>>, %arg9: memref<512xf32, #tpu.memory_space<vmem>>, %arg10: memref<512xf32, #tpu.memory_space<vmem>>, %arg11: memref<512xf32, #tpu.memory_space<vmem>>, %arg12: memref<512xf32, #tpu.memory_space<vmem>>, %arg13: memref<512x64xf32, #tpu.memory_space<vmem>>, %arg14: memref<512x64xf32, #tpu.memory_space<vmem>>, %arg15: memref<32x64xf32, #tpu.memory_space<vmem>>, %arg16: memref<32x64xf32, #tpu.memory_space<vmem>>, %arg17: memref<!tpu.dma_semaphore, #tpu.memory_space<semaphore_mem>>, %arg18: memref<!tpu.dma_semaphore, #tpu.memory_space<semaphore_mem>>, %arg19: memref<!tpu.dma_semaphore, #tpu.memory_space<semaphore_mem>>, %arg20: memref<!tpu.dma_semaphore, #tpu.memory_space<semaphore_mem>>, %arg21: memref<!tpu.dma_semaphore, #tpu.memory_space<semaphore_mem>>, %arg22: memref<!tpu.dma_semaphore, #tpu.memory_space<semaphore_mem>>, %arg23: memref<!tpu.dma_semaphore, #tpu.memory_space<semaphore_mem>>, %arg24: memref<!tpu.dma_semaphore, #tpu.memory_space<semaphore_mem>>) attributes {dimension_semantics = [#tpu.dimension_semantics<core_parallel>, #tpu.dimension_semantics<subcore_parallel>], iteration_bounds = array<i64: 2, 16>, scalar_prefetch = 0 : i64, scratch_operands = 18 : i64, tpu.core_type = #tpu.core_type<sc_vector_subcore>, window_params = [{transform_indices = #map}, {transform_indices = #map}, {transform_indices = #map1}, {transform_indices = #map}, {transform_indices = #map1}]} {
    %mul3A = arith.constant 2 : i32
    %mul3A_0 = arith.muli %arg1, %mul3A : i32
    %add3A = arith.addi %mul3A_0, %arg0 : i32
    %mul3A_1 = arith.constant 512 : i32
    %mul3A_2 = arith.muli %add3A, %mul3A_1 : i32
    %add3A_3 = arith.constant 0 : i32
    %add3A_4 = arith.addi %mul3A_2, %add3A_3 : i32
    %mul3A_5 = arith.constant 16 : i32
    %mul3A_6 = arith.muli %add3A_4, %mul3A_5 : i32
    %dma_start3A = tpu.memref_slice %arg2[%mul3A_6] : memref<262144xi32, #tpu.memory_space<hbm>> -> memref<512xi32, #tpu.memory_space<hbm>>
    %dma_start3A_7 = tpu.memref_slice %arg2[%mul3A_6] : memref<262144xi32, #tpu.memory_space<hbm>> -> memref<512xi32, #tpu.memory_space<hbm>>
    tpu.enqueue_dma source(%dma_start3A_7 : memref<512xi32, #tpu.memory_space<hbm>>) target(%arg7 : memref<512xi32, #tpu.memory_space<vmem>>) target_semaphore(%arg17 : memref<!tpu.dma_semaphore, #tpu.memory_space<semaphore_mem>>)
    %dma_start3A_8 = tpu.memref_slice %arg3[%mul3A_6] : memref<262144xf32, #tpu.memory_space<hbm>> -> memref<512xf32, #tpu.memory_space<hbm>>
    %dma_start3A_9 = tpu.memref_slice %arg3[%mul3A_6] : memref<262144xf32, #tpu.memory_space<hbm>> -> memref<512xf32, #tpu.memory_space<hbm>>
    tpu.enqueue_dma source(%dma_start3A_9 : memref<512xf32, #tpu.memory_space<hbm>>) target(%arg9 : memref<512xf32, #tpu.memory_space<vmem>>) target_semaphore(%arg17 : memref<!tpu.dma_semaphore, #tpu.memory_space<semaphore_mem>>)
    %mul3A_10 = arith.constant 512 : i32
    %mul3A_11 = arith.muli %add3A, %mul3A_10 : i32
    %add3A_12 = arith.constant 0 : i32
    %add3A_13 = arith.addi %mul3A_11, %add3A_12 : i32
    %mul3A_14 = arith.constant 16 : i32
    %mul3A_15 = arith.muli %add3A_13, %mul3A_14 : i32
    %dma_wait3A = tpu.memref_slice %arg2[%mul3A_15] : memref<262144xi32, #tpu.memory_space<hbm>> -> memref<512xi32, #tpu.memory_space<hbm>>
    %dma_wait3A_16 = tpu.memref_slice %arg2[%mul3A_15] : memref<262144xi32, #tpu.memory_space<hbm>> -> memref<512xi32, #tpu.memory_space<hbm>>
    tpu.wait_dma2 semaphore(%arg17 : memref<!tpu.dma_semaphore, #tpu.memory_space<semaphore_mem>>) src(%dma_wait3A_16 : memref<512xi32, #tpu.memory_space<hbm>>) dst(%arg7 : memref<512xi32, #tpu.memory_space<vmem>>)
    %dma_wait3A_17 = tpu.memref_slice %arg3[%mul3A_15] : memref<262144xf32, #tpu.memory_space<hbm>> -> memref<512xf32, #tpu.memory_space<hbm>>
    %dma_wait3A_18 = tpu.memref_slice %arg3[%mul3A_15] : memref<262144xf32, #tpu.memory_space<hbm>> -> memref<512xf32, #tpu.memory_space<hbm>>
    tpu.wait_dma2 semaphore(%arg17 : memref<!tpu.dma_semaphore, #tpu.memory_space<semaphore_mem>>) src(%dma_wait3A_18 : memref<512xf32, #tpu.memory_space<hbm>>) dst(%arg9 : memref<512xf32, #tpu.memory_space<vmem>>)
    %dma_start3A_19 = arith.constant 0 : i32
    %dma_start3A_20 = arith.constant 0 : i32
    %dma_start3A_21 = tpu.memref_slice %arg13[%dma_start3A_19, %dma_start3A_20] : memref<512x64xf32, #tpu.memory_space<vmem>> -> memref<128x64xf32, #tpu.memory_space<vmem>>
    %dma_start3A_22 = arith.constant 0 : i32
    %dma_start3A_23 = tpu.memref_slice %arg7[%dma_start3A_22] : memref<512xi32, #tpu.memory_space<vmem>> -> memref<128xi32, #tpu.memory_space<vmem>>
    %dma_start3A_24 = arith.constant 0 : i32
    %dma_start3A_25 = arith.constant 0 : i32
    %dma_start3A_26 = tpu.memref_slice %arg4[%dma_start3A_24, %dma_start3A_25] : memref<50000x64xf32, #tpu.memory_space<hbm>> -> memref<50000x64xf32, #tpu.memory_space<hbm>>
    tpu.enqueue_indirect_dma source(%dma_start3A_26 : memref<50000x64xf32, #tpu.memory_space<hbm>>) target(%dma_start3A_21 : memref<128x64xf32, #tpu.memory_space<vmem>>) offsets(%dma_start3A_23 : memref<128xi32, #tpu.memory_space<vmem>>) semaphore(%arg19 : memref<!tpu.dma_semaphore, #tpu.memory_space<semaphore_mem>>)
    %dma_start3A_27 = arith.constant 0 : i32
    %dma_start3A_28 = tpu.memref_slice %arg11[%dma_start3A_27] : memref<512xf32, #tpu.memory_space<vmem>> -> memref<128xf32, #tpu.memory_space<vmem>>
    %dma_start3A_29 = arith.constant 0 : i32
    %dma_start3A_30 = tpu.memref_slice %arg7[%dma_start3A_29] : memref<512xi32, #tpu.memory_space<vmem>> -> memref<128xi32, #tpu.memory_space<vmem>>
    %dma_start3A_31 = arith.constant 0 : i32
    %dma_start3A_32 = tpu.memref_slice %arg5[%dma_start3A_31] : memref<50000xf32, #tpu.memory_space<hbm>> -> memref<50000xf32, #tpu.memory_space<hbm>>
    tpu.enqueue_indirect_dma source(%dma_start3A_32 : memref<50000xf32, #tpu.memory_space<hbm>>) target(%dma_start3A_28 : memref<128xf32, #tpu.memory_space<vmem>>) offsets(%dma_start3A_30 : memref<128xi32, #tpu.memory_space<vmem>>) semaphore(%arg21 : memref<!tpu.dma_semaphore, #tpu.memory_space<semaphore_mem>>)
    %dma_start3A_33 = arith.constant 128 : i32
    %dma_start3A_34 = arith.constant 0 : i32
    %dma_start3A_35 = tpu.memref_slice %arg13[%dma_start3A_33, %dma_start3A_34] : memref<512x64xf32, #tpu.memory_space<vmem>> -> memref<128x64xf32, #tpu.memory_space<vmem>>
    %dma_start3A_36 = arith.constant 128 : i32
    %dma_start3A_37 = tpu.memref_slice %arg7[%dma_start3A_36] : memref<512xi32, #tpu.memory_space<vmem>> -> memref<128xi32, #tpu.memory_space<vmem>>
    %dma_start3A_38 = arith.constant 0 : i32
    %dma_start3A_39 = arith.constant 0 : i32
    %dma_start3A_40 = tpu.memref_slice %arg4[%dma_start3A_38, %dma_start3A_39] : memref<50000x64xf32, #tpu.memory_space<hbm>> -> memref<50000x64xf32, #tpu.memory_space<hbm>>
    tpu.enqueue_indirect_dma source(%dma_start3A_40 : memref<50000x64xf32, #tpu.memory_space<hbm>>) target(%dma_start3A_35 : memref<128x64xf32, #tpu.memory_space<vmem>>) offsets(%dma_start3A_37 : memref<128xi32, #tpu.memory_space<vmem>>) semaphore(%arg19 : memref<!tpu.dma_semaphore, #tpu.memory_space<semaphore_mem>>)
    %dma_start3A_41 = arith.constant 128 : i32
    %dma_start3A_42 = tpu.memref_slice %arg11[%dma_start3A_41] : memref<512xf32, #tpu.memory_space<vmem>> -> memref<128xf32, #tpu.memory_space<vmem>>
    %dma_start3A_43 = arith.constant 128 : i32
    %dma_start3A_44 = tpu.memref_slice %arg7[%dma_start3A_43] : memref<512xi32, #tpu.memory_space<vmem>> -> memref<128xi32, #tpu.memory_space<vmem>>
    %dma_start3A_45 = arith.constant 0 : i32
    %dma_start3A_46 = tpu.memref_slice %arg5[%dma_start3A_45] : memref<50000xf32, #tpu.memory_space<hbm>> -> memref<50000xf32, #tpu.memory_space<hbm>>
    tpu.enqueue_indirect_dma source(%dma_start3A_46 : memref<50000xf32, #tpu.memory_space<hbm>>) target(%dma_start3A_42 : memref<128xf32, #tpu.memory_space<vmem>>) offsets(%dma_start3A_44 : memref<128xi32, #tpu.memory_space<vmem>>) semaphore(%arg21 : memref<!tpu.dma_semaphore, #tpu.memory_space<semaphore_mem>>)
    %dma_start3A_47 = arith.constant 256 : i32
    %dma_start3A_48 = arith.constant 0 : i32
    %dma_start3A_49 = tpu.memref_slice %arg13[%dma_start3A_47, %dma_start3A_48] : memref<512x64xf32, #tpu.memory_space<vmem>> -> memref<128x64xf32, #tpu.memory_space<vmem>>
    %dma_start3A_50 = arith.constant 256 : i32
    %dma_start3A_51 = tpu.memref_slice %arg7[%dma_start3A_50] : memref<512xi32, #tpu.memory_space<vmem>> -> memref<128xi32, #tpu.memory_space<vmem>>
    %dma_start3A_52 = arith.constant 0 : i32
    %dma_start3A_53 = arith.constant 0 : i32
    %dma_start3A_54 = tpu.memref_slice %arg4[%dma_start3A_52, %dma_start3A_53] : memref<50000x64xf32, #tpu.memory_space<hbm>> -> memref<50000x64xf32, #tpu.memory_space<hbm>>
    tpu.enqueue_indirect_dma source(%dma_start3A_54 : memref<50000x64xf32, #tpu.memory_space<hbm>>) target(%dma_start3A_49 : memref<128x64xf32, #tpu.memory_space<vmem>>) offsets(%dma_start3A_51 : memref<128xi32, #tpu.memory_space<vmem>>) semaphore(%arg19 : memref<!tpu.dma_semaphore, #tpu.memory_space<semaphore_mem>>)
    %dma_start3A_55 = arith.constant 256 : i32
    %dma_start3A_56 = tpu.memref_slice %arg11[%dma_start3A_55] : memref<512xf32, #tpu.memory_space<vmem>> -> memref<128xf32, #tpu.memory_space<vmem>>
    %dma_start3A_57 = arith.constant 256 : i32
    %dma_start3A_58 = tpu.memref_slice %arg7[%dma_start3A_57] : memref<512xi32, #tpu.memory_space<vmem>> -> memref<128xi32, #tpu.memory_space<vmem>>
    %dma_start3A_59 = arith.constant 0 : i32
    %dma_start3A_60 = tpu.memref_slice %arg5[%dma_start3A_59] : memref<50000xf32, #tpu.memory_space<hbm>> -> memref<50000xf32, #tpu.memory_space<hbm>>
    tpu.enqueue_indirect_dma source(%dma_start3A_60 : memref<50000xf32, #tpu.memory_space<hbm>>) target(%dma_start3A_56 : memref<128xf32, #tpu.memory_space<vmem>>) offsets(%dma_start3A_58 : memref<128xi32, #tpu.memory_space<vmem>>) semaphore(%arg21 : memref<!tpu.dma_semaphore, #tpu.memory_space<semaphore_mem>>)
    %dma_start3A_61 = arith.constant 384 : i32
    %dma_start3A_62 = arith.constant 0 : i32
    %dma_start3A_63 = tpu.memref_slice %arg13[%dma_start3A_61, %dma_start3A_62] : memref<512x64xf32, #tpu.memory_space<vmem>> -> memref<128x64xf32, #tpu.memory_space<vmem>>
    %dma_start3A_64 = arith.constant 384 : i32
    %dma_start3A_65 = tpu.memref_slice %arg7[%dma_start3A_64] : memref<512xi32, #tpu.memory_space<vmem>> -> memref<128xi32, #tpu.memory_space<vmem>>
    %dma_start3A_66 = arith.constant 0 : i32
    %dma_start3A_67 = arith.constant 0 : i32
    %dma_start3A_68 = tpu.memref_slice %arg4[%dma_start3A_66, %dma_start3A_67] : memref<50000x64xf32, #tpu.memory_space<hbm>> -> memref<50000x64xf32, #tpu.memory_space<hbm>>
    tpu.enqueue_indirect_dma source(%dma_start3A_68 : memref<50000x64xf32, #tpu.memory_space<hbm>>) target(%dma_start3A_63 : memref<128x64xf32, #tpu.memory_space<vmem>>) offsets(%dma_start3A_65 : memref<128xi32, #tpu.memory_space<vmem>>) semaphore(%arg19 : memref<!tpu.dma_semaphore, #tpu.memory_space<semaphore_mem>>)
    %dma_start3A_69 = arith.constant 384 : i32
    %dma_start3A_70 = tpu.memref_slice %arg11[%dma_start3A_69] : memref<512xf32, #tpu.memory_space<vmem>> -> memref<128xf32, #tpu.memory_space<vmem>>
    %dma_start3A_71 = arith.constant 384 : i32
    %dma_start3A_72 = tpu.memref_slice %arg7[%dma_start3A_71] : memref<512xi32, #tpu.memory_space<vmem>> -> memref<128xi32, #tpu.memory_space<vmem>>
    %dma_start3A_73 = arith.constant 0 : i32
    %dma_start3A_74 = tpu.memref_slice %arg5[%dma_start3A_73] : memref<50000xf32, #tpu.memory_space<hbm>> -> memref<50000xf32, #tpu.memory_space<hbm>>
    tpu.enqueue_indirect_dma source(%dma_start3A_74 : memref<50000xf32, #tpu.memory_space<hbm>>) target(%dma_start3A_70 : memref<128xf32, #tpu.memory_space<vmem>>) offsets(%dma_start3A_72 : memref<128xi32, #tpu.memory_space<vmem>>) semaphore(%arg21 : memref<!tpu.dma_semaphore, #tpu.memory_space<semaphore_mem>>)
    %mul3A_75 = arith.constant 512 : i32
    %mul3A_76 = arith.muli %add3A, %mul3A_75 : i32
    %add3A_77 = arith.constant 32 : i32
    %add3A_78 = arith.addi %mul3A_76, %add3A_77 : i32
    %mul3A_79 = arith.constant 16 : i32
    %mul3A_80 = arith.muli %add3A_78, %mul3A_79 : i32
    %dma_start3A_81 = tpu.memref_slice %arg2[%mul3A_80] : memref<262144xi32, #tpu.memory_space<hbm>> -> memref<512xi32, #tpu.memory_space<hbm>>
    %dma_start3A_82 = tpu.memref_slice %arg2[%mul3A_80] : memref<262144xi32, #tpu.memory_space<hbm>> -> memref<512xi32, #tpu.memory_space<hbm>>
    tpu.enqueue_dma source(%dma_start3A_82 : memref<512xi32, #tpu.memory_space<hbm>>) target(%arg8 : memref<512xi32, #tpu.memory_space<vmem>>) target_semaphore(%arg18 : memref<!tpu.dma_semaphore, #tpu.memory_space<semaphore_mem>>)
    %dma_start3A_83 = tpu.memref_slice %arg3[%mul3A_80] : memref<262144xf32, #tpu.memory_space<hbm>> -> memref<512xf32, #tpu.memory_space<hbm>>
    %dma_start3A_84 = tpu.memref_slice %arg3[%mul3A_80] : memref<262144xf32, #tpu.memory_space<hbm>> -> memref<512xf32, #tpu.memory_space<hbm>>
    tpu.enqueue_dma source(%dma_start3A_84 : memref<512xf32, #tpu.memory_space<hbm>>) target(%arg10 : memref<512xf32, #tpu.memory_space<vmem>>) target_semaphore(%arg18 : memref<!tpu.dma_semaphore, #tpu.memory_space<semaphore_mem>>)
    %scan3A = arith.constant 0 : i32
    %scan3A_85 = arith.constant 0 : i32
    %scan3A_86 = arith.constant 8 : i32
    %scan3A_87 = arith.addi %scan3A_85, %scan3A_86 : i32
    %scan3A_88 = arith.constant 1 : i32
    scf.for %scan3A_106 = %scan3A_85 to %scan3A_87 step %scan3A_88  : i32 {
      %mul3A_107 = arith.constant 2 : i32
      %mul3A_108 = arith.muli %mul3A_107, %scan3A_106 : i32
      %add3A_109 = arith.constant 1 : i32
      %add3A_110 = arith.addi %mul3A_108, %add3A_109 : i32
      %mul3A_111 = arith.constant 512 : i32
      %mul3A_112 = arith.muli %add3A, %mul3A_111 : i32
      %mul3A_113 = arith.constant 32 : i32
      %mul3A_114 = arith.muli %add3A_110, %mul3A_113 : i32
      %add3A_115 = arith.addi %mul3A_112, %mul3A_114 : i32
      %mul3A_116 = arith.constant 16 : i32
      %mul3A_117 = arith.muli %add3A_115, %mul3A_116 : i32
      %dma_wait3A_118 = tpu.memref_slice %arg2[%mul3A_117] : memref<262144xi32, #tpu.memory_space<hbm>> -> memref<512xi32, #tpu.memory_space<hbm>>
      %dma_wait3A_119 = tpu.memref_slice %arg2[%mul3A_117] : memref<262144xi32, #tpu.memory_space<hbm>> -> memref<512xi32, #tpu.memory_space<hbm>>
      tpu.wait_dma2 semaphore(%arg18 : memref<!tpu.dma_semaphore, #tpu.memory_space<semaphore_mem>>) src(%dma_wait3A_119 : memref<512xi32, #tpu.memory_space<hbm>>) dst(%arg8 : memref<512xi32, #tpu.memory_space<vmem>>)
      %dma_wait3A_120 = tpu.memref_slice %arg3[%mul3A_117] : memref<262144xf32, #tpu.memory_space<hbm>> -> memref<512xf32, #tpu.memory_space<hbm>>
      %dma_wait3A_121 = tpu.memref_slice %arg3[%mul3A_117] : memref<262144xf32, #tpu.memory_space<hbm>> -> memref<512xf32, #tpu.memory_space<hbm>>
      tpu.wait_dma2 semaphore(%arg18 : memref<!tpu.dma_semaphore, #tpu.memory_space<semaphore_mem>>) src(%dma_wait3A_121 : memref<512xf32, #tpu.memory_space<hbm>>) dst(%arg10 : memref<512xf32, #tpu.memory_space<vmem>>)
      %dma_start3A_122 = arith.constant 0 : i32
      %dma_start3A_123 = arith.constant 0 : i32
      %dma_start3A_124 = tpu.memref_slice %arg14[%dma_start3A_122, %dma_start3A_123] : memref<512x64xf32, #tpu.memory_space<vmem>> -> memref<128x64xf32, #tpu.memory_space<vmem>>
      %dma_start3A_125 = arith.constant 0 : i32
      %dma_start3A_126 = tpu.memref_slice %arg8[%dma_start3A_125] : memref<512xi32, #tpu.memory_space<vmem>> -> memref<128xi32, #tpu.memory_space<vmem>>
      %dma_start3A_127 = arith.constant 0 : i32
      %dma_start3A_128 = arith.constant 0 : i32
      %dma_start3A_129 = tpu.memref_slice %arg4[%dma_start3A_127, %dma_start3A_128] : memref<50000x64xf32, #tpu.memory_space<hbm>> -> memref<50000x64xf32, #tpu.memory_space<hbm>>
      tpu.enqueue_indirect_dma source(%dma_start3A_129 : memref<50000x64xf32, #tpu.memory_space<hbm>>) target(%dma_start3A_124 : memref<128x64xf32, #tpu.memory_space<vmem>>) offsets(%dma_start3A_126 : memref<128xi32, #tpu.memory_space<vmem>>) semaphore(%arg20 : memref<!tpu.dma_semaphore, #tpu.memory_space<semaphore_mem>>)
      %dma_start3A_130 = arith.constant 0 : i32
      %dma_start3A_131 = tpu.memref_slice %arg12[%dma_start3A_130] : memref<512xf32, #tpu.memory_space<vmem>> -> memref<128xf32, #tpu.memory_space<vmem>>
      %dma_start3A_132 = arith.constant 0 : i32
      %dma_start3A_133 = tpu.memref_slice %arg8[%dma_start3A_132] : memref<512xi32, #tpu.memory_space<vmem>> -> memref<128xi32, #tpu.memory_space<vmem>>
      %dma_start3A_134 = arith.constant 0 : i32
      %dma_start3A_135 = tpu.memref_slice %arg5[%dma_start3A_134] : memref<50000xf32, #tpu.memory_space<hbm>> -> memref<50000xf32, #tpu.memory_space<hbm>>
      tpu.enqueue_indirect_dma source(%dma_start3A_135 : memref<50000xf32, #tpu.memory_space<hbm>>) target(%dma_start3A_131 : memref<128xf32, #tpu.memory_space<vmem>>) offsets(%dma_start3A_133 : memref<128xi32, #tpu.memory_space<vmem>>) semaphore(%arg22 : memref<!tpu.dma_semaphore, #tpu.memory_space<semaphore_mem>>)
      %dma_start3A_136 = arith.constant 128 : i32
      %dma_start3A_137 = arith.constant 0 : i32
      %dma_start3A_138 = tpu.memref_slice %arg14[%dma_start3A_136, %dma_start3A_137] : memref<512x64xf32, #tpu.memory_space<vmem>> -> memref<128x64xf32, #tpu.memory_space<vmem>>
      %dma_start3A_139 = arith.constant 128 : i32
      %dma_start3A_140 = tpu.memref_slice %arg8[%dma_start3A_139] : memref<512xi32, #tpu.memory_space<vmem>> -> memref<128xi32, #tpu.memory_space<vmem>>
      %dma_start3A_141 = arith.constant 0 : i32
      %dma_start3A_142 = arith.constant 0 : i32
      %dma_start3A_143 = tpu.memref_slice %arg4[%dma_start3A_141, %dma_start3A_142] : memref<50000x64xf32, #tpu.memory_space<hbm>> -> memref<50000x64xf32, #tpu.memory_space<hbm>>
      tpu.enqueue_indirect_dma source(%dma_start3A_143 : memref<50000x64xf32, #tpu.memory_space<hbm>>) target(%dma_start3A_138 : memref<128x64xf32, #tpu.memory_space<vmem>>) offsets(%dma_start3A_140 : memref<128xi32, #tpu.memory_space<vmem>>) semaphore(%arg20 : memref<!tpu.dma_semaphore, #tpu.memory_space<semaphore_mem>>)
      %dma_start3A_144 = arith.constant 128 : i32
      %dma_start3A_145 = tpu.memref_slice %arg12[%dma_start3A_144] : memref<512xf32, #tpu.memory_space<vmem>> -> memref<128xf32, #tpu.memory_space<vmem>>
      %dma_start3A_146 = arith.constant 128 : i32
      %dma_start3A_147 = tpu.memref_slice %arg8[%dma_start3A_146] : memref<512xi32, #tpu.memory_space<vmem>> -> memref<128xi32, #tpu.memory_space<vmem>>
      %dma_start3A_148 = arith.constant 0 : i32
      %dma_start3A_149 = tpu.memref_slice %arg5[%dma_start3A_148] : memref<50000xf32, #tpu.memory_space<hbm>> -> memref<50000xf32, #tpu.memory_space<hbm>>
      tpu.enqueue_indirect_dma source(%dma_start3A_149 : memref<50000xf32, #tpu.memory_space<hbm>>) target(%dma_start3A_145 : memref<128xf32, #tpu.memory_space<vmem>>) offsets(%dma_start3A_147 : memref<128xi32, #tpu.memory_space<vmem>>) semaphore(%arg22 : memref<!tpu.dma_semaphore, #tpu.memory_space<semaphore_mem>>)
      %dma_start3A_150 = arith.constant 256 : i32
      %dma_start3A_151 = arith.constant 0 : i32
      %dma_start3A_152 = tpu.memref_slice %arg14[%dma_start3A_150, %dma_start3A_151] : memref<512x64xf32, #tpu.memory_space<vmem>> -> memref<128x64xf32, #tpu.memory_space<vmem>>
      %dma_start3A_153 = arith.constant 256 : i32
      %dma_start3A_154 = tpu.memref_slice %arg8[%dma_start3A_153] : memref<512xi32, #tpu.memory_space<vmem>> -> memref<128xi32, #tpu.memory_space<vmem>>
      %dma_start3A_155 = arith.constant 0 : i32
      %dma_start3A_156 = arith.constant 0 : i32
      %dma_start3A_157 = tpu.memref_slice %arg4[%dma_start3A_155, %dma_start3A_156] : memref<50000x64xf32, #tpu.memory_space<hbm>> -> memref<50000x64xf32, #tpu.memory_space<hbm>>
      tpu.enqueue_indirect_dma source(%dma_start3A_157 : memref<50000x64xf32, #tpu.memory_space<hbm>>) target(%dma_start3A_152 : memref<128x64xf32, #tpu.memory_space<vmem>>) offsets(%dma_start3A_154 : memref<128xi32, #tpu.memory_space<vmem>>) semaphore(%arg20 : memref<!tpu.dma_semaphore, #tpu.memory_space<semaphore_mem>>)
      %dma_start3A_158 = arith.constant 256 : i32
      %dma_start3A_159 = tpu.memref_slice %arg12[%dma_start3A_158] : memref<512xf32, #tpu.memory_space<vmem>> -> memref<128xf32, #tpu.memory_space<vmem>>
      %dma_start3A_160 = arith.constant 256 : i32
      %dma_start3A_161 = tpu.memref_slice %arg8[%dma_start3A_160] : memref<512xi32, #tpu.memory_space<vmem>> -> memref<128xi32, #tpu.memory_space<vmem>>
      %dma_start3A_162 = arith.constant 0 : i32
      %dma_start3A_163 = tpu.memref_slice %arg5[%dma_start3A_162] : memref<50000xf32, #tpu.memory_space<hbm>> -> memref<50000xf32, #tpu.memory_space<hbm>>
      tpu.enqueue_indirect_dma source(%dma_start3A_163 : memref<50000xf32, #tpu.memory_space<hbm>>) target(%dma_start3A_159 : memref<128xf32, #tpu.memory_space<vmem>>) offsets(%dma_start3A_161 : memref<128xi32, #tpu.memory_space<vmem>>) semaphore(%arg22 : memref<!tpu.dma_semaphore, #tpu.memory_space<semaphore_mem>>)
      %dma_start3A_164 = arith.constant 384 : i32
      %dma_start3A_165 = arith.constant 0 : i32
      %dma_start3A_166 = tpu.memref_slice %arg14[%dma_start3A_164, %dma_start3A_165] : memref<512x64xf32, #tpu.memory_space<vmem>> -> memref<128x64xf32, #tpu.memory_space<vmem>>
      %dma_start3A_167 = arith.constant 384 : i32
      %dma_start3A_168 = tpu.memref_slice %arg8[%dma_start3A_167] : memref<512xi32, #tpu.memory_space<vmem>> -> memref<128xi32, #tpu.memory_space<vmem>>
      %dma_start3A_169 = arith.constant 0 : i32
      %dma_start3A_170 = arith.constant 0 : i32
      %dma_start3A_171 = tpu.memref_slice %arg4[%dma_start3A_169, %dma_start3A_170] : memref<50000x64xf32, #tpu.memory_space<hbm>> -> memref<50000x64xf32, #tpu.memory_space<hbm>>
      tpu.enqueue_indirect_dma source(%dma_start3A_171 : memref<50000x64xf32, #tpu.memory_space<hbm>>) target(%dma_start3A_166 : memref<128x64xf32, #tpu.memory_space<vmem>>) offsets(%dma_start3A_168 : memref<128xi32, #tpu.memory_space<vmem>>) semaphore(%arg20 : memref<!tpu.dma_semaphore, #tpu.memory_space<semaphore_mem>>)
      %dma_start3A_172 = arith.constant 384 : i32
      %dma_start3A_173 = tpu.memref_slice %arg12[%dma_start3A_172] : memref<512xf32, #tpu.memory_space<vmem>> -> memref<128xf32, #tpu.memory_space<vmem>>
      %dma_start3A_174 = arith.constant 384 : i32
      %dma_start3A_175 = tpu.memref_slice %arg8[%dma_start3A_174] : memref<512xi32, #tpu.memory_space<vmem>> -> memref<128xi32, #tpu.memory_space<vmem>>
      %dma_start3A_176 = arith.constant 0 : i32
      %dma_start3A_177 = tpu.memref_slice %arg5[%dma_start3A_176] : memref<50000xf32, #tpu.memory_space<hbm>> -> memref<50000xf32, #tpu.memory_space<hbm>>
      tpu.enqueue_indirect_dma source(%dma_start3A_177 : memref<50000xf32, #tpu.memory_space<hbm>>) target(%dma_start3A_173 : memref<128xf32, #tpu.memory_space<vmem>>) offsets(%dma_start3A_175 : memref<128xi32, #tpu.memory_space<vmem>>) semaphore(%arg22 : memref<!tpu.dma_semaphore, #tpu.memory_space<semaphore_mem>>)
      %dma_wait3A_178 = arith.constant 0 : i32
      %dma_wait3A_179 = arith.constant 0 : i32
      %dma_wait3A_180 = tpu.memref_slice %arg13[%dma_wait3A_178, %dma_wait3A_179] : memref<512x64xf32, #tpu.memory_space<vmem>> -> memref<128x64xf32, #tpu.memory_space<vmem>>
      %dma_wait3A_181 = arith.constant 0 : i32
      %dma_wait3A_182 = tpu.memref_slice %arg7[%dma_wait3A_181] : memref<512xi32, #tpu.memory_space<vmem>> -> memref<128xi32, #tpu.memory_space<vmem>>
      %dma_wait3A_183 = arith.constant 0 : i32
      %dma_wait3A_184 = arith.constant 0 : i32
      %dma_wait3A_185 = tpu.memref_slice %arg4[%dma_wait3A_183, %dma_wait3A_184] : memref<50000x64xf32, #tpu.memory_space<hbm>> -> memref<50000x64xf32, #tpu.memory_space<hbm>>
      tpu.wait_indirect_dma semaphore(%arg19 : memref<!tpu.dma_semaphore, #tpu.memory_space<semaphore_mem>>) src(%dma_wait3A_185 : memref<50000x64xf32, #tpu.memory_space<hbm>>) dst(%dma_wait3A_180 : memref<128x64xf32, #tpu.memory_space<vmem>>)
      %dma_wait3A_186 = arith.constant 0 : i32
      %dma_wait3A_187 = tpu.memref_slice %arg11[%dma_wait3A_186] : memref<512xf32, #tpu.memory_space<vmem>> -> memref<128xf32, #tpu.memory_space<vmem>>
      %dma_wait3A_188 = arith.constant 0 : i32
      %dma_wait3A_189 = tpu.memref_slice %arg7[%dma_wait3A_188] : memref<512xi32, #tpu.memory_space<vmem>> -> memref<128xi32, #tpu.memory_space<vmem>>
      %dma_wait3A_190 = arith.constant 0 : i32
      %dma_wait3A_191 = tpu.memref_slice %arg5[%dma_wait3A_190] : memref<50000xf32, #tpu.memory_space<hbm>> -> memref<50000xf32, #tpu.memory_space<hbm>>
      tpu.wait_indirect_dma semaphore(%arg21 : memref<!tpu.dma_semaphore, #tpu.memory_space<semaphore_mem>>) src(%dma_wait3A_191 : memref<50000xf32, #tpu.memory_space<hbm>>) dst(%dma_wait3A_187 : memref<128xf32, #tpu.memory_space<vmem>>)
      %dma_wait3A_192 = arith.constant 128 : i32
      %dma_wait3A_193 = arith.constant 0 : i32
      %dma_wait3A_194 = tpu.memref_slice %arg13[%dma_wait3A_192, %dma_wait3A_193] : memref<512x64xf32, #tpu.memory_space<vmem>> -> memref<128x64xf32, #tpu.memory_space<vmem>>
      %dma_wait3A_195 = arith.constant 128 : i32
      %dma_wait3A_196 = tpu.memref_slice %arg7[%dma_wait3A_195] : memref<512xi32, #tpu.memory_space<vmem>> -> memref<128xi32, #tpu.memory_space<vmem>>
      %dma_wait3A_197 = arith.constant 0 : i32
      %dma_wait3A_198 = arith.constant 0 : i32
      %dma_wait3A_199 = tpu.memref_slice %arg4[%dma_wait3A_197, %dma_wait3A_198] : memref<50000x64xf32, #tpu.memory_space<hbm>> -> memref<50000x64xf32, #tpu.memory_space<hbm>>
      tpu.wait_indirect_dma semaphore(%arg19 : memref<!tpu.dma_semaphore, #tpu.memory_space<semaphore_mem>>) src(%dma_wait3A_199 : memref<50000x64xf32, #tpu.memory_space<hbm>>) dst(%dma_wait3A_194 : memref<128x64xf32, #tpu.memory_space<vmem>>)
      %dma_wait3A_200 = arith.constant 128 : i32
      %dma_wait3A_201 = tpu.memref_slice %arg11[%dma_wait3A_200] : memref<512xf32, #tpu.memory_space<vmem>> -> memref<128xf32, #tpu.memory_space<vmem>>
      %dma_wait3A_202 = arith.constant 128 : i32
      %dma_wait3A_203 = tpu.memref_slice %arg7[%dma_wait3A_202] : memref<512xi32, #tpu.memory_space<vmem>> -> memref<128xi32, #tpu.memory_space<vmem>>
      %dma_wait3A_204 = arith.constant 0 : i32
      %dma_wait3A_205 = tpu.memref_slice %arg5[%dma_wait3A_204] : memref<50000xf32, #tpu.memory_space<hbm>> -> memref<50000xf32, #tpu.memory_space<hbm>>
      tpu.wait_indirect_dma semaphore(%arg21 : memref<!tpu.dma_semaphore, #tpu.memory_space<semaphore_mem>>) src(%dma_wait3A_205 : memref<50000xf32, #tpu.memory_space<hbm>>) dst(%dma_wait3A_201 : memref<128xf32, #tpu.memory_space<vmem>>)
      %dma_wait3A_206 = arith.constant 256 : i32
      %dma_wait3A_207 = arith.constant 0 : i32
      %dma_wait3A_208 = tpu.memref_slice %arg13[%dma_wait3A_206, %dma_wait3A_207] : memref<512x64xf32, #tpu.memory_space<vmem>> -> memref<128x64xf32, #tpu.memory_space<vmem>>
      %dma_wait3A_209 = arith.constant 256 : i32
      %dma_wait3A_210 = tpu.memref_slice %arg7[%dma_wait3A_209] : memref<512xi32, #tpu.memory_space<vmem>> -> memref<128xi32, #tpu.memory_space<vmem>>
      %dma_wait3A_211 = arith.constant 0 : i32
      %dma_wait3A_212 = arith.constant 0 : i32
      %dma_wait3A_213 = tpu.memref_slice %arg4[%dma_wait3A_211, %dma_wait3A_212] : memref<50000x64xf32, #tpu.memory_space<hbm>> -> memref<50000x64xf32, #tpu.memory_space<hbm>>
      tpu.wait_indirect_dma semaphore(%arg19 : memref<!tpu.dma_semaphore, #tpu.memory_space<semaphore_mem>>) src(%dma_wait3A_213 : memref<50000x64xf32, #tpu.memory_space<hbm>>) dst(%dma_wait3A_208 : memref<128x64xf32, #tpu.memory_space<vmem>>)
      %dma_wait3A_214 = arith.constant 256 : i32
      %dma_wait3A_215 = tpu.memref_slice %arg11[%dma_wait3A_214] : memref<512xf32, #tpu.memory_space<vmem>> -> memref<128xf32, #tpu.memory_space<vmem>>
      %dma_wait3A_216 = arith.constant 256 : i32
      %dma_wait3A_217 = tpu.memref_slice %arg7[%dma_wait3A_216] : memref<512xi32, #tpu.memory_space<vmem>> -> memref<128xi32, #tpu.memory_space<vmem>>
      %dma_wait3A_218 = arith.constant 0 : i32
      %dma_wait3A_219 = tpu.memref_slice %arg5[%dma_wait3A_218] : memref<50000xf32, #tpu.memory_space<hbm>> -> memref<50000xf32, #tpu.memory_space<hbm>>
      tpu.wait_indirect_dma semaphore(%arg21 : memref<!tpu.dma_semaphore, #tpu.memory_space<semaphore_mem>>) src(%dma_wait3A_219 : memref<50000xf32, #tpu.memory_space<hbm>>) dst(%dma_wait3A_215 : memref<128xf32, #tpu.memory_space<vmem>>)
      %dma_wait3A_220 = arith.constant 384 : i32
      %dma_wait3A_221 = arith.constant 0 : i32
      %dma_wait3A_222 = tpu.memref_slice %arg13[%dma_wait3A_220, %dma_wait3A_221] : memref<512x64xf32, #tpu.memory_space<vmem>> -> memref<128x64xf32, #tpu.memory_space<vmem>>
      %dma_wait3A_223 = arith.constant 384 : i32
      %dma_wait3A_224 = tpu.memref_slice %arg7[%dma_wait3A_223] : memref<512xi32, #tpu.memory_space<vmem>> -> memref<128xi32, #tpu.memory_space<vmem>>
      %dma_wait3A_225 = arith.constant 0 : i32
      %dma_wait3A_226 = arith.constant 0 : i32
      %dma_wait3A_227 = tpu.memref_slice %arg4[%dma_wait3A_225, %dma_wait3A_226] : memref<50000x64xf32, #tpu.memory_space<hbm>> -> memref<50000x64xf32, #tpu.memory_space<hbm>>
      tpu.wait_indirect_dma semaphore(%arg19 : memref<!tpu.dma_semaphore, #tpu.memory_space<semaphore_mem>>) src(%dma_wait3A_227 : memref<50000x64xf32, #tpu.memory_space<hbm>>) dst(%dma_wait3A_222 : memref<128x64xf32, #tpu.memory_space<vmem>>)
      %dma_wait3A_228 = arith.constant 384 : i32
      %dma_wait3A_229 = tpu.memref_slice %arg11[%dma_wait3A_228] : memref<512xf32, #tpu.memory_space<vmem>> -> memref<128xf32, #tpu.memory_space<vmem>>
      %dma_wait3A_230 = arith.constant 384 : i32
      %dma_wait3A_231 = tpu.memref_slice %arg7[%dma_wait3A_230] : memref<512xi32, #tpu.memory_space<vmem>> -> memref<128xi32, #tpu.memory_space<vmem>>
      %dma_wait3A_232 = arith.constant 0 : i32
      %dma_wait3A_233 = tpu.memref_slice %arg5[%dma_wait3A_232] : memref<50000xf32, #tpu.memory_space<hbm>> -> memref<50000xf32, #tpu.memory_space<hbm>>
      tpu.wait_indirect_dma semaphore(%arg21 : memref<!tpu.dma_semaphore, #tpu.memory_space<semaphore_mem>>) src(%dma_wait3A_233 : memref<50000xf32, #tpu.memory_space<hbm>>) dst(%dma_wait3A_229 : memref<128xf32, #tpu.memory_space<vmem>>)
      %mul3A_234 = arith.constant 512 : i32
      %mul3A_235 = arith.muli %add3A, %mul3A_234 : i32
      %mul3A_236 = arith.constant 32 : i32
      %mul3A_237 = arith.muli %mul3A_108, %mul3A_236 : i32
      %add3A_238 = arith.addi %mul3A_235, %mul3A_237 : i32
      %ge3A = arith.constant 2 : i32
      %ge3A_239 = arith.cmpi sge, %mul3A_108, %ge3A : i32
      %convert_element_type3A = arith.extui %ge3A_239 : i1 to i32
      %cond3A = arith.constant 0 : i32
      %cond3A_240 = arith.cmpi ne, %convert_element_type3A, %cond3A : i32
      scf.if %cond3A_240 {
        %dma_wait3A_349 = arith.constant 0 : i32
        %dma_wait3A_350 = tpu.memref_slice %arg6[%add3A_238, %dma_wait3A_349] : memref<16384x64xf32, #tpu.memory_space<hbm>> -> memref<32x64xf32, #tpu.memory_space<hbm>>
        %dma_wait3A_351 = arith.constant 0 : i32
        %dma_wait3A_352 = tpu.memref_slice %arg6[%add3A_238, %dma_wait3A_351] : memref<16384x64xf32, #tpu.memory_space<hbm>> -> memref<32x64xf32, #tpu.memory_space<hbm>>
        tpu.wait_dma2 semaphore(%arg23 : memref<!tpu.dma_semaphore, #tpu.memory_space<semaphore_mem>>) src(%arg15 : memref<32x64xf32, #tpu.memory_space<vmem>>) dst(%dma_wait3A_352 : memref<32x64xf32, #tpu.memory_space<hbm>>)
      } else {
      }
      %scan3A_241 = arith.constant 0 : i32
      %scan3A_242 = arith.constant 0 : i32
      %scan3A_243 = arith.constant 32 : i32
      %scan3A_244 = arith.addi %scan3A_242, %scan3A_243 : i32
      %scan3A_245 = arith.constant 1 : i32
      %scan3A_246 = scf.for %scan3A_349 = %scan3A_242 to %scan3A_244 step %scan3A_245 iter_args(%scan3A_350 = %scan3A_241) -> (i32)  : i32 {
        %mul3A_351 = arith.constant 16 : i32
        %mul3A_352 = arith.muli %scan3A_349, %mul3A_351 : i32
        %multiple_of3A = tpu.assume_multiple %mul3A_352, 16 : i32
        %get3A = arith.index_cast %multiple_of3A : i32 to index
        %get3A_353 = tpu.vector_load %arg9[%get3A] {strides = array<i32>} : memref<512xf32, #tpu.memory_space<vmem>>, vector<16xf32>,
        %get3A_354 = vector.shape_cast %get3A_353 : vector<16xf32> to vector<16xf32>
        %get3A_355 = arith.index_cast %multiple_of3A : i32 to index
        %get3A_356 = tpu.vector_load %arg11[%get3A_355] {strides = array<i32>} : memref<512xf32, #tpu.memory_space<vmem>>, vector<16xf32>,
        %get3A_357 = vector.shape_cast %get3A_356 : vector<16xf32> to vector<16xf32>
        %mul3A_358 = arith.mulf %get3A_354, %get3A_357 : vector<16xf32>
        %slice3A = vector.extract_strided_slice %mul3A_358 {offsets = [0], sizes = [1], strides = [1]} : vector<16xf32> to vector<1xf32>
        %squeeze3A = vector.extract %slice3A[0] : f32 from vector<1xf32>
        %mul3A_359 = arith.constant 16 : i32
        %mul3A_360 = arith.muli %scan3A_349, %mul3A_359 : i32
        %add3A_361 = arith.constant 0 : i32
        %add3A_362 = arith.addi %mul3A_360, %add3A_361 : i32
        %get3A_363 = arith.index_cast %add3A_362 : i32 to index
        %get3A_364 = arith.constant 0 : index
        %get3A_365 = tpu.vector_load %arg13[%get3A_363, %get3A_364] {strides = array<i32>} : memref<512x64xf32, #tpu.memory_space<vmem>>, vector<1x16xf32>,
        %get3A_366 = vector.shape_cast %get3A_365 : vector<1x16xf32> to vector<16xf32>
        %mul3A_367 = vector.broadcast %squeeze3A : f32 to vector<16xf32>
        %mul3A_368 = arith.mulf %mul3A_367, %get3A_366 : vector<16xf32>
        %slice3A_369 = vector.extract_strided_slice %mul3A_358 {offsets = [1], sizes = [1], strides = [1]} : vector<16xf32> to vector<1xf32>
        %squeeze3A_370 = vector.extract %slice3A_369[0] : f32 from vector<1xf32>
        %mul3A_371 = arith.constant 16 : i32
        %mul3A_372 = arith.muli %scan3A_349, %mul3A_371 : i32
        %add3A_373 = arith.constant 1 : i32
        %add3A_374 = arith.addi %mul3A_372, %add3A_373 : i32
        %get3A_375 = arith.index_cast %add3A_374 : i32 to index
        %get3A_376 = arith.constant 0 : index
        %get3A_377 = tpu.vector_load %arg13[%get3A_375, %get3A_376] {strides = array<i32>} : memref<512x64xf32, #tpu.memory_space<vmem>>, vector<1x16xf32>,
        %get3A_378 = vector.shape_cast %get3A_377 : vector<1x16xf32> to vector<16xf32>
        %mul3A_379 = vector.broadcast %squeeze3A_370 : f32 to vector<16xf32>
        %mul3A_380 = arith.mulf %mul3A_379, %get3A_378 : vector<16xf32>
        %slice3A_381 = vector.extract_strided_slice %mul3A_358 {offsets = [2], sizes = [1], strides = [1]} : vector<16xf32> to vector<1xf32>
        %squeeze3A_382 = vector.extract %slice3A_381[0] : f32 from vector<1xf32>
        %mul3A_383 = arith.constant 16 : i32
        %mul3A_384 = arith.muli %scan3A_349, %mul3A_383 : i32
        %add3A_385 = arith.constant 2 : i32
        %add3A_386 = arith.addi %mul3A_384, %add3A_385 : i32
        %get3A_387 = arith.index_cast %add3A_386 : i32 to index
        %get3A_388 = arith.constant 0 : index
        %get3A_389 = tpu.vector_load %arg13[%get3A_387, %get3A_388] {strides = array<i32>} : memref<512x64xf32, #tpu.memory_space<vmem>>, vector<1x16xf32>,
        %get3A_390 = vector.shape_cast %get3A_389 : vector<1x16xf32> to vector<16xf32>
        %mul3A_391 = vector.broadcast %squeeze3A_382 : f32 to vector<16xf32>
        %mul3A_392 = arith.mulf %mul3A_391, %get3A_390 : vector<16xf32>
        %slice3A_393 = vector.extract_strided_slice %mul3A_358 {offsets = [3], sizes = [1], strides = [1]} : vector<16xf32> to vector<1xf32>
        %squeeze3A_394 = vector.extract %slice3A_393[0] : f32 from vector<1xf32>
        %mul3A_395 = arith.constant 16 : i32
        %mul3A_396 = arith.muli %scan3A_349, %mul3A_395 : i32
        %add3A_397 = arith.constant 3 : i32
        %add3A_398 = arith.addi %mul3A_396, %add3A_397 : i32
        %get3A_399 = arith.index_cast %add3A_398 : i32 to index
        %get3A_400 = arith.constant 0 : index
        %get3A_401 = tpu.vector_load %arg13[%get3A_399, %get3A_400] {strides = array<i32>} : memref<512x64xf32, #tpu.memory_space<vmem>>, vector<1x16xf32>,
        %get3A_402 = vector.shape_cast %get3A_401 : vector<1x16xf32> to vector<16xf32>
        %mul3A_403 = vector.broadcast %squeeze3A_394 : f32 to vector<16xf32>
        %mul3A_404 = arith.mulf %mul3A_403, %get3A_402 : vector<16xf32>
        %slice3A_405 = vector.extract_strided_slice %mul3A_358 {offsets = [4], sizes = [1], strides = [1]} : vector<16xf32> to vector<1xf32>
        %squeeze3A_406 = vector.extract %slice3A_405[0] : f32 from vector<1xf32>
        %mul3A_407 = arith.constant 16 : i32
        %mul3A_408 = arith.muli %scan3A_349, %mul3A_407 : i32
        %add3A_409 = arith.constant 4 : i32
        %add3A_410 = arith.addi %mul3A_408, %add3A_409 : i32
        %get3A_411 = arith.index_cast %add3A_410 : i32 to index
        %get3A_412 = arith.constant 0 : index
        %get3A_413 = tpu.vector_load %arg13[%get3A_411, %get3A_412] {strides = array<i32>} : memref<512x64xf32, #tpu.memory_space<vmem>>, vector<1x16xf32>,
        %get3A_414 = vector.shape_cast %get3A_413 : vector<1x16xf32> to vector<16xf32>
        %mul3A_415 = vector.broadcast %squeeze3A_406 : f32 to vector<16xf32>
        %mul3A_416 = arith.mulf %mul3A_415, %get3A_414 : vector<16xf32>
        %slice3A_417 = vector.extract_strided_slice %mul3A_358 {offsets = [5], sizes = [1], strides = [1]} : vector<16xf32> to vector<1xf32>
        %squeeze3A_418 = vector.extract %slice3A_417[0] : f32 from vector<1xf32>
        %mul3A_419 = arith.constant 16 : i32
        %mul3A_420 = arith.muli %scan3A_349, %mul3A_419 : i32
        %add3A_421 = arith.constant 5 : i32
        %add3A_422 = arith.addi %mul3A_420, %add3A_421 : i32
        %get3A_423 = arith.index_cast %add3A_422 : i32 to index
        %get3A_424 = arith.constant 0 : index
        %get3A_425 = tpu.vector_load %arg13[%get3A_423, %get3A_424] {strides = array<i32>} : memref<512x64xf32, #tpu.memory_space<vmem>>, vector<1x16xf32>,
        %get3A_426 = vector.shape_cast %get3A_425 : vector<1x16xf32> to vector<16xf32>
        %mul3A_427 = vector.broadcast %squeeze3A_418 : f32 to vector<16xf32>
        %mul3A_428 = arith.mulf %mul3A_427, %get3A_426 : vector<16xf32>
        %slice3A_429 = vector.extract_strided_slice %mul3A_358 {offsets = [6], sizes = [1], strides = [1]} : vector<16xf32> to vector<1xf32>
        %squeeze3A_430 = vector.extract %slice3A_429[0] : f32 from vector<1xf32>
        %mul3A_431 = arith.constant 16 : i32
        %mul3A_432 = arith.muli %scan3A_349, %mul3A_431 : i32
        %add3A_433 = arith.constant 6 : i32
        %add3A_434 = arith.addi %mul3A_432, %add3A_433 : i32
        %get3A_435 = arith.index_cast %add3A_434 : i32 to index
        %get3A_436 = arith.constant 0 : index
        %get3A_437 = tpu.vector_load %arg13[%get3A_435, %get3A_436] {strides = array<i32>} : memref<512x64xf32, #tpu.memory_space<vmem>>, vector<1x16xf32>,
        %get3A_438 = vector.shape_cast %get3A_437 : vector<1x16xf32> to vector<16xf32>
        %mul3A_439 = vector.broadcast %squeeze3A_430 : f32 to vector<16xf32>
        %mul3A_440 = arith.mulf %mul3A_439, %get3A_438 : vector<16xf32>
        %slice3A_441 = vector.extract_strided_slice %mul3A_358 {offsets = [7], sizes = [1], strides = [1]} : vector<16xf32> to vector<1xf32>
        %squeeze3A_442 = vector.extract %slice3A_441[0] : f32 from vector<1xf32>
        %mul3A_443 = arith.constant 16 : i32
        %mul3A_444 = arith.muli %scan3A_349, %mul3A_443 : i32
        %add3A_445 = arith.constant 7 : i32
        %add3A_446 = arith.addi %mul3A_444, %add3A_445 : i32
        %get3A_447 = arith.index_cast %add3A_446 : i32 to index
        %get3A_448 = arith.constant 0 : index
        %get3A_449 = tpu.vector_load %arg13[%get3A_447, %get3A_448] {strides = array<i32>} : memref<512x64xf32, #tpu.memory_space<vmem>>, vector<1x16xf32>,
        %get3A_450 = vector.shape_cast %get3A_449 : vector<1x16xf32> to vector<16xf32>
        %mul3A_451 = vector.broadcast %squeeze3A_442 : f32 to vector<16xf32>
        %mul3A_452 = arith.mulf %mul3A_451, %get3A_450 : vector<16xf32>
        %slice3A_453 = vector.extract_strided_slice %mul3A_358 {offsets = [8], sizes = [1], strides = [1]} : vector<16xf32> to vector<1xf32>
        %squeeze3A_454 = vector.extract %slice3A_453[0] : f32 from vector<1xf32>
        %mul3A_455 = arith.constant 16 : i32
        %mul3A_456 = arith.muli %scan3A_349, %mul3A_455 : i32
        %add3A_457 = arith.constant 8 : i32
        %add3A_458 = arith.addi %mul3A_456, %add3A_457 : i32
        %get3A_459 = arith.index_cast %add3A_458 : i32 to index
        %get3A_460 = arith.constant 0 : index
        %get3A_461 = tpu.vector_load %arg13[%get3A_459, %get3A_460] {strides = array<i32>} : memref<512x64xf32, #tpu.memory_space<vmem>>, vector<1x16xf32>,
        %get3A_462 = vector.shape_cast %get3A_461 : vector<1x16xf32> to vector<16xf32>
        %mul3A_463 = vector.broadcast %squeeze3A_454 : f32 to vector<16xf32>
        %mul3A_464 = arith.mulf %mul3A_463, %get3A_462 : vector<16xf32>
        %slice3A_465 = vector.extract_strided_slice %mul3A_358 {offsets = [9], sizes = [1], strides = [1]} : vector<16xf32> to vector<1xf32>
        %squeeze3A_466 = vector.extract %slice3A_465[0] : f32 from vector<1xf32>
        %mul3A_467 = arith.constant 16 : i32
        %mul3A_468 = arith.muli %scan3A_349, %mul3A_467 : i32
        %add3A_469 = arith.constant 9 : i32
        %add3A_470 = arith.addi %mul3A_468, %add3A_469 : i32
        %get3A_471 = arith.index_cast %add3A_470 : i32 to index
        %get3A_472 = arith.constant 0 : index
        %get3A_473 = tpu.vector_load %arg13[%get3A_471, %get3A_472] {strides = array<i32>} : memref<512x64xf32, #tpu.memory_space<vmem>>, vector<1x16xf32>,
        %get3A_474 = vector.shape_cast %get3A_473 : vector<1x16xf32> to vector<16xf32>
        %mul3A_475 = vector.broadcast %squeeze3A_466 : f32 to vector<16xf32>
        %mul3A_476 = arith.mulf %mul3A_475, %get3A_474 : vector<16xf32>
        %slice3A_477 = vector.extract_strided_slice %mul3A_358 {offsets = [10], sizes = [1], strides = [1]} : vector<16xf32> to vector<1xf32>
        %squeeze3A_478 = vector.extract %slice3A_477[0] : f32 from vector<1xf32>
        %mul3A_479 = arith.constant 16 : i32
        %mul3A_480 = arith.muli %scan3A_349, %mul3A_479 : i32
        %add3A_481 = arith.constant 10 : i32
        %add3A_482 = arith.addi %mul3A_480, %add3A_481 : i32
        %get3A_483 = arith.index_cast %add3A_482 : i32 to index
        %get3A_484 = arith.constant 0 : index
        %get3A_485 = tpu.vector_load %arg13[%get3A_483, %get3A_484] {strides = array<i32>} : memref<512x64xf32, #tpu.memory_space<vmem>>, vector<1x16xf32>,
        %get3A_486 = vector.shape_cast %get3A_485 : vector<1x16xf32> to vector<16xf32>
        %mul3A_487 = vector.broadcast %squeeze3A_478 : f32 to vector<16xf32>
        %mul3A_488 = arith.mulf %mul3A_487, %get3A_486 : vector<16xf32>
        %slice3A_489 = vector.extract_strided_slice %mul3A_358 {offsets = [11], sizes = [1], strides = [1]} : vector<16xf32> to vector<1xf32>
        %squeeze3A_490 = vector.extract %slice3A_489[0] : f32 from vector<1xf32>
        %mul3A_491 = arith.constant 16 : i32
        %mul3A_492 = arith.muli %scan3A_349, %mul3A_491 : i32
        %add3A_493 = arith.constant 11 : i32
        %add3A_494 = arith.addi %mul3A_492, %add3A_493 : i32
        %get3A_495 = arith.index_cast %add3A_494 : i32 to index
        %get3A_496 = arith.constant 0 : index
        %get3A_497 = tpu.vector_load %arg13[%get3A_495, %get3A_496] {strides = array<i32>} : memref<512x64xf32, #tpu.memory_space<vmem>>, vector<1x16xf32>,
        %get3A_498 = vector.shape_cast %get3A_497 : vector<1x16xf32> to vector<16xf32>
        %mul3A_499 = vector.broadcast %squeeze3A_490 : f32 to vector<16xf32>
        %mul3A_500 = arith.mulf %mul3A_499, %get3A_498 : vector<16xf32>
        %slice3A_501 = vector.extract_strided_slice %mul3A_358 {offsets = [12], sizes = [1], strides = [1]} : vector<16xf32> to vector<1xf32>
        %squeeze3A_502 = vector.extract %slice3A_501[0] : f32 from vector<1xf32>
        %mul3A_503 = arith.constant 16 : i32
        %mul3A_504 = arith.muli %scan3A_349, %mul3A_503 : i32
        %add3A_505 = arith.constant 12 : i32
        %add3A_506 = arith.addi %mul3A_504, %add3A_505 : i32
        %get3A_507 = arith.index_cast %add3A_506 : i32 to index
        %get3A_508 = arith.constant 0 : index
        %get3A_509 = tpu.vector_load %arg13[%get3A_507, %get3A_508] {strides = array<i32>} : memref<512x64xf32, #tpu.memory_space<vmem>>, vector<1x16xf32>,
        %get3A_510 = vector.shape_cast %get3A_509 : vector<1x16xf32> to vector<16xf32>
        %mul3A_511 = vector.broadcast %squeeze3A_502 : f32 to vector<16xf32>
        %mul3A_512 = arith.mulf %mul3A_511, %get3A_510 : vector<16xf32>
        %slice3A_513 = vector.extract_strided_slice %mul3A_358 {offsets = [13], sizes = [1], strides = [1]} : vector<16xf32> to vector<1xf32>
        %squeeze3A_514 = vector.extract %slice3A_513[0] : f32 from vector<1xf32>
        %mul3A_515 = arith.constant 16 : i32
        %mul3A_516 = arith.muli %scan3A_349, %mul3A_515 : i32
        %add3A_517 = arith.constant 13 : i32
        %add3A_518 = arith.addi %mul3A_516, %add3A_517 : i32
        %get3A_519 = arith.index_cast %add3A_518 : i32 to index
        %get3A_520 = arith.constant 0 : index
        %get3A_521 = tpu.vector_load %arg13[%get3A_519, %get3A_520] {strides = array<i32>} : memref<512x64xf32, #tpu.memory_space<vmem>>, vector<1x16xf32>,
        %get3A_522 = vector.shape_cast %get3A_521 : vector<1x16xf32> to vector<16xf32>
        %mul3A_523 = vector.broadcast %squeeze3A_514 : f32 to vector<16xf32>
        %mul3A_524 = arith.mulf %mul3A_523, %get3A_522 : vector<16xf32>
        %slice3A_525 = vector.extract_strided_slice %mul3A_358 {offsets = [14], sizes = [1], strides = [1]} : vector<16xf32> to vector<1xf32>
        %squeeze3A_526 = vector.extract %slice3A_525[0] : f32 from vector<1xf32>
        %mul3A_527 = arith.constant 16 : i32
        %mul3A_528 = arith.muli %scan3A_349, %mul3A_527 : i32
        %add3A_529 = arith.constant 14 : i32
        %add3A_530 = arith.addi %mul3A_528, %add3A_529 : i32
        %get3A_531 = arith.index_cast %add3A_530 : i32 to index
        %get3A_532 = arith.constant 0 : index
        %get3A_533 = tpu.vector_load %arg13[%get3A_531, %get3A_532] {strides = array<i32>} : memref<512x64xf32, #tpu.memory_space<vmem>>, vector<1x16xf32>,
        %get3A_534 = vector.shape_cast %get3A_533 : vector<1x16xf32> to vector<16xf32>
        %mul3A_535 = vector.broadcast %squeeze3A_526 : f32 to vector<16xf32>
        %mul3A_536 = arith.mulf %mul3A_535, %get3A_534 : vector<16xf32>
        %slice3A_537 = vector.extract_strided_slice %mul3A_358 {offsets = [15], sizes = [1], strides = [1]} : vector<16xf32> to vector<1xf32>
        %squeeze3A_538 = vector.extract %slice3A_537[0] : f32 from vector<1xf32>
        %mul3A_539 = arith.constant 16 : i32
        %mul3A_540 = arith.muli %scan3A_349, %mul3A_539 : i32
        %add3A_541 = arith.constant 15 : i32
        %add3A_542 = arith.addi %mul3A_540, %add3A_541 : i32
        %get3A_543 = arith.index_cast %add3A_542 : i32 to index
        %get3A_544 = arith.constant 0 : index
        %get3A_545 = tpu.vector_load %arg13[%get3A_543, %get3A_544] {strides = array<i32>} : memref<512x64xf32, #tpu.memory_space<vmem>>, vector<1x16xf32>,
        %get3A_546 = vector.shape_cast %get3A_545 : vector<1x16xf32> to vector<16xf32>
        %mul3A_547 = vector.broadcast %squeeze3A_538 : f32 to vector<16xf32>
        %mul3A_548 = arith.mulf %mul3A_547, %get3A_546 : vector<16xf32>
        %add3A_549 = arith.addf %mul3A_368, %mul3A_380 : vector<16xf32>
        %add3A_550 = arith.addf %mul3A_392, %mul3A_404 : vector<16xf32>
        %add3A_551 = arith.addf %mul3A_416, %mul3A_428 : vector<16xf32>
        %add3A_552 = arith.addf %mul3A_440, %mul3A_452 : vector<16xf32>
        %add3A_553 = arith.addf %mul3A_464, %mul3A_476 : vector<16xf32>
        %add3A_554 = arith.addf %mul3A_488, %mul3A_500 : vector<16xf32>
        %add3A_555 = arith.addf %mul3A_512, %mul3A_524 : vector<16xf32>
        %add3A_556 = arith.addf %mul3A_536, %mul3A_548 : vector<16xf32>
        %add3A_557 = arith.addf %add3A_549, %add3A_550 : vector<16xf32>
        %add3A_558 = arith.addf %add3A_551, %add3A_552 : vector<16xf32>
        %add3A_559 = arith.addf %add3A_553, %add3A_554 : vector<16xf32>
        %add3A_560 = arith.addf %add3A_555, %add3A_556 : vector<16xf32>
        %add3A_561 = arith.addf %add3A_557, %add3A_558 : vector<16xf32>
        %add3A_562 = arith.addf %add3A_559, %add3A_560 : vector<16xf32>
        %add3A_563 = arith.addf %add3A_561, %add3A_562 : vector<16xf32>
        %swap3A = arith.index_cast %scan3A_349 : i32 to index
        %swap3A_564 = arith.constant 0 : index
        %swap3A_565 = tpu.vector_load %arg15[%swap3A, %swap3A_564] {strides = array<i32>} : memref<32x64xf32, #tpu.memory_space<vmem>>, vector<1x16xf32>,
        %swap3A_566 = vector.shape_cast %swap3A_565 : vector<1x16xf32> to vector<16xf32>
        %swap3A_567 = vector.shape_cast %add3A_563 : vector<16xf32> to vector<1x16xf32>
        tpu.vector_store %arg15[%swap3A, %swap3A_564], %swap3A_567 {strides = array<i32>} : memref<32x64xf32, #tpu.memory_space<vmem>>, vector<1x16xf32>,
        %slice3A_568 = vector.extract_strided_slice %mul3A_358 {offsets = [0], sizes = [1], strides = [1]} : vector<16xf32> to vector<1xf32>
        %squeeze3A_569 = vector.extract %slice3A_568[0] : f32 from vector<1xf32>
        %mul3A_570 = arith.constant 16 : i32
        %mul3A_571 = arith.muli %scan3A_349, %mul3A_570 : i32
        %add3A_572 = arith.constant 0 : i32
        %add3A_573 = arith.addi %mul3A_571, %add3A_572 : i32
        %get3A_574 = arith.index_cast %add3A_573 : i32 to index
        %get3A_575 = arith.constant 16 : index
        %get3A_576 = tpu.vector_load %arg13[%get3A_574, %get3A_575] {strides = array<i32>} : memref<512x64xf32, #tpu.memory_space<vmem>>, vector<1x16xf32>,
        %get3A_577 = vector.shape_cast %get3A_576 : vector<1x16xf32> to vector<16xf32>
        %mul3A_578 = vector.broadcast %squeeze3A_569 : f32 to vector<16xf32>
        %mul3A_579 = arith.mulf %mul3A_578, %get3A_577 : vector<16xf32>
        %slice3A_580 = vector.extract_strided_slice %mul3A_358 {offsets = [1], sizes = [1], strides = [1]} : vector<16xf32> to vector<1xf32>
        %squeeze3A_581 = vector.extract %slice3A_580[0] : f32 from vector<1xf32>
        %mul3A_582 = arith.constant 16 : i32
        %mul3A_583 = arith.muli %scan3A_349, %mul3A_582 : i32
        %add3A_584 = arith.constant 1 : i32
        %add3A_585 = arith.addi %mul3A_583, %add3A_584 : i32
        %get3A_586 = arith.index_cast %add3A_585 : i32 to index
        %get3A_587 = arith.constant 16 : index
        %get3A_588 = tpu.vector_load %arg13[%get3A_586, %get3A_587] {strides = array<i32>} : memref<512x64xf32, #tpu.memory_space<vmem>>, vector<1x16xf32>,
        %get3A_589 = vector.shape_cast %get3A_588 : vector<1x16xf32> to vector<16xf32>
        %mul3A_590 = vector.broadcast %squeeze3A_581 : f32 to vector<16xf32>
        %mul3A_591 = arith.mulf %mul3A_590, %get3A_589 : vector<16xf32>
        %slice3A_592 = vector.extract_strided_slice %mul3A_358 {offsets = [2], sizes = [1], strides = [1]} : vector<16xf32> to vector<1xf32>
        %squeeze3A_593 = vector.extract %slice3A_592[0] : f32 from vector<1xf32>
        %mul3A_594 = arith.constant 16 : i32
        %mul3A_595 = arith.muli %scan3A_349, %mul3A_594 : i32
        %add3A_596 = arith.constant 2 : i32
        %add3A_597 = arith.addi %mul3A_595, %add3A_596 : i32
        %get3A_598 = arith.index_cast %add3A_597 : i32 to index
        %get3A_599 = arith.constant 16 : index
        %get3A_600 = tpu.vector_load %arg13[%get3A_598, %get3A_599] {strides = array<i32>} : memref<512x64xf32, #tpu.memory_space<vmem>>, vector<1x16xf32>,
        %get3A_601 = vector.shape_cast %get3A_600 : vector<1x16xf32> to vector<16xf32>
        %mul3A_602 = vector.broadcast %squeeze3A_593 : f32 to vector<16xf32>
        %mul3A_603 = arith.mulf %mul3A_602, %get3A_601 : vector<16xf32>
        %slice3A_604 = vector.extract_strided_slice %mul3A_358 {offsets = [3], sizes = [1], strides = [1]} : vector<16xf32> to vector<1xf32>
        %squeeze3A_605 = vector.extract %slice3A_604[0] : f32 from vector<1xf32>
        %mul3A_606 = arith.constant 16 : i32
        %mul3A_607 = arith.muli %scan3A_349, %mul3A_606 : i32
        %add3A_608 = arith.constant 3 : i32
        %add3A_609 = arith.addi %mul3A_607, %add3A_608 : i32
        %get3A_610 = arith.index_cast %add3A_609 : i32 to index
        %get3A_611 = arith.constant 16 : index
        %get3A_612 = tpu.vector_load %arg13[%get3A_610, %get3A_611] {strides = array<i32>} : memref<512x64xf32, #tpu.memory_space<vmem>>, vector<1x16xf32>,
        %get3A_613 = vector.shape_cast %get3A_612 : vector<1x16xf32> to vector<16xf32>
        %mul3A_614 = vector.broadcast %squeeze3A_605 : f32 to vector<16xf32>
        %mul3A_615 = arith.mulf %mul3A_614, %get3A_613 : vector<16xf32>
        %slice3A_616 = vector.extract_strided_slice %mul3A_358 {offsets = [4], sizes = [1], strides = [1]} : vector<16xf32> to vector<1xf32>
        %squeeze3A_617 = vector.extract %slice3A_616[0] : f32 from vector<1xf32>
        %mul3A_618 = arith.constant 16 : i32
        %mul3A_619 = arith.muli %scan3A_349, %mul3A_618 : i32
        %add3A_620 = arith.constant 4 : i32
        %add3A_621 = arith.addi %mul3A_619, %add3A_620 : i32
        %get3A_622 = arith.index_cast %add3A_621 : i32 to index
        %get3A_623 = arith.constant 16 : index
        %get3A_624 = tpu.vector_load %arg13[%get3A_622, %get3A_623] {strides = array<i32>} : memref<512x64xf32, #tpu.memory_space<vmem>>, vector<1x16xf32>,
        %get3A_625 = vector.shape_cast %get3A_624 : vector<1x16xf32> to vector<16xf32>
        %mul3A_626 = vector.broadcast %squeeze3A_617 : f32 to vector<16xf32>
        %mul3A_627 = arith.mulf %mul3A_626, %get3A_625 : vector<16xf32>
        %slice3A_628 = vector.extract_strided_slice %mul3A_358 {offsets = [5], sizes = [1], strides = [1]} : vector<16xf32> to vector<1xf32>
        %squeeze3A_629 = vector.extract %slice3A_628[0] : f32 from vector<1xf32>
        %mul3A_630 = arith.constant 16 : i32
        %mul3A_631 = arith.muli %scan3A_349, %mul3A_630 : i32
        %add3A_632 = arith.constant 5 : i32
        %add3A_633 = arith.addi %mul3A_631, %add3A_632 : i32
        %get3A_634 = arith.index_cast %add3A_633 : i32 to index
        %get3A_635 = arith.constant 16 : index
        %get3A_636 = tpu.vector_load %arg13[%get3A_634, %get3A_635] {strides = array<i32>} : memref<512x64xf32, #tpu.memory_space<vmem>>, vector<1x16xf32>,
        %get3A_637 = vector.shape_cast %get3A_636 : vector<1x16xf32> to vector<16xf32>
        %mul3A_638 = vector.broadcast %squeeze3A_629 : f32 to vector<16xf32>
        %mul3A_639 = arith.mulf %mul3A_638, %get3A_637 : vector<16xf32>
        %slice3A_640 = vector.extract_strided_slice %mul3A_358 {offsets = [6], sizes = [1], strides = [1]} : vector<16xf32> to vector<1xf32>
        %squeeze3A_641 = vector.extract %slice3A_640[0] : f32 from vector<1xf32>
        %mul3A_642 = arith.constant 16 : i32
        %mul3A_643 = arith.muli %scan3A_349, %mul3A_642 : i32
        %add3A_644 = arith.constant 6 : i32
        %add3A_645 = arith.addi %mul3A_643, %add3A_644 : i32
        %get3A_646 = arith.index_cast %add3A_645 : i32 to index
        %get3A_647 = arith.constant 16 : index
        %get3A_648 = tpu.vector_load %arg13[%get3A_646, %get3A_647] {strides = array<i32>} : memref<512x64xf32, #tpu.memory_space<vmem>>, vector<1x16xf32>,
        %get3A_649 = vector.shape_cast %get3A_648 : vector<1x16xf32> to vector<16xf32>
        %mul3A_650 = vector.broadcast %squeeze3A_641 : f32 to vector<16xf32>
        %mul3A_651 = arith.mulf %mul3A_650, %get3A_649 : vector<16xf32>
        %slice3A_652 = vector.extract_strided_slice %mul3A_358 {offsets = [7], sizes = [1], strides = [1]} : vector<16xf32> to vector<1xf32>
        %squeeze3A_653 = vector.extract %slice3A_652[0] : f32 from vector<1xf32>
        %mul3A_654 = arith.constant 16 : i32
        %mul3A_655 = arith.muli %scan3A_349, %mul3A_654 : i32
        %add3A_656 = arith.constant 7 : i32
        %add3A_657 = arith.addi %mul3A_655, %add3A_656 : i32
        %get3A_658 = arith.index_cast %add3A_657 : i32 to index
        %get3A_659 = arith.constant 16 : index
        %get3A_660 = tpu.vector_load %arg13[%get3A_658, %get3A_659] {strides = array<i32>} : memref<512x64xf32, #tpu.memory_space<vmem>>, vector<1x16xf32>,
        %get3A_661 = vector.shape_cast %get3A_660 : vector<1x16xf32> to vector<16xf32>
        %mul3A_662 = vector.broadcast %squeeze3A_653 : f32 to vector<16xf32>
        %mul3A_663 = arith.mulf %mul3A_662, %get3A_661 : vector<16xf32>
        %slice3A_664 = vector.extract_strided_slice %mul3A_358 {offsets = [8], sizes = [1], strides = [1]} : vector<16xf32> to vector<1xf32>
        %squeeze3A_665 = vector.extract %slice3A_664[0] : f32 from vector<1xf32>
        %mul3A_666 = arith.constant 16 : i32
        %mul3A_667 = arith.muli %scan3A_349, %mul3A_666 : i32
        %add3A_668 = arith.constant 8 : i32
        %add3A_669 = arith.addi %mul3A_667, %add3A_668 : i32
        %get3A_670 = arith.index_cast %add3A_669 : i32 to index
        %get3A_671 = arith.constant 16 : index
        %get3A_672 = tpu.vector_load %arg13[%get3A_670, %get3A_671] {strides = array<i32>} : memref<512x64xf32, #tpu.memory_space<vmem>>, vector<1x16xf32>,
        %get3A_673 = vector.shape_cast %get3A_672 : vector<1x16xf32> to vector<16xf32>
        %mul3A_674 = vector.broadcast %squeeze3A_665 : f32 to vector<16xf32>
        %mul3A_675 = arith.mulf %mul3A_674, %get3A_673 : vector<16xf32>
        %slice3A_676 = vector.extract_strided_slice %mul3A_358 {offsets = [9], sizes = [1], strides = [1]} : vector<16xf32> to vector<1xf32>
        %squeeze3A_677 = vector.extract %slice3A_676[0] : f32 from vector<1xf32>
        %mul3A_678 = arith.constant 16 : i32
        %mul3A_679 = arith.muli %scan3A_349, %mul3A_678 : i32
        %add3A_680 = arith.constant 9 : i32
        %add3A_681 = arith.addi %mul3A_679, %add3A_680 : i32
        %get3A_682 = arith.index_cast %add3A_681 : i32 to index
        %get3A_683 = arith.constant 16 : index
        %get3A_684 = tpu.vector_load %arg13[%get3A_682, %get3A_683] {strides = array<i32>} : memref<512x64xf32, #tpu.memory_space<vmem>>, vector<1x16xf32>,
        %get3A_685 = vector.shape_cast %get3A_684 : vector<1x16xf32> to vector<16xf32>
        %mul3A_686 = vector.broadcast %squeeze3A_677 : f32 to vector<16xf32>
        %mul3A_687 = arith.mulf %mul3A_686, %get3A_685 : vector<16xf32>
        %slice3A_688 = vector.extract_strided_slice %mul3A_358 {offsets = [10], sizes = [1], strides = [1]} : vector<16xf32> to vector<1xf32>
        %squeeze3A_689 = vector.extract %slice3A_688[0] : f32 from vector<1xf32>
        %mul3A_690 = arith.constant 16 : i32
        %mul3A_691 = arith.muli %scan3A_349, %mul3A_690 : i32
        %add3A_692 = arith.constant 10 : i32
        %add3A_693 = arith.addi %mul3A_691, %add3A_692 : i32
        %get3A_694 = arith.index_cast %add3A_693 : i32 to index
        %get3A_695 = arith.constant 16 : index
        %get3A_696 = tpu.vector_load %arg13[%get3A_694, %get3A_695] {strides = array<i32>} : memref<512x64xf32, #tpu.memory_space<vmem>>, vector<1x16xf32>,
        %get3A_697 = vector.shape_cast %get3A_696 : vector<1x16xf32> to vector<16xf32>
        %mul3A_698 = vector.broadcast %squeeze3A_689 : f32 to vector<16xf32>
        %mul3A_699 = arith.mulf %mul3A_698, %get3A_697 : vector<16xf32>
        %slice3A_700 = vector.extract_strided_slice %mul3A_358 {offsets = [11], sizes = [1], strides = [1]} : vector<16xf32> to vector<1xf32>
        %squeeze3A_701 = vector.extract %slice3A_700[0] : f32 from vector<1xf32>
        %mul3A_702 = arith.constant 16 : i32
        %mul3A_703 = arith.muli %scan3A_349, %mul3A_702 : i32
        %add3A_704 = arith.constant 11 : i32
        %add3A_705 = arith.addi %mul3A_703, %add3A_704 : i32
        %get3A_706 = arith.index_cast %add3A_705 : i32 to index
        %get3A_707 = arith.constant 16 : index
        %get3A_708 = tpu.vector_load %arg13[%get3A_706, %get3A_707] {strides = array<i32>} : memref<512x64xf32, #tpu.memory_space<vmem>>, vector<1x16xf32>,
        %get3A_709 = vector.shape_cast %get3A_708 : vector<1x16xf32> to vector<16xf32>
        %mul3A_710 = vector.broadcast %squeeze3A_701 : f32 to vector<16xf32>
        %mul3A_711 = arith.mulf %mul3A_710, %get3A_709 : vector<16xf32>
        %slice3A_712 = vector.extract_strided_slice %mul3A_358 {offsets = [12], sizes = [1], strides = [1]} : vector<16xf32> to vector<1xf32>
        %squeeze3A_713 = vector.extract %slice3A_712[0] : f32 from vector<1xf32>
        %mul3A_714 = arith.constant 16 : i32
        %mul3A_715 = arith.muli %scan3A_349, %mul3A_714 : i32
        %add3A_716 = arith.constant 12 : i32
        %add3A_717 = arith.addi %mul3A_715, %add3A_716 : i32
        %get3A_718 = arith.index_cast %add3A_717 : i32 to index
        %get3A_719 = arith.constant 16 : index
        %get3A_720 = tpu.vector_load %arg13[%get3A_718, %get3A_719] {strides = array<i32>} : memref<512x64xf32, #tpu.memory_space<vmem>>, vector<1x16xf32>,
        %get3A_721 = vector.shape_cast %get3A_720 : vector<1x16xf32> to vector<16xf32>
        %mul3A_722 = vector.broadcast %squeeze3A_713 : f32 to vector<16xf32>
        %mul3A_723 = arith.mulf %mul3A_722, %get3A_721 : vector<16xf32>
        %slice3A_724 = vector.extract_strided_slice %mul3A_358 {offsets = [13], sizes = [1], strides = [1]} : vector<16xf32> to vector<1xf32>
        %squeeze3A_725 = vector.extract %slice3A_724[0] : f32 from vector<1xf32>
        %mul3A_726 = arith.constant 16 : i32
        %mul3A_727 = arith.muli %scan3A_349, %mul3A_726 : i32
        %add3A_728 = arith.constant 13 : i32
        %add3A_729 = arith.addi %mul3A_727, %add3A_728 : i32
        %get3A_730 = arith.index_cast %add3A_729 : i32 to index
        %get3A_731 = arith.constant 16 : index
        %get3A_732 = tpu.vector_load %arg13[%get3A_730, %get3A_731] {strides = array<i32>} : memref<512x64xf32, #tpu.memory_space<vmem>>, vector<1x16xf32>,
        %get3A_733 = vector.shape_cast %get3A_732 : vector<1x16xf32> to vector<16xf32>
        %mul3A_734 = vector.broadcast %squeeze3A_725 : f32 to vector<16xf32>
        %mul3A_735 = arith.mulf %mul3A_734, %get3A_733 : vector<16xf32>
        %slice3A_736 = vector.extract_strided_slice %mul3A_358 {offsets = [14], sizes = [1], strides = [1]} : vector<16xf32> to vector<1xf32>
        %squeeze3A_737 = vector.extract %slice3A_736[0] : f32 from vector<1xf32>
        %mul3A_738 = arith.constant 16 : i32
        %mul3A_739 = arith.muli %scan3A_349, %mul3A_738 : i32
        %add3A_740 = arith.constant 14 : i32
        %add3A_741 = arith.addi %mul3A_739, %add3A_740 : i32
        %get3A_742 = arith.index_cast %add3A_741 : i32 to index
        %get3A_743 = arith.constant 16 : index
        %get3A_744 = tpu.vector_load %arg13[%get3A_742, %get3A_743] {strides = array<i32>} : memref<512x64xf32, #tpu.memory_space<vmem>>, vector<1x16xf32>,
        %get3A_745 = vector.shape_cast %get3A_744 : vector<1x16xf32> to vector<16xf32>
        %mul3A_746 = vector.broadcast %squeeze3A_737 : f32 to vector<16xf32>
        %mul3A_747 = arith.mulf %mul3A_746, %get3A_745 : vector<16xf32>
        %slice3A_748 = vector.extract_strided_slice %mul3A_358 {offsets = [15], sizes = [1], strides = [1]} : vector<16xf32> to vector<1xf32>
        %squeeze3A_749 = vector.extract %slice3A_748[0] : f32 from vector<1xf32>
        %mul3A_750 = arith.constant 16 : i32
        %mul3A_751 = arith.muli %scan3A_349, %mul3A_750 : i32
        %add3A_752 = arith.constant 15 : i32
        %add3A_753 = arith.addi %mul3A_751, %add3A_752 : i32
        %get3A_754 = arith.index_cast %add3A_753 : i32 to index
        %get3A_755 = arith.constant 16 : index
        %get3A_756 = tpu.vector_load %arg13[%get3A_754, %get3A_755] {strides = array<i32>} : memref<512x64xf32, #tpu.memory_space<vmem>>, vector<1x16xf32>,
        %get3A_757 = vector.shape_cast %get3A_756 : vector<1x16xf32> to vector<16xf32>
        %mul3A_758 = vector.broadcast %squeeze3A_749 : f32 to vector<16xf32>
        %mul3A_759 = arith.mulf %mul3A_758, %get3A_757 : vector<16xf32>
        %add3A_760 = arith.addf %mul3A_579, %mul3A_591 : vector<16xf32>
        %add3A_761 = arith.addf %mul3A_603, %mul3A_615 : vector<16xf32>
        %add3A_762 = arith.addf %mul3A_627, %mul3A_639 : vector<16xf32>
        %add3A_763 = arith.addf %mul3A_651, %mul3A_663 : vector<16xf32>
        %add3A_764 = arith.addf %mul3A_675, %mul3A_687 : vector<16xf32>
        %add3A_765 = arith.addf %mul3A_699, %mul3A_711 : vector<16xf32>
        %add3A_766 = arith.addf %mul3A_723, %mul3A_735 : vector<16xf32>
        %add3A_767 = arith.addf %mul3A_747, %mul3A_759 : vector<16xf32>
        %add3A_768 = arith.addf %add3A_760, %add3A_761 : vector<16xf32>
        %add3A_769 = arith.addf %add3A_762, %add3A_763 : vector<16xf32>
        %add3A_770 = arith.addf %add3A_764, %add3A_765 : vector<16xf32>
        %add3A_771 = arith.addf %add3A_766, %add3A_767 : vector<16xf32>
        %add3A_772 = arith.addf %add3A_768, %add3A_769 : vector<16xf32>
        %add3A_773 = arith.addf %add3A_770, %add3A_771 : vector<16xf32>
        %add3A_774 = arith.addf %add3A_772, %add3A_773 : vector<16xf32>
        %swap3A_775 = arith.index_cast %scan3A_349 : i32 to index
        %swap3A_776 = arith.constant 16 : index
        %swap3A_777 = tpu.vector_load %arg15[%swap3A_775, %swap3A_776] {strides = array<i32>} : memref<32x64xf32, #tpu.memory_space<vmem>>, vector<1x16xf32>,
        %swap3A_778 = vector.shape_cast %swap3A_777 : vector<1x16xf32> to vector<16xf32>
        %swap3A_779 = vector.shape_cast %add3A_774 : vector<16xf32> to vector<1x16xf32>
        tpu.vector_store %arg15[%swap3A_775, %swap3A_776], %swap3A_779 {strides = array<i32>} : memref<32x64xf32, #tpu.memory_space<vmem>>, vector<1x16xf32>,
        %slice3A_780 = vector.extract_strided_slice %mul3A_358 {offsets = [0], sizes = [1], strides = [1]} : vector<16xf32> to vector<1xf32>
        %squeeze3A_781 = vector.extract %slice3A_780[0] : f32 from vector<1xf32>
        %mul3A_782 = arith.constant 16 : i32
        %mul3A_783 = arith.muli %scan3A_349, %mul3A_782 : i32
        %add3A_784 = arith.constant 0 : i32
        %add3A_785 = arith.addi %mul3A_783, %add3A_784 : i32
        %get3A_786 = arith.index_cast %add3A_785 : i32 to index
        %get3A_787 = arith.constant 32 : index
        %get3A_788 = tpu.vector_load %arg13[%get3A_786, %get3A_787] {strides = array<i32>} : memref<512x64xf32, #tpu.memory_space<vmem>>, vector<1x16xf32>,
        %get3A_789 = vector.shape_cast %get3A_788 : vector<1x16xf32> to vector<16xf32>
        %mul3A_790 = vector.broadcast %squeeze3A_781 : f32 to vector<16xf32>
        %mul3A_791 = arith.mulf %mul3A_790, %get3A_789 : vector<16xf32>
        %slice3A_792 = vector.extract_strided_slice %mul3A_358 {offsets = [1], sizes = [1], strides = [1]} : vector<16xf32> to vector<1xf32>
        %squeeze3A_793 = vector.extract %slice3A_792[0] : f32 from vector<1xf32>
        %mul3A_794 = arith.constant 16 : i32
        %mul3A_795 = arith.muli %scan3A_349, %mul3A_794 : i32
        %add3A_796 = arith.constant 1 : i32
        %add3A_797 = arith.addi %mul3A_795, %add3A_796 : i32
        %get3A_798 = arith.index_cast %add3A_797 : i32 to index
        %get3A_799 = arith.constant 32 : index
        %get3A_800 = tpu.vector_load %arg13[%get3A_798, %get3A_799] {strides = array<i32>} : memref<512x64xf32, #tpu.memory_space<vmem>>, vector<1x16xf32>,
        %get3A_801 = vector.shape_cast %get3A_800 : vector<1x16xf32> to vector<16xf32>
        %mul3A_802 = vector.broadcast %squeeze3A_793 : f32 to vector<16xf32>
        %mul3A_803 = arith.mulf %mul3A_802, %get3A_801 : vector<16xf32>
        %slice3A_804 = vector.extract_strided_slice %mul3A_358 {offsets = [2], sizes = [1], strides = [1]} : vector<16xf32> to vector<1xf32>
        %squeeze3A_805 = vector.extract %slice3A_804[0] : f32 from vector<1xf32>
        %mul3A_806 = arith.constant 16 : i32
        %mul3A_807 = arith.muli %scan3A_349, %mul3A_806 : i32
        %add3A_808 = arith.constant 2 : i32
        %add3A_809 = arith.addi %mul3A_807, %add3A_808 : i32
        %get3A_810 = arith.index_cast %add3A_809 : i32 to index
        %get3A_811 = arith.constant 32 : index
        %get3A_812 = tpu.vector_load %arg13[%get3A_810, %get3A_811] {strides = array<i32>} : memref<512x64xf32, #tpu.memory_space<vmem>>, vector<1x16xf32>,
        %get3A_813 = vector.shape_cast %get3A_812 : vector<1x16xf32> to vector<16xf32>
        %mul3A_814 = vector.broadcast %squeeze3A_805 : f32 to vector<16xf32>
        %mul3A_815 = arith.mulf %mul3A_814, %get3A_813 : vector<16xf32>
        %slice3A_816 = vector.extract_strided_slice %mul3A_358 {offsets = [3], sizes = [1], strides = [1]} : vector<16xf32> to vector<1xf32>
        %squeeze3A_817 = vector.extract %slice3A_816[0] : f32 from vector<1xf32>
        %mul3A_818 = arith.constant 16 : i32
        %mul3A_819 = arith.muli %scan3A_349, %mul3A_818 : i32
        %add3A_820 = arith.constant 3 : i32
        %add3A_821 = arith.addi %mul3A_819, %add3A_820 : i32
        %get3A_822 = arith.index_cast %add3A_821 : i32 to index
        %get3A_823 = arith.constant 32 : index
        %get3A_824 = tpu.vector_load %arg13[%get3A_822, %get3A_823] {strides = array<i32>} : memref<512x64xf32, #tpu.memory_space<vmem>>, vector<1x16xf32>,
        %get3A_825 = vector.shape_cast %get3A_824 : vector<1x16xf32> to vector<16xf32>
        %mul3A_826 = vector.broadcast %squeeze3A_817 : f32 to vector<16xf32>
        %mul3A_827 = arith.mulf %mul3A_826, %get3A_825 : vector<16xf32>
        %slice3A_828 = vector.extract_strided_slice %mul3A_358 {offsets = [4], sizes = [1], strides = [1]} : vector<16xf32> to vector<1xf32>
        %squeeze3A_829 = vector.extract %slice3A_828[0] : f32 from vector<1xf32>
        %mul3A_830 = arith.constant 16 : i32
        %mul3A_831 = arith.muli %scan3A_349, %mul3A_830 : i32
        %add3A_832 = arith.constant 4 : i32
        %add3A_833 = arith.addi %mul3A_831, %add3A_832 : i32
        %get3A_834 = arith.index_cast %add3A_833 : i32 to index
        %get3A_835 = arith.constant 32 : index
        %get3A_836 = tpu.vector_load %arg13[%get3A_834, %get3A_835] {strides = array<i32>} : memref<512x64xf32, #tpu.memory_space<vmem>>, vector<1x16xf32>,
        %get3A_837 = vector.shape_cast %get3A_836 : vector<1x16xf32> to vector<16xf32>
        %mul3A_838 = vector.broadcast %squeeze3A_829 : f32 to vector<16xf32>
        %mul3A_839 = arith.mulf %mul3A_838, %get3A_837 : vector<16xf32>
        %slice3A_840 = vector.extract_strided_slice %mul3A_358 {offsets = [5], sizes = [1], strides = [1]} : vector<16xf32> to vector<1xf32>
        %squeeze3A_841 = vector.extract %slice3A_840[0] : f32 from vector<1xf32>
        %mul3A_842 = arith.constant 16 : i32
        %mul3A_843 = arith.muli %scan3A_349, %mul3A_842 : i32
        %add3A_844 = arith.constant 5 : i32
        %add3A_845 = arith.addi %mul3A_843, %add3A_844 : i32
        %get3A_846 = arith.index_cast %add3A_845 : i32 to index
        %get3A_847 = arith.constant 32 : index
        %get3A_848 = tpu.vector_load %arg13[%get3A_846, %get3A_847] {strides = array<i32>} : memref<512x64xf32, #tpu.memory_space<vmem>>, vector<1x16xf32>,
        %get3A_849 = vector.shape_cast %get3A_848 : vector<1x16xf32> to vector<16xf32>
        %mul3A_850 = vector.broadcast %squeeze3A_841 : f32 to vector<16xf32>
        %mul3A_851 = arith.mulf %mul3A_850, %get3A_849 : vector<16xf32>
        %slice3A_852 = vector.extract_strided_slice %mul3A_358 {offsets = [6], sizes = [1], strides = [1]} : vector<16xf32> to vector<1xf32>
        %squeeze3A_853 = vector.extract %slice3A_852[0] : f32 from vector<1xf32>
        %mul3A_854 = arith.constant 16 : i32
        %mul3A_855 = arith.muli %scan3A_349, %mul3A_854 : i32
        %add3A_856 = arith.constant 6 : i32
        %add3A_857 = arith.addi %mul3A_855, %add3A_856 : i32
        %get3A_858 = arith.index_cast %add3A_857 : i32 to index
        %get3A_859 = arith.constant 32 : index
        %get3A_860 = tpu.vector_load %arg13[%get3A_858, %get3A_859] {strides = array<i32>} : memref<512x64xf32, #tpu.memory_space<vmem>>, vector<1x16xf32>,
        %get3A_861 = vector.shape_cast %get3A_860 : vector<1x16xf32> to vector<16xf32>
        %mul3A_862 = vector.broadcast %squeeze3A_853 : f32 to vector<16xf32>
        %mul3A_863 = arith.mulf %mul3A_862, %get3A_861 : vector<16xf32>
        %slice3A_864 = vector.extract_strided_slice %mul3A_358 {offsets = [7], sizes = [1], strides = [1]} : vector<16xf32> to vector<1xf32>
        %squeeze3A_865 = vector.extract %slice3A_864[0] : f32 from vector<1xf32>
        %mul3A_866 = arith.constant 16 : i32
        %mul3A_867 = arith.muli %scan3A_349, %mul3A_866 : i32
        %add3A_868 = arith.constant 7 : i32
        %add3A_869 = arith.addi %mul3A_867, %add3A_868 : i32
        %get3A_870 = arith.index_cast %add3A_869 : i32 to index
        %get3A_871 = arith.constant 32 : index
        %get3A_872 = tpu.vector_load %arg13[%get3A_870, %get3A_871] {strides = array<i32>} : memref<512x64xf32, #tpu.memory_space<vmem>>, vector<1x16xf32>,
        %get3A_873 = vector.shape_cast %get3A_872 : vector<1x16xf32> to vector<16xf32>
        %mul3A_874 = vector.broadcast %squeeze3A_865 : f32 to vector<16xf32>
        %mul3A_875 = arith.mulf %mul3A_874, %get3A_873 : vector<16xf32>
        %slice3A_876 = vector.extract_strided_slice %mul3A_358 {offsets = [8], sizes = [1], strides = [1]} : vector<16xf32> to vector<1xf32>
        %squeeze3A_877 = vector.extract %slice3A_876[0] : f32 from vector<1xf32>
        %mul3A_878 = arith.constant 16 : i32
        %mul3A_879 = arith.muli %scan3A_349, %mul3A_878 : i32
        %add3A_880 = arith.constant 8 : i32
        %add3A_881 = arith.addi %mul3A_879, %add3A_880 : i32
        %get3A_882 = arith.index_cast %add3A_881 : i32 to index
        %get3A_883 = arith.constant 32 : index
        %get3A_884 = tpu.vector_load %arg13[%get3A_882, %get3A_883] {strides = array<i32>} : memref<512x64xf32, #tpu.memory_space<vmem>>, vector<1x16xf32>,
        %get3A_885 = vector.shape_cast %get3A_884 : vector<1x16xf32> to vector<16xf32>
        %mul3A_886 = vector.broadcast %squeeze3A_877 : f32 to vector<16xf32>
        %mul3A_887 = arith.mulf %mul3A_886, %get3A_885 : vector<16xf32>
        %slice3A_888 = vector.extract_strided_slice %mul3A_358 {offsets = [9], sizes = [1], strides = [1]} : vector<16xf32> to vector<1xf32>
        %squeeze3A_889 = vector.extract %slice3A_888[0] : f32 from vector<1xf32>
        %mul3A_890 = arith.constant 16 : i32
        %mul3A_891 = arith.muli %scan3A_349, %mul3A_890 : i32
        %add3A_892 = arith.constant 9 : i32
        %add3A_893 = arith.addi %mul3A_891, %add3A_892 : i32
        %get3A_894 = arith.index_cast %add3A_893 : i32 to index
        %get3A_895 = arith.constant 32 : index
        %get3A_896 = tpu.vector_load %arg13[%get3A_894, %get3A_895] {strides = array<i32>} : memref<512x64xf32, #tpu.memory_space<vmem>>, vector<1x16xf32>,
        %get3A_897 = vector.shape_cast %get3A_896 : vector<1x16xf32> to vector<16xf32>
        %mul3A_898 = vector.broadcast %squeeze3A_889 : f32 to vector<16xf32>
        %mul3A_899 = arith.mulf %mul3A_898, %get3A_897 : vector<16xf32>
        %slice3A_900 = vector.extract_strided_slice %mul3A_358 {offsets = [10], sizes = [1], strides = [1]} : vector<16xf32> to vector<1xf32>
        %squeeze3A_901 = vector.extract %slice3A_900[0] : f32 from vector<1xf32>
        %mul3A_902 = arith.constant 16 : i32
        %mul3A_903 = arith.muli %scan3A_349, %mul3A_902 : i32
        %add3A_904 = arith.constant 10 : i32
        %add3A_905 = arith.addi %mul3A_903, %add3A_904 : i32
        %get3A_906 = arith.index_cast %add3A_905 : i32 to index
        %get3A_907 = arith.constant 32 : index
        %get3A_908 = tpu.vector_load %arg13[%get3A_906, %get3A_907] {strides = array<i32>} : memref<512x64xf32, #tpu.memory_space<vmem>>, vector<1x16xf32>,
        %get3A_909 = vector.shape_cast %get3A_908 : vector<1x16xf32> to vector<16xf32>
        %mul3A_910 = vector.broadcast %squeeze3A_901 : f32 to vector<16xf32>
        %mul3A_911 = arith.mulf %mul3A_910, %get3A_909 : vector<16xf32>
        %slice3A_912 = vector.extract_strided_slice %mul3A_358 {offsets = [11], sizes = [1], strides = [1]} : vector<16xf32> to vector<1xf32>
        %squeeze3A_913 = vector.extract %slice3A_912[0] : f32 from vector<1xf32>
        %mul3A_914 = arith.constant 16 : i32
        %mul3A_915 = arith.muli %scan3A_349, %mul3A_914 : i32
        %add3A_916 = arith.constant 11 : i32
        %add3A_917 = arith.addi %mul3A_915, %add3A_916 : i32
        %get3A_918 = arith.index_cast %add3A_917 : i32 to index
        %get3A_919 = arith.constant 32 : index
        %get3A_920 = tpu.vector_load %arg13[%get3A_918, %get3A_919] {strides = array<i32>} : memref<512x64xf32, #tpu.memory_space<vmem>>, vector<1x16xf32>,
        %get3A_921 = vector.shape_cast %get3A_920 : vector<1x16xf32> to vector<16xf32>
        %mul3A_922 = vector.broadcast %squeeze3A_913 : f32 to vector<16xf32>
        %mul3A_923 = arith.mulf %mul3A_922, %get3A_921 : vector<16xf32>
        %slice3A_924 = vector.extract_strided_slice %mul3A_358 {offsets = [12], sizes = [1], strides = [1]} : vector<16xf32> to vector<1xf32>
        %squeeze3A_925 = vector.extract %slice3A_924[0] : f32 from vector<1xf32>
        %mul3A_926 = arith.constant 16 : i32
        %mul3A_927 = arith.muli %scan3A_349, %mul3A_926 : i32
        %add3A_928 = arith.constant 12 : i32
        %add3A_929 = arith.addi %mul3A_927, %add3A_928 : i32
        %get3A_930 = arith.index_cast %add3A_929 : i32 to index
        %get3A_931 = arith.constant 32 : index
        %get3A_932 = tpu.vector_load %arg13[%get3A_930, %get3A_931] {strides = array<i32>} : memref<512x64xf32, #tpu.memory_space<vmem>>, vector<1x16xf32>,
        %get3A_933 = vector.shape_cast %get3A_932 : vector<1x16xf32> to vector<16xf32>
        %mul3A_934 = vector.broadcast %squeeze3A_925 : f32 to vector<16xf32>
        %mul3A_935 = arith.mulf %mul3A_934, %get3A_933 : vector<16xf32>
        %slice3A_936 = vector.extract_strided_slice %mul3A_358 {offsets = [13], sizes = [1], strides = [1]} : vector<16xf32> to vector<1xf32>
        %squeeze3A_937 = vector.extract %slice3A_936[0] : f32 from vector<1xf32>
        %mul3A_938 = arith.constant 16 : i32
        %mul3A_939 = arith.muli %scan3A_349, %mul3A_938 : i32
        %add3A_940 = arith.constant 13 : i32
        %add3A_941 = arith.addi %mul3A_939, %add3A_940 : i32
        %get3A_942 = arith.index_cast %add3A_941 : i32 to index
        %get3A_943 = arith.constant 32 : index
        %get3A_944 = tpu.vector_load %arg13[%get3A_942, %get3A_943] {strides = array<i32>} : memref<512x64xf32, #tpu.memory_space<vmem>>, vector<1x16xf32>,
        %get3A_945 = vector.shape_cast %get3A_944 : vector<1x16xf32> to vector<16xf32>
        %mul3A_946 = vector.broadcast %squeeze3A_937 : f32 to vector<16xf32>
        %mul3A_947 = arith.mulf %mul3A_946, %get3A_945 : vector<16xf32>
        %slice3A_948 = vector.extract_strided_slice %mul3A_358 {offsets = [14], sizes = [1], strides = [1]} : vector<16xf32> to vector<1xf32>
        %squeeze3A_949 = vector.extract %slice3A_948[0] : f32 from vector<1xf32>
        %mul3A_950 = arith.constant 16 : i32
        %mul3A_951 = arith.muli %scan3A_349, %mul3A_950 : i32
        %add3A_952 = arith.constant 14 : i32
        %add3A_953 = arith.addi %mul3A_951, %add3A_952 : i32
        %get3A_954 = arith.index_cast %add3A_953 : i32 to index
        %get3A_955 = arith.constant 32 : index
        %get3A_956 = tpu.vector_load %arg13[%get3A_954, %get3A_955] {strides = array<i32>} : memref<512x64xf32, #tpu.memory_space<vmem>>, vector<1x16xf32>,
        %get3A_957 = vector.shape_cast %get3A_956 : vector<1x16xf32> to vector<16xf32>
        %mul3A_958 = vector.broadcast %squeeze3A_949 : f32 to vector<16xf32>
        %mul3A_959 = arith.mulf %mul3A_958, %get3A_957 : vector<16xf32>
        %slice3A_960 = vector.extract_strided_slice %mul3A_358 {offsets = [15], sizes = [1], strides = [1]} : vector<16xf32> to vector<1xf32>
        %squeeze3A_961 = vector.extract %slice3A_960[0] : f32 from vector<1xf32>
        %mul3A_962 = arith.constant 16 : i32
        %mul3A_963 = arith.muli %scan3A_349, %mul3A_962 : i32
        %add3A_964 = arith.constant 15 : i32
        %add3A_965 = arith.addi %mul3A_963, %add3A_964 : i32
        %get3A_966 = arith.index_cast %add3A_965 : i32 to index
        %get3A_967 = arith.constant 32 : index
        %get3A_968 = tpu.vector_load %arg13[%get3A_966, %get3A_967] {strides = array<i32>} : memref<512x64xf32, #tpu.memory_space<vmem>>, vector<1x16xf32>,
        %get3A_969 = vector.shape_cast %get3A_968 : vector<1x16xf32> to vector<16xf32>
        %mul3A_970 = vector.broadcast %squeeze3A_961 : f32 to vector<16xf32>
        %mul3A_971 = arith.mulf %mul3A_970, %get3A_969 : vector<16xf32>
        %add3A_972 = arith.addf %mul3A_791, %mul3A_803 : vector<16xf32>
        %add3A_973 = arith.addf %mul3A_815, %mul3A_827 : vector<16xf32>
        %add3A_974 = arith.addf %mul3A_839, %mul3A_851 : vector<16xf32>
        %add3A_975 = arith.addf %mul3A_863, %mul3A_875 : vector<16xf32>
        %add3A_976 = arith.addf %mul3A_887, %mul3A_899 : vector<16xf32>
        %add3A_977 = arith.addf %mul3A_911, %mul3A_923 : vector<16xf32>
        %add3A_978 = arith.addf %mul3A_935, %mul3A_947 : vector<16xf32>
        %add3A_979 = arith.addf %mul3A_959, %mul3A_971 : vector<16xf32>
        %add3A_980 = arith.addf %add3A_972, %add3A_973 : vector<16xf32>
        %add3A_981 = arith.addf %add3A_974, %add3A_975 : vector<16xf32>
        %add3A_982 = arith.addf %add3A_976, %add3A_977 : vector<16xf32>
        %add3A_983 = arith.addf %add3A_978, %add3A_979 : vector<16xf32>
        %add3A_984 = arith.addf %add3A_980, %add3A_981 : vector<16xf32>
        %add3A_985 = arith.addf %add3A_982, %add3A_983 : vector<16xf32>
        %add3A_986 = arith.addf %add3A_984, %add3A_985 : vector<16xf32>
        %swap3A_987 = arith.index_cast %scan3A_349 : i32 to index
        %swap3A_988 = arith.constant 32 : index
        %swap3A_989 = tpu.vector_load %arg15[%swap3A_987, %swap3A_988] {strides = array<i32>} : memref<32x64xf32, #tpu.memory_space<vmem>>, vector<1x16xf32>,
        %swap3A_990 = vector.shape_cast %swap3A_989 : vector<1x16xf32> to vector<16xf32>
        %swap3A_991 = vector.shape_cast %add3A_986 : vector<16xf32> to vector<1x16xf32>
        tpu.vector_store %arg15[%swap3A_987, %swap3A_988], %swap3A_991 {strides = array<i32>} : memref<32x64xf32, #tpu.memory_space<vmem>>, vector<1x16xf32>,
        %slice3A_992 = vector.extract_strided_slice %mul3A_358 {offsets = [0], sizes = [1], strides = [1]} : vector<16xf32> to vector<1xf32>
        %squeeze3A_993 = vector.extract %slice3A_992[0] : f32 from vector<1xf32>
        %mul3A_994 = arith.constant 16 : i32
        %mul3A_995 = arith.muli %scan3A_349, %mul3A_994 : i32
        %add3A_996 = arith.constant 0 : i32
        %add3A_997 = arith.addi %mul3A_995, %add3A_996 : i32
        %get3A_998 = arith.index_cast %add3A_997 : i32 to index
        %get3A_999 = arith.constant 48 : index
        %get3A_1000 = tpu.vector_load %arg13[%get3A_998, %get3A_999] {strides = array<i32>} : memref<512x64xf32, #tpu.memory_space<vmem>>, vector<1x16xf32>,
        %get3A_1001 = vector.shape_cast %get3A_1000 : vector<1x16xf32> to vector<16xf32>
        %mul3A_1002 = vector.broadcast %squeeze3A_993 : f32 to vector<16xf32>
        %mul3A_1003 = arith.mulf %mul3A_1002, %get3A_1001 : vector<16xf32>
        %slice3A_1004 = vector.extract_strided_slice %mul3A_358 {offsets = [1], sizes = [1], strides = [1]} : vector<16xf32> to vector<1xf32>
        %squeeze3A_1005 = vector.extract %slice3A_1004[0] : f32 from vector<1xf32>
        %mul3A_1006 = arith.constant 16 : i32
        %mul3A_1007 = arith.muli %scan3A_349, %mul3A_1006 : i32
        %add3A_1008 = arith.constant 1 : i32
        %add3A_1009 = arith.addi %mul3A_1007, %add3A_1008 : i32
        %get3A_1010 = arith.index_cast %add3A_1009 : i32 to index
        %get3A_1011 = arith.constant 48 : index
        %get3A_1012 = tpu.vector_load %arg13[%get3A_1010, %get3A_1011] {strides = array<i32>} : memref<512x64xf32, #tpu.memory_space<vmem>>, vector<1x16xf32>,
        %get3A_1013 = vector.shape_cast %get3A_1012 : vector<1x16xf32> to vector<16xf32>
        %mul3A_1014 = vector.broadcast %squeeze3A_1005 : f32 to vector<16xf32>
        %mul3A_1015 = arith.mulf %mul3A_1014, %get3A_1013 : vector<16xf32>
        %slice3A_1016 = vector.extract_strided_slice %mul3A_358 {offsets = [2], sizes = [1], strides = [1]} : vector<16xf32> to vector<1xf32>
        %squeeze3A_1017 = vector.extract %slice3A_1016[0] : f32 from vector<1xf32>
        %mul3A_1018 = arith.constant 16 : i32
        %mul3A_1019 = arith.muli %scan3A_349, %mul3A_1018 : i32
        %add3A_1020 = arith.constant 2 : i32
        %add3A_1021 = arith.addi %mul3A_1019, %add3A_1020 : i32
        %get3A_1022 = arith.index_cast %add3A_1021 : i32 to index
        %get3A_1023 = arith.constant 48 : index
        %get3A_1024 = tpu.vector_load %arg13[%get3A_1022, %get3A_1023] {strides = array<i32>} : memref<512x64xf32, #tpu.memory_space<vmem>>, vector<1x16xf32>,
        %get3A_1025 = vector.shape_cast %get3A_1024 : vector<1x16xf32> to vector<16xf32>
        %mul3A_1026 = vector.broadcast %squeeze3A_1017 : f32 to vector<16xf32>
        %mul3A_1027 = arith.mulf %mul3A_1026, %get3A_1025 : vector<16xf32>
        %slice3A_1028 = vector.extract_strided_slice %mul3A_358 {offsets = [3], sizes = [1], strides = [1]} : vector<16xf32> to vector<1xf32>
        %squeeze3A_1029 = vector.extract %slice3A_1028[0] : f32 from vector<1xf32>
        %mul3A_1030 = arith.constant 16 : i32
        %mul3A_1031 = arith.muli %scan3A_349, %mul3A_1030 : i32
        %add3A_1032 = arith.constant 3 : i32
        %add3A_1033 = arith.addi %mul3A_1031, %add3A_1032 : i32
        %get3A_1034 = arith.index_cast %add3A_1033 : i32 to index
        %get3A_1035 = arith.constant 48 : index
        %get3A_1036 = tpu.vector_load %arg13[%get3A_1034, %get3A_1035] {strides = array<i32>} : memref<512x64xf32, #tpu.memory_space<vmem>>, vector<1x16xf32>,
        %get3A_1037 = vector.shape_cast %get3A_1036 : vector<1x16xf32> to vector<16xf32>
        %mul3A_1038 = vector.broadcast %squeeze3A_1029 : f32 to vector<16xf32>
        %mul3A_1039 = arith.mulf %mul3A_1038, %get3A_1037 : vector<16xf32>
        %slice3A_1040 = vector.extract_strided_slice %mul3A_358 {offsets = [4], sizes = [1], strides = [1]} : vector<16xf32> to vector<1xf32>
        %squeeze3A_1041 = vector.extract %slice3A_1040[0] : f32 from vector<1xf32>
        %mul3A_1042 = arith.constant 16 : i32
        %mul3A_1043 = arith.muli %scan3A_349, %mul3A_1042 : i32
        %add3A_1044 = arith.constant 4 : i32
        %add3A_1045 = arith.addi %mul3A_1043, %add3A_1044 : i32
        %get3A_1046 = arith.index_cast %add3A_1045 : i32 to index
        %get3A_1047 = arith.constant 48 : index
        %get3A_1048 = tpu.vector_load %arg13[%get3A_1046, %get3A_1047] {strides = array<i32>} : memref<512x64xf32, #tpu.memory_space<vmem>>, vector<1x16xf32>,
        %get3A_1049 = vector.shape_cast %get3A_1048 : vector<1x16xf32> to vector<16xf32>
        %mul3A_1050 = vector.broadcast %squeeze3A_1041 : f32 to vector<16xf32>
        %mul3A_1051 = arith.mulf %mul3A_1050, %get3A_1049 : vector<16xf32>
        %slice3A_1052 = vector.extract_strided_slice %mul3A_358 {offsets = [5], sizes = [1], strides = [1]} : vector<16xf32> to vector<1xf32>
        %squeeze3A_1053 = vector.extract %slice3A_1052[0] : f32 from vector<1xf32>
        %mul3A_1054 = arith.constant 16 : i32
        %mul3A_1055 = arith.muli %scan3A_349, %mul3A_1054 : i32
        %add3A_1056 = arith.constant 5 : i32
        %add3A_1057 = arith.addi %mul3A_1055, %add3A_1056 : i32
        %get3A_1058 = arith.index_cast %add3A_1057 : i32 to index
        %get3A_1059 = arith.constant 48 : index
        %get3A_1060 = tpu.vector_load %arg13[%get3A_1058, %get3A_1059] {strides = array<i32>} : memref<512x64xf32, #tpu.memory_space<vmem>>, vector<1x16xf32>,
        %get3A_1061 = vector.shape_cast %get3A_1060 : vector<1x16xf32> to vector<16xf32>
        %mul3A_1062 = vector.broadcast %squeeze3A_1053 : f32 to vector<16xf32>
        %mul3A_1063 = arith.mulf %mul3A_1062, %get3A_1061 : vector<16xf32>
        %slice3A_1064 = vector.extract_strided_slice %mul3A_358 {offsets = [6], sizes = [1], strides = [1]} : vector<16xf32> to vector<1xf32>
        %squeeze3A_1065 = vector.extract %slice3A_1064[0] : f32 from vector<1xf32>
        %mul3A_1066 = arith.constant 16 : i32
        %mul3A_1067 = arith.muli %scan3A_349, %mul3A_1066 : i32
        %add3A_1068 = arith.constant 6 : i32
        %add3A_1069 = arith.addi %mul3A_1067, %add3A_1068 : i32
        %get3A_1070 = arith.index_cast %add3A_1069 : i32 to index
        %get3A_1071 = arith.constant 48 : index
        %get3A_1072 = tpu.vector_load %arg13[%get3A_1070, %get3A_1071] {strides = array<i32>} : memref<512x64xf32, #tpu.memory_space<vmem>>, vector<1x16xf32>,
        %get3A_1073 = vector.shape_cast %get3A_1072 : vector<1x16xf32> to vector<16xf32>
        %mul3A_1074 = vector.broadcast %squeeze3A_1065 : f32 to vector<16xf32>
        %mul3A_1075 = arith.mulf %mul3A_1074, %get3A_1073 : vector<16xf32>
        %slice3A_1076 = vector.extract_strided_slice %mul3A_358 {offsets = [7], sizes = [1], strides = [1]} : vector<16xf32> to vector<1xf32>
        %squeeze3A_1077 = vector.extract %slice3A_1076[0] : f32 from vector<1xf32>
        %mul3A_1078 = arith.constant 16 : i32
        %mul3A_1079 = arith.muli %scan3A_349, %mul3A_1078 : i32
        %add3A_1080 = arith.constant 7 : i32
        %add3A_1081 = arith.addi %mul3A_1079, %add3A_1080 : i32
        %get3A_1082 = arith.index_cast %add3A_1081 : i32 to index
        %get3A_1083 = arith.constant 48 : index
        %get3A_1084 = tpu.vector_load %arg13[%get3A_1082, %get3A_1083] {strides = array<i32>} : memref<512x64xf32, #tpu.memory_space<vmem>>, vector<1x16xf32>,
        %get3A_1085 = vector.shape_cast %get3A_1084 : vector<1x16xf32> to vector<16xf32>
        %mul3A_1086 = vector.broadcast %squeeze3A_1077 : f32 to vector<16xf32>
        %mul3A_1087 = arith.mulf %mul3A_1086, %get3A_1085 : vector<16xf32>
        %slice3A_1088 = vector.extract_strided_slice %mul3A_358 {offsets = [8], sizes = [1], strides = [1]} : vector<16xf32> to vector<1xf32>
        %squeeze3A_1089 = vector.extract %slice3A_1088[0] : f32 from vector<1xf32>
        %mul3A_1090 = arith.constant 16 : i32
        %mul3A_1091 = arith.muli %scan3A_349, %mul3A_1090 : i32
        %add3A_1092 = arith.constant 8 : i32
        %add3A_1093 = arith.addi %mul3A_1091, %add3A_1092 : i32
        %get3A_1094 = arith.index_cast %add3A_1093 : i32 to index
        %get3A_1095 = arith.constant 48 : index
        %get3A_1096 = tpu.vector_load %arg13[%get3A_1094, %get3A_1095] {strides = array<i32>} : memref<512x64xf32, #tpu.memory_space<vmem>>, vector<1x16xf32>,
        %get3A_1097 = vector.shape_cast %get3A_1096 : vector<1x16xf32> to vector<16xf32>
        %mul3A_1098 = vector.broadcast %squeeze3A_1089 : f32 to vector<16xf32>
        %mul3A_1099 = arith.mulf %mul3A_1098, %get3A_1097 : vector<16xf32>
        %slice3A_1100 = vector.extract_strided_slice %mul3A_358 {offsets = [9], sizes = [1], strides = [1]} : vector<16xf32> to vector<1xf32>
        %squeeze3A_1101 = vector.extract %slice3A_1100[0] : f32 from vector<1xf32>
        %mul3A_1102 = arith.constant 16 : i32
        %mul3A_1103 = arith.muli %scan3A_349, %mul3A_1102 : i32
        %add3A_1104 = arith.constant 9 : i32
        %add3A_1105 = arith.addi %mul3A_1103, %add3A_1104 : i32
        %get3A_1106 = arith.index_cast %add3A_1105 : i32 to index
        %get3A_1107 = arith.constant 48 : index
        %get3A_1108 = tpu.vector_load %arg13[%get3A_1106, %get3A_1107] {strides = array<i32>} : memref<512x64xf32, #tpu.memory_space<vmem>>, vector<1x16xf32>,
        %get3A_1109 = vector.shape_cast %get3A_1108 : vector<1x16xf32> to vector<16xf32>
        %mul3A_1110 = vector.broadcast %squeeze3A_1101 : f32 to vector<16xf32>
        %mul3A_1111 = arith.mulf %mul3A_1110, %get3A_1109 : vector<16xf32>
        %slice3A_1112 = vector.extract_strided_slice %mul3A_358 {offsets = [10], sizes = [1], strides = [1]} : vector<16xf32> to vector<1xf32>
        %squeeze3A_1113 = vector.extract %slice3A_1112[0] : f32 from vector<1xf32>
        %mul3A_1114 = arith.constant 16 : i32
        %mul3A_1115 = arith.muli %scan3A_349, %mul3A_1114 : i32
        %add3A_1116 = arith.constant 10 : i32
        %add3A_1117 = arith.addi %mul3A_1115, %add3A_1116 : i32
        %get3A_1118 = arith.index_cast %add3A_1117 : i32 to index
        %get3A_1119 = arith.constant 48 : index
        %get3A_1120 = tpu.vector_load %arg13[%get3A_1118, %get3A_1119] {strides = array<i32>} : memref<512x64xf32, #tpu.memory_space<vmem>>, vector<1x16xf32>,
        %get3A_1121 = vector.shape_cast %get3A_1120 : vector<1x16xf32> to vector<16xf32>
        %mul3A_1122 = vector.broadcast %squeeze3A_1113 : f32 to vector<16xf32>
        %mul3A_1123 = arith.mulf %mul3A_1122, %get3A_1121 : vector<16xf32>
        %slice3A_1124 = vector.extract_strided_slice %mul3A_358 {offsets = [11], sizes = [1], strides = [1]} : vector<16xf32> to vector<1xf32>
        %squeeze3A_1125 = vector.extract %slice3A_1124[0] : f32 from vector<1xf32>
        %mul3A_1126 = arith.constant 16 : i32
        %mul3A_1127 = arith.muli %scan3A_349, %mul3A_1126 : i32
        %add3A_1128 = arith.constant 11 : i32
        %add3A_1129 = arith.addi %mul3A_1127, %add3A_1128 : i32
        %get3A_1130 = arith.index_cast %add3A_1129 : i32 to index
        %get3A_1131 = arith.constant 48 : index
        %get3A_1132 = tpu.vector_load %arg13[%get3A_1130, %get3A_1131] {strides = array<i32>} : memref<512x64xf32, #tpu.memory_space<vmem>>, vector<1x16xf32>,
        %get3A_1133 = vector.shape_cast %get3A_1132 : vector<1x16xf32> to vector<16xf32>
        %mul3A_1134 = vector.broadcast %squeeze3A_1125 : f32 to vector<16xf32>
        %mul3A_1135 = arith.mulf %mul3A_1134, %get3A_1133 : vector<16xf32>
        %slice3A_1136 = vector.extract_strided_slice %mul3A_358 {offsets = [12], sizes = [1], strides = [1]} : vector<16xf32> to vector<1xf32>
        %squeeze3A_1137 = vector.extract %slice3A_1136[0] : f32 from vector<1xf32>
        %mul3A_1138 = arith.constant 16 : i32
        %mul3A_1139 = arith.muli %scan3A_349, %mul3A_1138 : i32
        %add3A_1140 = arith.constant 12 : i32
        %add3A_1141 = arith.addi %mul3A_1139, %add3A_1140 : i32
        %get3A_1142 = arith.index_cast %add3A_1141 : i32 to index
        %get3A_1143 = arith.constant 48 : index
        %get3A_1144 = tpu.vector_load %arg13[%get3A_1142, %get3A_1143] {strides = array<i32>} : memref<512x64xf32, #tpu.memory_space<vmem>>, vector<1x16xf32>,
        %get3A_1145 = vector.shape_cast %get3A_1144 : vector<1x16xf32> to vector<16xf32>
        %mul3A_1146 = vector.broadcast %squeeze3A_1137 : f32 to vector<16xf32>
        %mul3A_1147 = arith.mulf %mul3A_1146, %get3A_1145 : vector<16xf32>
        %slice3A_1148 = vector.extract_strided_slice %mul3A_358 {offsets = [13], sizes = [1], strides = [1]} : vector<16xf32> to vector<1xf32>
        %squeeze3A_1149 = vector.extract %slice3A_1148[0] : f32 from vector<1xf32>
        %mul3A_1150 = arith.constant 16 : i32
        %mul3A_1151 = arith.muli %scan3A_349, %mul3A_1150 : i32
        %add3A_1152 = arith.constant 13 : i32
        %add3A_1153 = arith.addi %mul3A_1151, %add3A_1152 : i32
        %get3A_1154 = arith.index_cast %add3A_1153 : i32 to index
        %get3A_1155 = arith.constant 48 : index
        %get3A_1156 = tpu.vector_load %arg13[%get3A_1154, %get3A_1155] {strides = array<i32>} : memref<512x64xf32, #tpu.memory_space<vmem>>, vector<1x16xf32>,
        %get3A_1157 = vector.shape_cast %get3A_1156 : vector<1x16xf32> to vector<16xf32>
        %mul3A_1158 = vector.broadcast %squeeze3A_1149 : f32 to vector<16xf32>
        %mul3A_1159 = arith.mulf %mul3A_1158, %get3A_1157 : vector<16xf32>
        %slice3A_1160 = vector.extract_strided_slice %mul3A_358 {offsets = [14], sizes = [1], strides = [1]} : vector<16xf32> to vector<1xf32>
        %squeeze3A_1161 = vector.extract %slice3A_1160[0] : f32 from vector<1xf32>
        %mul3A_1162 = arith.constant 16 : i32
        %mul3A_1163 = arith.muli %scan3A_349, %mul3A_1162 : i32
        %add3A_1164 = arith.constant 14 : i32
        %add3A_1165 = arith.addi %mul3A_1163, %add3A_1164 : i32
        %get3A_1166 = arith.index_cast %add3A_1165 : i32 to index
        %get3A_1167 = arith.constant 48 : index
        %get3A_1168 = tpu.vector_load %arg13[%get3A_1166, %get3A_1167] {strides = array<i32>} : memref<512x64xf32, #tpu.memory_space<vmem>>, vector<1x16xf32>,
        %get3A_1169 = vector.shape_cast %get3A_1168 : vector<1x16xf32> to vector<16xf32>
        %mul3A_1170 = vector.broadcast %squeeze3A_1161 : f32 to vector<16xf32>
        %mul3A_1171 = arith.mulf %mul3A_1170, %get3A_1169 : vector<16xf32>
        %slice3A_1172 = vector.extract_strided_slice %mul3A_358 {offsets = [15], sizes = [1], strides = [1]} : vector<16xf32> to vector<1xf32>
        %squeeze3A_1173 = vector.extract %slice3A_1172[0] : f32 from vector<1xf32>
        %mul3A_1174 = arith.constant 16 : i32
        %mul3A_1175 = arith.muli %scan3A_349, %mul3A_1174 : i32
        %add3A_1176 = arith.constant 15 : i32
        %add3A_1177 = arith.addi %mul3A_1175, %add3A_1176 : i32
        %get3A_1178 = arith.index_cast %add3A_1177 : i32 to index
        %get3A_1179 = arith.constant 48 : index
        %get3A_1180 = tpu.vector_load %arg13[%get3A_1178, %get3A_1179] {strides = array<i32>} : memref<512x64xf32, #tpu.memory_space<vmem>>, vector<1x16xf32>,
        %get3A_1181 = vector.shape_cast %get3A_1180 : vector<1x16xf32> to vector<16xf32>
        %mul3A_1182 = vector.broadcast %squeeze3A_1173 : f32 to vector<16xf32>
        %mul3A_1183 = arith.mulf %mul3A_1182, %get3A_1181 : vector<16xf32>
        %add3A_1184 = arith.addf %mul3A_1003, %mul3A_1015 : vector<16xf32>
        %add3A_1185 = arith.addf %mul3A_1027, %mul3A_1039 : vector<16xf32>
        %add3A_1186 = arith.addf %mul3A_1051, %mul3A_1063 : vector<16xf32>
        %add3A_1187 = arith.addf %mul3A_1075, %mul3A_1087 : vector<16xf32>
        %add3A_1188 = arith.addf %mul3A_1099, %mul3A_1111 : vector<16xf32>
        %add3A_1189 = arith.addf %mul3A_1123, %mul3A_1135 : vector<16xf32>
        %add3A_1190 = arith.addf %mul3A_1147, %mul3A_1159 : vector<16xf32>
        %add3A_1191 = arith.addf %mul3A_1171, %mul3A_1183 : vector<16xf32>
        %add3A_1192 = arith.addf %add3A_1184, %add3A_1185 : vector<16xf32>
        %add3A_1193 = arith.addf %add3A_1186, %add3A_1187 : vector<16xf32>
        %add3A_1194 = arith.addf %add3A_1188, %add3A_1189 : vector<16xf32>
        %add3A_1195 = arith.addf %add3A_1190, %add3A_1191 : vector<16xf32>
        %add3A_1196 = arith.addf %add3A_1192, %add3A_1193 : vector<16xf32>
        %add3A_1197 = arith.addf %add3A_1194, %add3A_1195 : vector<16xf32>
        %add3A_1198 = arith.addf %add3A_1196, %add3A_1197 : vector<16xf32>
        %swap3A_1199 = arith.index_cast %scan3A_349 : i32 to index
        %swap3A_1200 = arith.constant 48 : index
        %swap3A_1201 = tpu.vector_load %arg15[%swap3A_1199, %swap3A_1200] {strides = array<i32>} : memref<32x64xf32, #tpu.memory_space<vmem>>, vector<1x16xf32>,
        %swap3A_1202 = vector.shape_cast %swap3A_1201 : vector<1x16xf32> to vector<16xf32>
        %swap3A_1203 = vector.shape_cast %add3A_1198 : vector<16xf32> to vector<1x16xf32>
        tpu.vector_store %arg15[%swap3A_1199, %swap3A_1200], %swap3A_1203 {strides = array<i32>} : memref<32x64xf32, #tpu.memory_space<vmem>>, vector<1x16xf32>,
        %scan3A_1204 = arith.constant 0 : i32
        scf.yield %scan3A_1204 : i32
      }
      %scan3A_247 = arith.constant 32 : i32
      %dma_start3A_248 = arith.constant 0 : i32
      %dma_start3A_249 = tpu.memref_slice %arg6[%add3A_238, %dma_start3A_248] : memref<16384x64xf32, #tpu.memory_space<hbm>> -> memref<32x64xf32, #tpu.memory_space<hbm>>
      %dma_start3A_250 = arith.constant 0 : i32
      %dma_start3A_251 = tpu.memref_slice %arg6[%add3A_238, %dma_start3A_250] : memref<16384x64xf32, #tpu.memory_space<hbm>> -> memref<32x64xf32, #tpu.memory_space<hbm>>
      tpu.enqueue_dma source(%arg15 : memref<32x64xf32, #tpu.memory_space<vmem>>) target(%dma_start3A_251 : memref<32x64xf32, #tpu.memory_space<hbm>>) target_semaphore(%arg23 : memref<!tpu.dma_semaphore, #tpu.memory_space<semaphore_mem>>)
      %add3A_252 = arith.constant 2 : i32
      %add3A_253 = arith.addi %mul3A_108, %add3A_252 : i32
      %lt3A = arith.constant 16 : i32
      %lt3A_254 = arith.cmpi slt, %add3A_253, %lt3A : i32
      %convert_element_type3A_255 = arith.extui %lt3A_254 : i1 to i32
      %cond3A_256 = arith.constant 0 : i32
      %cond3A_257 = arith.cmpi ne, %convert_element_type3A_255, %cond3A_256 : i32
      scf.if %cond3A_257 {
        %add3A_349 = arith.constant 2 : i32
        %add3A_350 = arith.addi %mul3A_108, %add3A_349 : i32
        %mul3A_351 = arith.constant 512 : i32
        %mul3A_352 = arith.muli %add3A, %mul3A_351 : i32
        %mul3A_353 = arith.constant 32 : i32
        %mul3A_354 = arith.muli %add3A_350, %mul3A_353 : i32
        %add3A_355 = arith.addi %mul3A_352, %mul3A_354 : i32
        %mul3A_356 = arith.constant 16 : i32
        %mul3A_357 = arith.muli %add3A_355, %mul3A_356 : i32
        %dma_start3A_358 = tpu.memref_slice %arg2[%mul3A_357] : memref<262144xi32, #tpu.memory_space<hbm>> -> memref<512xi32, #tpu.memory_space<hbm>>
        %dma_start3A_359 = tpu.memref_slice %arg2[%mul3A_357] : memref<262144xi32, #tpu.memory_space<hbm>> -> memref<512xi32, #tpu.memory_space<hbm>>
        tpu.enqueue_dma source(%dma_start3A_359 : memref<512xi32, #tpu.memory_space<hbm>>) target(%arg7 : memref<512xi32, #tpu.memory_space<vmem>>) target_semaphore(%arg17 : memref<!tpu.dma_semaphore, #tpu.memory_space<semaphore_mem>>)
        %dma_start3A_360 = tpu.memref_slice %arg3[%mul3A_357] : memref<262144xf32, #tpu.memory_space<hbm>> -> memref<512xf32, #tpu.memory_space<hbm>>
        %dma_start3A_361 = tpu.memref_slice %arg3[%mul3A_357] : memref<262144xf32, #tpu.memory_space<hbm>> -> memref<512xf32, #tpu.memory_space<hbm>>
        tpu.enqueue_dma source(%dma_start3A_361 : memref<512xf32, #tpu.memory_space<hbm>>) target(%arg9 : memref<512xf32, #tpu.memory_space<vmem>>) target_semaphore(%arg17 : memref<!tpu.dma_semaphore, #tpu.memory_space<semaphore_mem>>)
      } else {
      }
      %dma_wait3A_258 = arith.constant 0 : i32
      %dma_wait3A_259 = arith.constant 0 : i32
      %dma_wait3A_260 = tpu.memref_slice %arg14[%dma_wait3A_258, %dma_wait3A_259] : memref<512x64xf32, #tpu.memory_space<vmem>> -> memref<128x64xf32, #tpu.memory_space<vmem>>
      %dma_wait3A_261 = arith.constant 0 : i32
      %dma_wait3A_262 = tpu.memref_slice %arg8[%dma_wait3A_261] : memref<512xi32, #tpu.memory_space<vmem>> -> memref<128xi32, #tpu.memory_space<vmem>>
      %dma_wait3A_263 = arith.constant 0 : i32
      %dma_wait3A_264 = arith.constant 0 : i32
      %dma_wait3A_265 = tpu.memref_slice %arg4[%dma_wait3A_263, %dma_wait3A_264] : memref<50000x64xf32, #tpu.memory_space<hbm>> -> memref<50000x64xf32, #tpu.memory_space<hbm>>
      tpu.wait_indirect_dma semaphore(%arg20 : memref<!tpu.dma_semaphore, #tpu.memory_space<semaphore_mem>>) src(%dma_wait3A_265 : memref<50000x64xf32, #tpu.memory_space<hbm>>) dst(%dma_wait3A_260 : memref<128x64xf32, #tpu.memory_space<vmem>>)
      %dma_wait3A_266 = arith.constant 0 : i32
      %dma_wait3A_267 = tpu.memref_slice %arg12[%dma_wait3A_266] : memref<512xf32, #tpu.memory_space<vmem>> -> memref<128xf32, #tpu.memory_space<vmem>>
      %dma_wait3A_268 = arith.constant 0 : i32
      %dma_wait3A_269 = tpu.memref_slice %arg8[%dma_wait3A_268] : memref<512xi32, #tpu.memory_space<vmem>> -> memref<128xi32, #tpu.memory_space<vmem>>
      %dma_wait3A_270 = arith.constant 0 : i32
      %dma_wait3A_271 = tpu.memref_slice %arg5[%dma_wait3A_270] : memref<50000xf32, #tpu.memory_space<hbm>> -> memref<50000xf32, #tpu.memory_space<hbm>>
      tpu.wait_indirect_dma semaphore(%arg22 : memref<!tpu.dma_semaphore, #tpu.memory_space<semaphore_mem>>) src(%dma_wait3A_271 : memref<50000xf32, #tpu.memory_space<hbm>>) dst(%dma_wait3A_267 : memref<128xf32, #tpu.memory_space<vmem>>)
      %dma_wait3A_272 = arith.constant 128 : i32
      %dma_wait3A_273 = arith.constant 0 : i32
      %dma_wait3A_274 = tpu.memref_slice %arg14[%dma_wait3A_272, %dma_wait3A_273] : memref<512x64xf32, #tpu.memory_space<vmem>> -> memref<128x64xf32, #tpu.memory_space<vmem>>
      %dma_wait3A_275 = arith.constant 128 : i32
      %dma_wait3A_276 = tpu.memref_slice %arg8[%dma_wait3A_275] : memref<512xi32, #tpu.memory_space<vmem>> -> memref<128xi32, #tpu.memory_space<vmem>>
      %dma_wait3A_277 = arith.constant 0 : i32
      %dma_wait3A_278 = arith.constant 0 : i32
      %dma_wait3A_279 = tpu.memref_slice %arg4[%dma_wait3A_277, %dma_wait3A_278] : memref<50000x64xf32, #tpu.memory_space<hbm>> -> memref<50000x64xf32, #tpu.memory_space<hbm>>
      tpu.wait_indirect_dma semaphore(%arg20 : memref<!tpu.dma_semaphore, #tpu.memory_space<semaphore_mem>>) src(%dma_wait3A_279 : memref<50000x64xf32, #tpu.memory_space<hbm>>) dst(%dma_wait3A_274 : memref<128x64xf32, #tpu.memory_space<vmem>>)
      %dma_wait3A_280 = arith.constant 128 : i32
      %dma_wait3A_281 = tpu.memref_slice %arg12[%dma_wait3A_280] : memref<512xf32, #tpu.memory_space<vmem>> -> memref<128xf32, #tpu.memory_space<vmem>>
      %dma_wait3A_282 = arith.constant 128 : i32
      %dma_wait3A_283 = tpu.memref_slice %arg8[%dma_wait3A_282] : memref<512xi32, #tpu.memory_space<vmem>> -> memref<128xi32, #tpu.memory_space<vmem>>
      %dma_wait3A_284 = arith.constant 0 : i32
      %dma_wait3A_285 = tpu.memref_slice %arg5[%dma_wait3A_284] : memref<50000xf32, #tpu.memory_space<hbm>> -> memref<50000xf32, #tpu.memory_space<hbm>>
      tpu.wait_indirect_dma semaphore(%arg22 : memref<!tpu.dma_semaphore, #tpu.memory_space<semaphore_mem>>) src(%dma_wait3A_285 : memref<50000xf32, #tpu.memory_space<hbm>>) dst(%dma_wait3A_281 : memref<128xf32, #tpu.memory_space<vmem>>)
      %dma_wait3A_286 = arith.constant 256 : i32
      %dma_wait3A_287 = arith.constant 0 : i32
      %dma_wait3A_288 = tpu.memref_slice %arg14[%dma_wait3A_286, %dma_wait3A_287] : memref<512x64xf32, #tpu.memory_space<vmem>> -> memref<128x64xf32, #tpu.memory_space<vmem>>
      %dma_wait3A_289 = arith.constant 256 : i32
      %dma_wait3A_290 = tpu.memref_slice %arg8[%dma_wait3A_289] : memref<512xi32, #tpu.memory_space<vmem>> -> memref<128xi32, #tpu.memory_space<vmem>>
      %dma_wait3A_291 = arith.constant 0 : i32
      %dma_wait3A_292 = arith.constant 0 : i32
      %dma_wait3A_293 = tpu.memref_slice %arg4[%dma_wait3A_291, %dma_wait3A_292] : memref<50000x64xf32, #tpu.memory_space<hbm>> -> memref<50000x64xf32, #tpu.memory_space<hbm>>
      tpu.wait_indirect_dma semaphore(%arg20 : memref<!tpu.dma_semaphore, #tpu.memory_space<semaphore_mem>>) src(%dma_wait3A_293 : memref<50000x64xf32, #tpu.memory_space<hbm>>) dst(%dma_wait3A_288 : memref<128x64xf32, #tpu.memory_space<vmem>>)
      %dma_wait3A_294 = arith.constant 256 : i32
      %dma_wait3A_295 = tpu.memref_slice %arg12[%dma_wait3A_294] : memref<512xf32, #tpu.memory_space<vmem>> -> memref<128xf32, #tpu.memory_space<vmem>>
      %dma_wait3A_296 = arith.constant 256 : i32
      %dma_wait3A_297 = tpu.memref_slice %arg8[%dma_wait3A_296] : memref<512xi32, #tpu.memory_space<vmem>> -> memref<128xi32, #tpu.memory_space<vmem>>
      %dma_wait3A_298 = arith.constant 0 : i32
      %dma_wait3A_299 = tpu.memref_slice %arg5[%dma_wait3A_298] : memref<50000xf32, #tpu.memory_space<hbm>> -> memref<50000xf32, #tpu.memory_space<hbm>>
      tpu.wait_indirect_dma semaphore(%arg22 : memref<!tpu.dma_semaphore, #tpu.memory_space<semaphore_mem>>) src(%dma_wait3A_299 : memref<50000xf32, #tpu.memory_space<hbm>>) dst(%dma_wait3A_295 : memref<128xf32, #tpu.memory_space<vmem>>)
      %dma_wait3A_300 = arith.constant 384 : i32
      %dma_wait3A_301 = arith.constant 0 : i32
      %dma_wait3A_302 = tpu.memref_slice %arg14[%dma_wait3A_300, %dma_wait3A_301] : memref<512x64xf32, #tpu.memory_space<vmem>> -> memref<128x64xf32, #tpu.memory_space<vmem>>
      %dma_wait3A_303 = arith.constant 384 : i32
      %dma_wait3A_304 = tpu.memref_slice %arg8[%dma_wait3A_303] : memref<512xi32, #tpu.memory_space<vmem>> -> memref<128xi32, #tpu.memory_space<vmem>>
      %dma_wait3A_305 = arith.constant 0 : i32
      %dma_wait3A_306 = arith.constant 0 : i32
      %dma_wait3A_307 = tpu.memref_slice %arg4[%dma_wait3A_305, %dma_wait3A_306] : memref<50000x64xf32, #tpu.memory_space<hbm>> -> memref<50000x64xf32, #tpu.memory_space<hbm>>
      tpu.wait_indirect_dma semaphore(%arg20 : memref<!tpu.dma_semaphore, #tpu.memory_space<semaphore_mem>>) src(%dma_wait3A_307 : memref<50000x64xf32, #tpu.memory_space<hbm>>) dst(%dma_wait3A_302 : memref<128x64xf32, #tpu.memory_space<vmem>>)
      %dma_wait3A_308 = arith.constant 384 : i32
      %dma_wait3A_309 = tpu.memref_slice %arg12[%dma_wait3A_308] : memref<512xf32, #tpu.memory_space<vmem>> -> memref<128xf32, #tpu.memory_space<vmem>>
      %dma_wait3A_310 = arith.constant 384 : i32
      %dma_wait3A_311 = tpu.memref_slice %arg8[%dma_wait3A_310] : memref<512xi32, #tpu.memory_space<vmem>> -> memref<128xi32, #tpu.memory_space<vmem>>
      %dma_wait3A_312 = arith.constant 0 : i32
      %dma_wait3A_313 = tpu.memref_slice %arg5[%dma_wait3A_312] : memref<50000xf32, #tpu.memory_space<hbm>> -> memref<50000xf32, #tpu.memory_space<hbm>>
      tpu.wait_indirect_dma semaphore(%arg22 : memref<!tpu.dma_semaphore, #tpu.memory_space<semaphore_mem>>) src(%dma_wait3A_313 : memref<50000xf32, #tpu.memory_space<hbm>>) dst(%dma_wait3A_309 : memref<128xf32, #tpu.memory_space<vmem>>)
      %mul3A_314 = arith.constant 512 : i32
      %mul3A_315 = arith.muli %add3A, %mul3A_314 : i32
      %mul3A_316 = arith.constant 32 : i32
      %mul3A_317 = arith.muli %add3A_110, %mul3A_316 : i32
      %add3A_318 = arith.addi %mul3A_315, %mul3A_317 : i32
      %ge3A_319 = arith.constant 2 : i32
      %ge3A_320 = arith.cmpi sge, %add3A_110, %ge3A_319 : i32
      %convert_element_type3A_321 = arith.extui %ge3A_320 : i1 to i32
      %cond3A_322 = arith.constant 0 : i32
      %cond3A_323 = arith.cmpi ne, %convert_element_type3A_321, %cond3A_322 : i32
      scf.if %cond3A_323 {
        %dma_wait3A_349 = arith.constant 0 : i32
        %dma_wait3A_350 = tpu.memref_slice %arg6[%add3A_318, %dma_wait3A_349] : memref<16384x64xf32, #tpu.memory_space<hbm>> -> memref<32x64xf32, #tpu.memory_space<hbm>>
        %dma_wait3A_351 = arith.constant 0 : i32
        %dma_wait3A_352 = tpu.memref_slice %arg6[%add3A_318, %dma_wait3A_351] : memref<16384x64xf32, #tpu.memory_space<hbm>> -> memref<32x64xf32, #tpu.memory_space<hbm>>
        tpu.wait_dma2 semaphore(%arg24 : memref<!tpu.dma_semaphore, #tpu.memory_space<semaphore_mem>>) src(%arg16 : memref<32x64xf32, #tpu.memory_space<vmem>>) dst(%dma_wait3A_352 : memref<32x64xf32, #tpu.memory_space<hbm>>)
      } else {
      }
      %scan3A_324 = arith.constant 0 : i32
      %scan3A_325 = arith.constant 0 : i32
      %scan3A_326 = arith.constant 32 : i32
      %scan3A_327 = arith.addi %scan3A_325, %scan3A_326 : i32
      %scan3A_328 = arith.constant 1 : i32
      %scan3A_329 = scf.for %scan3A_349 = %scan3A_325 to %scan3A_327 step %scan3A_328 iter_args(%scan3A_350 = %scan3A_324) -> (i32)  : i32 {
        %mul3A_351 = arith.constant 16 : i32
        %mul3A_352 = arith.muli %scan3A_349, %mul3A_351 : i32
        %multiple_of3A = tpu.assume_multiple %mul3A_352, 16 : i32
        %get3A = arith.index_cast %multiple_of3A : i32 to index
        %get3A_353 = tpu.vector_load %arg10[%get3A] {strides = array<i32>} : memref<512xf32, #tpu.memory_space<vmem>>, vector<16xf32>,
        %get3A_354 = vector.shape_cast %get3A_353 : vector<16xf32> to vector<16xf32>
        %get3A_355 = arith.index_cast %multiple_of3A : i32 to index
        %get3A_356 = tpu.vector_load %arg12[%get3A_355] {strides = array<i32>} : memref<512xf32, #tpu.memory_space<vmem>>, vector<16xf32>,
        %get3A_357 = vector.shape_cast %get3A_356 : vector<16xf32> to vector<16xf32>
        %mul3A_358 = arith.mulf %get3A_354, %get3A_357 : vector<16xf32>
        %slice3A = vector.extract_strided_slice %mul3A_358 {offsets = [0], sizes = [1], strides = [1]} : vector<16xf32> to vector<1xf32>
        %squeeze3A = vector.extract %slice3A[0] : f32 from vector<1xf32>
        %mul3A_359 = arith.constant 16 : i32
        %mul3A_360 = arith.muli %scan3A_349, %mul3A_359 : i32
        %add3A_361 = arith.constant 0 : i32
        %add3A_362 = arith.addi %mul3A_360, %add3A_361 : i32
        %get3A_363 = arith.index_cast %add3A_362 : i32 to index
        %get3A_364 = arith.constant 0 : index
        %get3A_365 = tpu.vector_load %arg14[%get3A_363, %get3A_364] {strides = array<i32>} : memref<512x64xf32, #tpu.memory_space<vmem>>, vector<1x16xf32>,
        %get3A_366 = vector.shape_cast %get3A_365 : vector<1x16xf32> to vector<16xf32>
        %mul3A_367 = vector.broadcast %squeeze3A : f32 to vector<16xf32>
        %mul3A_368 = arith.mulf %mul3A_367, %get3A_366 : vector<16xf32>
        %slice3A_369 = vector.extract_strided_slice %mul3A_358 {offsets = [1], sizes = [1], strides = [1]} : vector<16xf32> to vector<1xf32>
        %squeeze3A_370 = vector.extract %slice3A_369[0] : f32 from vector<1xf32>
        %mul3A_371 = arith.constant 16 : i32
        %mul3A_372 = arith.muli %scan3A_349, %mul3A_371 : i32
        %add3A_373 = arith.constant 1 : i32
        %add3A_374 = arith.addi %mul3A_372, %add3A_373 : i32
        %get3A_375 = arith.index_cast %add3A_374 : i32 to index
        %get3A_376 = arith.constant 0 : index
        %get3A_377 = tpu.vector_load %arg14[%get3A_375, %get3A_376] {strides = array<i32>} : memref<512x64xf32, #tpu.memory_space<vmem>>, vector<1x16xf32>,
        %get3A_378 = vector.shape_cast %get3A_377 : vector<1x16xf32> to vector<16xf32>
        %mul3A_379 = vector.broadcast %squeeze3A_370 : f32 to vector<16xf32>
        %mul3A_380 = arith.mulf %mul3A_379, %get3A_378 : vector<16xf32>
        %slice3A_381 = vector.extract_strided_slice %mul3A_358 {offsets = [2], sizes = [1], strides = [1]} : vector<16xf32> to vector<1xf32>
        %squeeze3A_382 = vector.extract %slice3A_381[0] : f32 from vector<1xf32>
        %mul3A_383 = arith.constant 16 : i32
        %mul3A_384 = arith.muli %scan3A_349, %mul3A_383 : i32
        %add3A_385 = arith.constant 2 : i32
        %add3A_386 = arith.addi %mul3A_384, %add3A_385 : i32
        %get3A_387 = arith.index_cast %add3A_386 : i32 to index
        %get3A_388 = arith.constant 0 : index
        %get3A_389 = tpu.vector_load %arg14[%get3A_387, %get3A_388] {strides = array<i32>} : memref<512x64xf32, #tpu.memory_space<vmem>>, vector<1x16xf32>,
        %get3A_390 = vector.shape_cast %get3A_389 : vector<1x16xf32> to vector<16xf32>
        %mul3A_391 = vector.broadcast %squeeze3A_382 : f32 to vector<16xf32>
        %mul3A_392 = arith.mulf %mul3A_391, %get3A_390 : vector<16xf32>
        %slice3A_393 = vector.extract_strided_slice %mul3A_358 {offsets = [3], sizes = [1], strides = [1]} : vector<16xf32> to vector<1xf32>
        %squeeze3A_394 = vector.extract %slice3A_393[0] : f32 from vector<1xf32>
        %mul3A_395 = arith.constant 16 : i32
        %mul3A_396 = arith.muli %scan3A_349, %mul3A_395 : i32
        %add3A_397 = arith.constant 3 : i32
        %add3A_398 = arith.addi %mul3A_396, %add3A_397 : i32
        %get3A_399 = arith.index_cast %add3A_398 : i32 to index
        %get3A_400 = arith.constant 0 : index
        %get3A_401 = tpu.vector_load %arg14[%get3A_399, %get3A_400] {strides = array<i32>} : memref<512x64xf32, #tpu.memory_space<vmem>>, vector<1x16xf32>,
        %get3A_402 = vector.shape_cast %get3A_401 : vector<1x16xf32> to vector<16xf32>
        %mul3A_403 = vector.broadcast %squeeze3A_394 : f32 to vector<16xf32>
        %mul3A_404 = arith.mulf %mul3A_403, %get3A_402 : vector<16xf32>
        %slice3A_405 = vector.extract_strided_slice %mul3A_358 {offsets = [4], sizes = [1], strides = [1]} : vector<16xf32> to vector<1xf32>
        %squeeze3A_406 = vector.extract %slice3A_405[0] : f32 from vector<1xf32>
        %mul3A_407 = arith.constant 16 : i32
        %mul3A_408 = arith.muli %scan3A_349, %mul3A_407 : i32
        %add3A_409 = arith.constant 4 : i32
        %add3A_410 = arith.addi %mul3A_408, %add3A_409 : i32
        %get3A_411 = arith.index_cast %add3A_410 : i32 to index
        %get3A_412 = arith.constant 0 : index
        %get3A_413 = tpu.vector_load %arg14[%get3A_411, %get3A_412] {strides = array<i32>} : memref<512x64xf32, #tpu.memory_space<vmem>>, vector<1x16xf32>,
        %get3A_414 = vector.shape_cast %get3A_413 : vector<1x16xf32> to vector<16xf32>
        %mul3A_415 = vector.broadcast %squeeze3A_406 : f32 to vector<16xf32>
        %mul3A_416 = arith.mulf %mul3A_415, %get3A_414 : vector<16xf32>
        %slice3A_417 = vector.extract_strided_slice %mul3A_358 {offsets = [5], sizes = [1], strides = [1]} : vector<16xf32> to vector<1xf32>
        %squeeze3A_418 = vector.extract %slice3A_417[0] : f32 from vector<1xf32>
        %mul3A_419 = arith.constant 16 : i32
        %mul3A_420 = arith.muli %scan3A_349, %mul3A_419 : i32
        %add3A_421 = arith.constant 5 : i32
        %add3A_422 = arith.addi %mul3A_420, %add3A_421 : i32
        %get3A_423 = arith.index_cast %add3A_422 : i32 to index
        %get3A_424 = arith.constant 0 : index
        %get3A_425 = tpu.vector_load %arg14[%get3A_423, %get3A_424] {strides = array<i32>} : memref<512x64xf32, #tpu.memory_space<vmem>>, vector<1x16xf32>,
        %get3A_426 = vector.shape_cast %get3A_425 : vector<1x16xf32> to vector<16xf32>
        %mul3A_427 = vector.broadcast %squeeze3A_418 : f32 to vector<16xf32>
        %mul3A_428 = arith.mulf %mul3A_427, %get3A_426 : vector<16xf32>
        %slice3A_429 = vector.extract_strided_slice %mul3A_358 {offsets = [6], sizes = [1], strides = [1]} : vector<16xf32> to vector<1xf32>
        %squeeze3A_430 = vector.extract %slice3A_429[0] : f32 from vector<1xf32>
        %mul3A_431 = arith.constant 16 : i32
        %mul3A_432 = arith.muli %scan3A_349, %mul3A_431 : i32
        %add3A_433 = arith.constant 6 : i32
        %add3A_434 = arith.addi %mul3A_432, %add3A_433 : i32
        %get3A_435 = arith.index_cast %add3A_434 : i32 to index
        %get3A_436 = arith.constant 0 : index
        %get3A_437 = tpu.vector_load %arg14[%get3A_435, %get3A_436] {strides = array<i32>} : memref<512x64xf32, #tpu.memory_space<vmem>>, vector<1x16xf32>,
        %get3A_438 = vector.shape_cast %get3A_437 : vector<1x16xf32> to vector<16xf32>
        %mul3A_439 = vector.broadcast %squeeze3A_430 : f32 to vector<16xf32>
        %mul3A_440 = arith.mulf %mul3A_439, %get3A_438 : vector<16xf32>
        %slice3A_441 = vector.extract_strided_slice %mul3A_358 {offsets = [7], sizes = [1], strides = [1]} : vector<16xf32> to vector<1xf32>
        %squeeze3A_442 = vector.extract %slice3A_441[0] : f32 from vector<1xf32>
        %mul3A_443 = arith.constant 16 : i32
        %mul3A_444 = arith.muli %scan3A_349, %mul3A_443 : i32
        %add3A_445 = arith.constant 7 : i32
        %add3A_446 = arith.addi %mul3A_444, %add3A_445 : i32
        %get3A_447 = arith.index_cast %add3A_446 : i32 to index
        %get3A_448 = arith.constant 0 : index
        %get3A_449 = tpu.vector_load %arg14[%get3A_447, %get3A_448] {strides = array<i32>} : memref<512x64xf32, #tpu.memory_space<vmem>>, vector<1x16xf32>,
        %get3A_450 = vector.shape_cast %get3A_449 : vector<1x16xf32> to vector<16xf32>
        %mul3A_451 = vector.broadcast %squeeze3A_442 : f32 to vector<16xf32>
        %mul3A_452 = arith.mulf %mul3A_451, %get3A_450 : vector<16xf32>
        %slice3A_453 = vector.extract_strided_slice %mul3A_358 {offsets = [8], sizes = [1], strides = [1]} : vector<16xf32> to vector<1xf32>
        %squeeze3A_454 = vector.extract %slice3A_453[0] : f32 from vector<1xf32>
        %mul3A_455 = arith.constant 16 : i32
        %mul3A_456 = arith.muli %scan3A_349, %mul3A_455 : i32
        %add3A_457 = arith.constant 8 : i32
        %add3A_458 = arith.addi %mul3A_456, %add3A_457 : i32
        %get3A_459 = arith.index_cast %add3A_458 : i32 to index
        %get3A_460 = arith.constant 0 : index
        %get3A_461 = tpu.vector_load %arg14[%get3A_459, %get3A_460] {strides = array<i32>} : memref<512x64xf32, #tpu.memory_space<vmem>>, vector<1x16xf32>,
        %get3A_462 = vector.shape_cast %get3A_461 : vector<1x16xf32> to vector<16xf32>
        %mul3A_463 = vector.broadcast %squeeze3A_454 : f32 to vector<16xf32>
        %mul3A_464 = arith.mulf %mul3A_463, %get3A_462 : vector<16xf32>
        %slice3A_465 = vector.extract_strided_slice %mul3A_358 {offsets = [9], sizes = [1], strides = [1]} : vector<16xf32> to vector<1xf32>
        %squeeze3A_466 = vector.extract %slice3A_465[0] : f32 from vector<1xf32>
        %mul3A_467 = arith.constant 16 : i32
        %mul3A_468 = arith.muli %scan3A_349, %mul3A_467 : i32
        %add3A_469 = arith.constant 9 : i32
        %add3A_470 = arith.addi %mul3A_468, %add3A_469 : i32
        %get3A_471 = arith.index_cast %add3A_470 : i32 to index
        %get3A_472 = arith.constant 0 : index
        %get3A_473 = tpu.vector_load %arg14[%get3A_471, %get3A_472] {strides = array<i32>} : memref<512x64xf32, #tpu.memory_space<vmem>>, vector<1x16xf32>,
        %get3A_474 = vector.shape_cast %get3A_473 : vector<1x16xf32> to vector<16xf32>
        %mul3A_475 = vector.broadcast %squeeze3A_466 : f32 to vector<16xf32>
        %mul3A_476 = arith.mulf %mul3A_475, %get3A_474 : vector<16xf32>
        %slice3A_477 = vector.extract_strided_slice %mul3A_358 {offsets = [10], sizes = [1], strides = [1]} : vector<16xf32> to vector<1xf32>
        %squeeze3A_478 = vector.extract %slice3A_477[0] : f32 from vector<1xf32>
        %mul3A_479 = arith.constant 16 : i32
        %mul3A_480 = arith.muli %scan3A_349, %mul3A_479 : i32
        %add3A_481 = arith.constant 10 : i32
        %add3A_482 = arith.addi %mul3A_480, %add3A_481 : i32
        %get3A_483 = arith.index_cast %add3A_482 : i32 to index
        %get3A_484 = arith.constant 0 : index
        %get3A_485 = tpu.vector_load %arg14[%get3A_483, %get3A_484] {strides = array<i32>} : memref<512x64xf32, #tpu.memory_space<vmem>>, vector<1x16xf32>,
        %get3A_486 = vector.shape_cast %get3A_485 : vector<1x16xf32> to vector<16xf32>
        %mul3A_487 = vector.broadcast %squeeze3A_478 : f32 to vector<16xf32>
        %mul3A_488 = arith.mulf %mul3A_487, %get3A_486 : vector<16xf32>
        %slice3A_489 = vector.extract_strided_slice %mul3A_358 {offsets = [11], sizes = [1], strides = [1]} : vector<16xf32> to vector<1xf32>
        %squeeze3A_490 = vector.extract %slice3A_489[0] : f32 from vector<1xf32>
        %mul3A_491 = arith.constant 16 : i32
        %mul3A_492 = arith.muli %scan3A_349, %mul3A_491 : i32
        %add3A_493 = arith.constant 11 : i32
        %add3A_494 = arith.addi %mul3A_492, %add3A_493 : i32
        %get3A_495 = arith.index_cast %add3A_494 : i32 to index
        %get3A_496 = arith.constant 0 : index
        %get3A_497 = tpu.vector_load %arg14[%get3A_495, %get3A_496] {strides = array<i32>} : memref<512x64xf32, #tpu.memory_space<vmem>>, vector<1x16xf32>,
        %get3A_498 = vector.shape_cast %get3A_497 : vector<1x16xf32> to vector<16xf32>
        %mul3A_499 = vector.broadcast %squeeze3A_490 : f32 to vector<16xf32>
        %mul3A_500 = arith.mulf %mul3A_499, %get3A_498 : vector<16xf32>
        %slice3A_501 = vector.extract_strided_slice %mul3A_358 {offsets = [12], sizes = [1], strides = [1]} : vector<16xf32> to vector<1xf32>
        %squeeze3A_502 = vector.extract %slice3A_501[0] : f32 from vector<1xf32>
        %mul3A_503 = arith.constant 16 : i32
        %mul3A_504 = arith.muli %scan3A_349, %mul3A_503 : i32
        %add3A_505 = arith.constant 12 : i32
        %add3A_506 = arith.addi %mul3A_504, %add3A_505 : i32
        %get3A_507 = arith.index_cast %add3A_506 : i32 to index
        %get3A_508 = arith.constant 0 : index
        %get3A_509 = tpu.vector_load %arg14[%get3A_507, %get3A_508] {strides = array<i32>} : memref<512x64xf32, #tpu.memory_space<vmem>>, vector<1x16xf32>,
        %get3A_510 = vector.shape_cast %get3A_509 : vector<1x16xf32> to vector<16xf32>
        %mul3A_511 = vector.broadcast %squeeze3A_502 : f32 to vector<16xf32>
        %mul3A_512 = arith.mulf %mul3A_511, %get3A_510 : vector<16xf32>
        %slice3A_513 = vector.extract_strided_slice %mul3A_358 {offsets = [13], sizes = [1], strides = [1]} : vector<16xf32> to vector<1xf32>
        %squeeze3A_514 = vector.extract %slice3A_513[0] : f32 from vector<1xf32>
        %mul3A_515 = arith.constant 16 : i32
        %mul3A_516 = arith.muli %scan3A_349, %mul3A_515 : i32
        %add3A_517 = arith.constant 13 : i32
        %add3A_518 = arith.addi %mul3A_516, %add3A_517 : i32
        %get3A_519 = arith.index_cast %add3A_518 : i32 to index
        %get3A_520 = arith.constant 0 : index
        %get3A_521 = tpu.vector_load %arg14[%get3A_519, %get3A_520] {strides = array<i32>} : memref<512x64xf32, #tpu.memory_space<vmem>>, vector<1x16xf32>,
        %get3A_522 = vector.shape_cast %get3A_521 : vector<1x16xf32> to vector<16xf32>
        %mul3A_523 = vector.broadcast %squeeze3A_514 : f32 to vector<16xf32>
        %mul3A_524 = arith.mulf %mul3A_523, %get3A_522 : vector<16xf32>
        %slice3A_525 = vector.extract_strided_slice %mul3A_358 {offsets = [14], sizes = [1], strides = [1]} : vector<16xf32> to vector<1xf32>
        %squeeze3A_526 = vector.extract %slice3A_525[0] : f32 from vector<1xf32>
        %mul3A_527 = arith.constant 16 : i32
        %mul3A_528 = arith.muli %scan3A_349, %mul3A_527 : i32
        %add3A_529 = arith.constant 14 : i32
        %add3A_530 = arith.addi %mul3A_528, %add3A_529 : i32
        %get3A_531 = arith.index_cast %add3A_530 : i32 to index
        %get3A_532 = arith.constant 0 : index
        %get3A_533 = tpu.vector_load %arg14[%get3A_531, %get3A_532] {strides = array<i32>} : memref<512x64xf32, #tpu.memory_space<vmem>>, vector<1x16xf32>,
        %get3A_534 = vector.shape_cast %get3A_533 : vector<1x16xf32> to vector<16xf32>
        %mul3A_535 = vector.broadcast %squeeze3A_526 : f32 to vector<16xf32>
        %mul3A_536 = arith.mulf %mul3A_535, %get3A_534 : vector<16xf32>
        %slice3A_537 = vector.extract_strided_slice %mul3A_358 {offsets = [15], sizes = [1], strides = [1]} : vector<16xf32> to vector<1xf32>
        %squeeze3A_538 = vector.extract %slice3A_537[0] : f32 from vector<1xf32>
        %mul3A_539 = arith.constant 16 : i32
        %mul3A_540 = arith.muli %scan3A_349, %mul3A_539 : i32
        %add3A_541 = arith.constant 15 : i32
        %add3A_542 = arith.addi %mul3A_540, %add3A_541 : i32
        %get3A_543 = arith.index_cast %add3A_542 : i32 to index
        %get3A_544 = arith.constant 0 : index
        %get3A_545 = tpu.vector_load %arg14[%get3A_543, %get3A_544] {strides = array<i32>} : memref<512x64xf32, #tpu.memory_space<vmem>>, vector<1x16xf32>,
        %get3A_546 = vector.shape_cast %get3A_545 : vector<1x16xf32> to vector<16xf32>
        %mul3A_547 = vector.broadcast %squeeze3A_538 : f32 to vector<16xf32>
        %mul3A_548 = arith.mulf %mul3A_547, %get3A_546 : vector<16xf32>
        %add3A_549 = arith.addf %mul3A_368, %mul3A_380 : vector<16xf32>
        %add3A_550 = arith.addf %mul3A_392, %mul3A_404 : vector<16xf32>
        %add3A_551 = arith.addf %mul3A_416, %mul3A_428 : vector<16xf32>
        %add3A_552 = arith.addf %mul3A_440, %mul3A_452 : vector<16xf32>
        %add3A_553 = arith.addf %mul3A_464, %mul3A_476 : vector<16xf32>
        %add3A_554 = arith.addf %mul3A_488, %mul3A_500 : vector<16xf32>
        %add3A_555 = arith.addf %mul3A_512, %mul3A_524 : vector<16xf32>
        %add3A_556 = arith.addf %mul3A_536, %mul3A_548 : vector<16xf32>
        %add3A_557 = arith.addf %add3A_549, %add3A_550 : vector<16xf32>
        %add3A_558 = arith.addf %add3A_551, %add3A_552 : vector<16xf32>
        %add3A_559 = arith.addf %add3A_553, %add3A_554 : vector<16xf32>
        %add3A_560 = arith.addf %add3A_555, %add3A_556 : vector<16xf32>
        %add3A_561 = arith.addf %add3A_557, %add3A_558 : vector<16xf32>
        %add3A_562 = arith.addf %add3A_559, %add3A_560 : vector<16xf32>
        %add3A_563 = arith.addf %add3A_561, %add3A_562 : vector<16xf32>
        %swap3A = arith.index_cast %scan3A_349 : i32 to index
        %swap3A_564 = arith.constant 0 : index
        %swap3A_565 = tpu.vector_load %arg16[%swap3A, %swap3A_564] {strides = array<i32>} : memref<32x64xf32, #tpu.memory_space<vmem>>, vector<1x16xf32>,
        %swap3A_566 = vector.shape_cast %swap3A_565 : vector<1x16xf32> to vector<16xf32>
        %swap3A_567 = vector.shape_cast %add3A_563 : vector<16xf32> to vector<1x16xf32>
        tpu.vector_store %arg16[%swap3A, %swap3A_564], %swap3A_567 {strides = array<i32>} : memref<32x64xf32, #tpu.memory_space<vmem>>, vector<1x16xf32>,
        %slice3A_568 = vector.extract_strided_slice %mul3A_358 {offsets = [0], sizes = [1], strides = [1]} : vector<16xf32> to vector<1xf32>
        %squeeze3A_569 = vector.extract %slice3A_568[0] : f32 from vector<1xf32>
        %mul3A_570 = arith.constant 16 : i32
        %mul3A_571 = arith.muli %scan3A_349, %mul3A_570 : i32
        %add3A_572 = arith.constant 0 : i32
        %add3A_573 = arith.addi %mul3A_571, %add3A_572 : i32
        %get3A_574 = arith.index_cast %add3A_573 : i32 to index
        %get3A_575 = arith.constant 16 : index
        %get3A_576 = tpu.vector_load %arg14[%get3A_574, %get3A_575] {strides = array<i32>} : memref<512x64xf32, #tpu.memory_space<vmem>>, vector<1x16xf32>,
        %get3A_577 = vector.shape_cast %get3A_576 : vector<1x16xf32> to vector<16xf32>
        %mul3A_578 = vector.broadcast %squeeze3A_569 : f32 to vector<16xf32>
        %mul3A_579 = arith.mulf %mul3A_578, %get3A_577 : vector<16xf32>
        %slice3A_580 = vector.extract_strided_slice %mul3A_358 {offsets = [1], sizes = [1], strides = [1]} : vector<16xf32> to vector<1xf32>
        %squeeze3A_581 = vector.extract %slice3A_580[0] : f32 from vector<1xf32>
        %mul3A_582 = arith.constant 16 : i32
        %mul3A_583 = arith.muli %scan3A_349, %mul3A_582 : i32
        %add3A_584 = arith.constant 1 : i32
        %add3A_585 = arith.addi %mul3A_583, %add3A_584 : i32
        %get3A_586 = arith.index_cast %add3A_585 : i32 to index
        %get3A_587 = arith.constant 16 : index
        %get3A_588 = tpu.vector_load %arg14[%get3A_586, %get3A_587] {strides = array<i32>} : memref<512x64xf32, #tpu.memory_space<vmem>>, vector<1x16xf32>,
        %get3A_589 = vector.shape_cast %get3A_588 : vector<1x16xf32> to vector<16xf32>
        %mul3A_590 = vector.broadcast %squeeze3A_581 : f32 to vector<16xf32>
        %mul3A_591 = arith.mulf %mul3A_590, %get3A_589 : vector<16xf32>
        %slice3A_592 = vector.extract_strided_slice %mul3A_358 {offsets = [2], sizes = [1], strides = [1]} : vector<16xf32> to vector<1xf32>
        %squeeze3A_593 = vector.extract %slice3A_592[0] : f32 from vector<1xf32>
        %mul3A_594 = arith.constant 16 : i32
        %mul3A_595 = arith.muli %scan3A_349, %mul3A_594 : i32
        %add3A_596 = arith.constant 2 : i32
        %add3A_597 = arith.addi %mul3A_595, %add3A_596 : i32
        %get3A_598 = arith.index_cast %add3A_597 : i32 to index
        %get3A_599 = arith.constant 16 : index
        %get3A_600 = tpu.vector_load %arg14[%get3A_598, %get3A_599] {strides = array<i32>} : memref<512x64xf32, #tpu.memory_space<vmem>>, vector<1x16xf32>,
        %get3A_601 = vector.shape_cast %get3A_600 : vector<1x16xf32> to vector<16xf32>
        %mul3A_602 = vector.broadcast %squeeze3A_593 : f32 to vector<16xf32>
        %mul3A_603 = arith.mulf %mul3A_602, %get3A_601 : vector<16xf32>
        %slice3A_604 = vector.extract_strided_slice %mul3A_358 {offsets = [3], sizes = [1], strides = [1]} : vector<16xf32> to vector<1xf32>
        %squeeze3A_605 = vector.extract %slice3A_604[0] : f32 from vector<1xf32>
        %mul3A_606 = arith.constant 16 : i32
        %mul3A_607 = arith.muli %scan3A_349, %mul3A_606 : i32
        %add3A_608 = arith.constant 3 : i32
        %add3A_609 = arith.addi %mul3A_607, %add3A_608 : i32
        %get3A_610 = arith.index_cast %add3A_609 : i32 to index
        %get3A_611 = arith.constant 16 : index
        %get3A_612 = tpu.vector_load %arg14[%get3A_610, %get3A_611] {strides = array<i32>} : memref<512x64xf32, #tpu.memory_space<vmem>>, vector<1x16xf32>,
        %get3A_613 = vector.shape_cast %get3A_612 : vector<1x16xf32> to vector<16xf32>
        %mul3A_614 = vector.broadcast %squeeze3A_605 : f32 to vector<16xf32>
        %mul3A_615 = arith.mulf %mul3A_614, %get3A_613 : vector<16xf32>
        %slice3A_616 = vector.extract_strided_slice %mul3A_358 {offsets = [4], sizes = [1], strides = [1]} : vector<16xf32> to vector<1xf32>
        %squeeze3A_617 = vector.extract %slice3A_616[0] : f32 from vector<1xf32>
        %mul3A_618 = arith.constant 16 : i32
        %mul3A_619 = arith.muli %scan3A_349, %mul3A_618 : i32
        %add3A_620 = arith.constant 4 : i32
        %add3A_621 = arith.addi %mul3A_619, %add3A_620 : i32
        %get3A_622 = arith.index_cast %add3A_621 : i32 to index
        %get3A_623 = arith.constant 16 : index
        %get3A_624 = tpu.vector_load %arg14[%get3A_622, %get3A_623] {strides = array<i32>} : memref<512x64xf32, #tpu.memory_space<vmem>>, vector<1x16xf32>,
        %get3A_625 = vector.shape_cast %get3A_624 : vector<1x16xf32> to vector<16xf32>
        %mul3A_626 = vector.broadcast %squeeze3A_617 : f32 to vector<16xf32>
        %mul3A_627 = arith.mulf %mul3A_626, %get3A_625 : vector<16xf32>
        %slice3A_628 = vector.extract_strided_slice %mul3A_358 {offsets = [5], sizes = [1], strides = [1]} : vector<16xf32> to vector<1xf32>
        %squeeze3A_629 = vector.extract %slice3A_628[0] : f32 from vector<1xf32>
        %mul3A_630 = arith.constant 16 : i32
        %mul3A_631 = arith.muli %scan3A_349, %mul3A_630 : i32
        %add3A_632 = arith.constant 5 : i32
        %add3A_633 = arith.addi %mul3A_631, %add3A_632 : i32
        %get3A_634 = arith.index_cast %add3A_633 : i32 to index
        %get3A_635 = arith.constant 16 : index
        %get3A_636 = tpu.vector_load %arg14[%get3A_634, %get3A_635] {strides = array<i32>} : memref<512x64xf32, #tpu.memory_space<vmem>>, vector<1x16xf32>,
        %get3A_637 = vector.shape_cast %get3A_636 : vector<1x16xf32> to vector<16xf32>
        %mul3A_638 = vector.broadcast %squeeze3A_629 : f32 to vector<16xf32>
        %mul3A_639 = arith.mulf %mul3A_638, %get3A_637 : vector<16xf32>
        %slice3A_640 = vector.extract_strided_slice %mul3A_358 {offsets = [6], sizes = [1], strides = [1]} : vector<16xf32> to vector<1xf32>
        %squeeze3A_641 = vector.extract %slice3A_640[0] : f32 from vector<1xf32>
        %mul3A_642 = arith.constant 16 : i32
        %mul3A_643 = arith.muli %scan3A_349, %mul3A_642 : i32
        %add3A_644 = arith.constant 6 : i32
        %add3A_645 = arith.addi %mul3A_643, %add3A_644 : i32
        %get3A_646 = arith.index_cast %add3A_645 : i32 to index
        %get3A_647 = arith.constant 16 : index
        %get3A_648 = tpu.vector_load %arg14[%get3A_646, %get3A_647] {strides = array<i32>} : memref<512x64xf32, #tpu.memory_space<vmem>>, vector<1x16xf32>,
        %get3A_649 = vector.shape_cast %get3A_648 : vector<1x16xf32> to vector<16xf32>
        %mul3A_650 = vector.broadcast %squeeze3A_641 : f32 to vector<16xf32>
        %mul3A_651 = arith.mulf %mul3A_650, %get3A_649 : vector<16xf32>
        %slice3A_652 = vector.extract_strided_slice %mul3A_358 {offsets = [7], sizes = [1], strides = [1]} : vector<16xf32> to vector<1xf32>
        %squeeze3A_653 = vector.extract %slice3A_652[0] : f32 from vector<1xf32>
        %mul3A_654 = arith.constant 16 : i32
        %mul3A_655 = arith.muli %scan3A_349, %mul3A_654 : i32
        %add3A_656 = arith.constant 7 : i32
        %add3A_657 = arith.addi %mul3A_655, %add3A_656 : i32
        %get3A_658 = arith.index_cast %add3A_657 : i32 to index
        %get3A_659 = arith.constant 16 : index
        %get3A_660 = tpu.vector_load %arg14[%get3A_658, %get3A_659] {strides = array<i32>} : memref<512x64xf32, #tpu.memory_space<vmem>>, vector<1x16xf32>,
        %get3A_661 = vector.shape_cast %get3A_660 : vector<1x16xf32> to vector<16xf32>
        %mul3A_662 = vector.broadcast %squeeze3A_653 : f32 to vector<16xf32>
        %mul3A_663 = arith.mulf %mul3A_662, %get3A_661 : vector<16xf32>
        %slice3A_664 = vector.extract_strided_slice %mul3A_358 {offsets = [8], sizes = [1], strides = [1]} : vector<16xf32> to vector<1xf32>
        %squeeze3A_665 = vector.extract %slice3A_664[0] : f32 from vector<1xf32>
        %mul3A_666 = arith.constant 16 : i32
        %mul3A_667 = arith.muli %scan3A_349, %mul3A_666 : i32
        %add3A_668 = arith.constant 8 : i32
        %add3A_669 = arith.addi %mul3A_667, %add3A_668 : i32
        %get3A_670 = arith.index_cast %add3A_669 : i32 to index
        %get3A_671 = arith.constant 16 : index
        %get3A_672 = tpu.vector_load %arg14[%get3A_670, %get3A_671] {strides = array<i32>} : memref<512x64xf32, #tpu.memory_space<vmem>>, vector<1x16xf32>,
        %get3A_673 = vector.shape_cast %get3A_672 : vector<1x16xf32> to vector<16xf32>
        %mul3A_674 = vector.broadcast %squeeze3A_665 : f32 to vector<16xf32>
        %mul3A_675 = arith.mulf %mul3A_674, %get3A_673 : vector<16xf32>
        %slice3A_676 = vector.extract_strided_slice %mul3A_358 {offsets = [9], sizes = [1], strides = [1]} : vector<16xf32> to vector<1xf32>
        %squeeze3A_677 = vector.extract %slice3A_676[0] : f32 from vector<1xf32>
        %mul3A_678 = arith.constant 16 : i32
        %mul3A_679 = arith.muli %scan3A_349, %mul3A_678 : i32
        %add3A_680 = arith.constant 9 : i32
        %add3A_681 = arith.addi %mul3A_679, %add3A_680 : i32
        %get3A_682 = arith.index_cast %add3A_681 : i32 to index
        %get3A_683 = arith.constant 16 : index
        %get3A_684 = tpu.vector_load %arg14[%get3A_682, %get3A_683] {strides = array<i32>} : memref<512x64xf32, #tpu.memory_space<vmem>>, vector<1x16xf32>,
        %get3A_685 = vector.shape_cast %get3A_684 : vector<1x16xf32> to vector<16xf32>
        %mul3A_686 = vector.broadcast %squeeze3A_677 : f32 to vector<16xf32>
        %mul3A_687 = arith.mulf %mul3A_686, %get3A_685 : vector<16xf32>
        %slice3A_688 = vector.extract_strided_slice %mul3A_358 {offsets = [10], sizes = [1], strides = [1]} : vector<16xf32> to vector<1xf32>
        %squeeze3A_689 = vector.extract %slice3A_688[0] : f32 from vector<1xf32>
        %mul3A_690 = arith.constant 16 : i32
        %mul3A_691 = arith.muli %scan3A_349, %mul3A_690 : i32
        %add3A_692 = arith.constant 10 : i32
        %add3A_693 = arith.addi %mul3A_691, %add3A_692 : i32
        %get3A_694 = arith.index_cast %add3A_693 : i32 to index
        %get3A_695 = arith.constant 16 : index
        %get3A_696 = tpu.vector_load %arg14[%get3A_694, %get3A_695] {strides = array<i32>} : memref<512x64xf32, #tpu.memory_space<vmem>>, vector<1x16xf32>,
        %get3A_697 = vector.shape_cast %get3A_696 : vector<1x16xf32> to vector<16xf32>
        %mul3A_698 = vector.broadcast %squeeze3A_689 : f32 to vector<16xf32>
        %mul3A_699 = arith.mulf %mul3A_698, %get3A_697 : vector<16xf32>
        %slice3A_700 = vector.extract_strided_slice %mul3A_358 {offsets = [11], sizes = [1], strides = [1]} : vector<16xf32> to vector<1xf32>
        %squeeze3A_701 = vector.extract %slice3A_700[0] : f32 from vector<1xf32>
        %mul3A_702 = arith.constant 16 : i32
        %mul3A_703 = arith.muli %scan3A_349, %mul3A_702 : i32
        %add3A_704 = arith.constant 11 : i32
        %add3A_705 = arith.addi %mul3A_703, %add3A_704 : i32
        %get3A_706 = arith.index_cast %add3A_705 : i32 to index
        %get3A_707 = arith.constant 16 : index
        %get3A_708 = tpu.vector_load %arg14[%get3A_706, %get3A_707] {strides = array<i32>} : memref<512x64xf32, #tpu.memory_space<vmem>>, vector<1x16xf32>,
        %get3A_709 = vector.shape_cast %get3A_708 : vector<1x16xf32> to vector<16xf32>
        %mul3A_710 = vector.broadcast %squeeze3A_701 : f32 to vector<16xf32>
        %mul3A_711 = arith.mulf %mul3A_710, %get3A_709 : vector<16xf32>
        %slice3A_712 = vector.extract_strided_slice %mul3A_358 {offsets = [12], sizes = [1], strides = [1]} : vector<16xf32> to vector<1xf32>
        %squeeze3A_713 = vector.extract %slice3A_712[0] : f32 from vector<1xf32>
        %mul3A_714 = arith.constant 16 : i32
        %mul3A_715 = arith.muli %scan3A_349, %mul3A_714 : i32
        %add3A_716 = arith.constant 12 : i32
        %add3A_717 = arith.addi %mul3A_715, %add3A_716 : i32
        %get3A_718 = arith.index_cast %add3A_717 : i32 to index
        %get3A_719 = arith.constant 16 : index
        %get3A_720 = tpu.vector_load %arg14[%get3A_718, %get3A_719] {strides = array<i32>} : memref<512x64xf32, #tpu.memory_space<vmem>>, vector<1x16xf32>,
        %get3A_721 = vector.shape_cast %get3A_720 : vector<1x16xf32> to vector<16xf32>
        %mul3A_722 = vector.broadcast %squeeze3A_713 : f32 to vector<16xf32>
        %mul3A_723 = arith.mulf %mul3A_722, %get3A_721 : vector<16xf32>
        %slice3A_724 = vector.extract_strided_slice %mul3A_358 {offsets = [13], sizes = [1], strides = [1]} : vector<16xf32> to vector<1xf32>
        %squeeze3A_725 = vector.extract %slice3A_724[0] : f32 from vector<1xf32>
        %mul3A_726 = arith.constant 16 : i32
        %mul3A_727 = arith.muli %scan3A_349, %mul3A_726 : i32
        %add3A_728 = arith.constant 13 : i32
        %add3A_729 = arith.addi %mul3A_727, %add3A_728 : i32
        %get3A_730 = arith.index_cast %add3A_729 : i32 to index
        %get3A_731 = arith.constant 16 : index
        %get3A_732 = tpu.vector_load %arg14[%get3A_730, %get3A_731] {strides = array<i32>} : memref<512x64xf32, #tpu.memory_space<vmem>>, vector<1x16xf32>,
        %get3A_733 = vector.shape_cast %get3A_732 : vector<1x16xf32> to vector<16xf32>
        %mul3A_734 = vector.broadcast %squeeze3A_725 : f32 to vector<16xf32>
        %mul3A_735 = arith.mulf %mul3A_734, %get3A_733 : vector<16xf32>
        %slice3A_736 = vector.extract_strided_slice %mul3A_358 {offsets = [14], sizes = [1], strides = [1]} : vector<16xf32> to vector<1xf32>
        %squeeze3A_737 = vector.extract %slice3A_736[0] : f32 from vector<1xf32>
        %mul3A_738 = arith.constant 16 : i32
        %mul3A_739 = arith.muli %scan3A_349, %mul3A_738 : i32
        %add3A_740 = arith.constant 14 : i32
        %add3A_741 = arith.addi %mul3A_739, %add3A_740 : i32
        %get3A_742 = arith.index_cast %add3A_741 : i32 to index
        %get3A_743 = arith.constant 16 : index
        %get3A_744 = tpu.vector_load %arg14[%get3A_742, %get3A_743] {strides = array<i32>} : memref<512x64xf32, #tpu.memory_space<vmem>>, vector<1x16xf32>,
        %get3A_745 = vector.shape_cast %get3A_744 : vector<1x16xf32> to vector<16xf32>
        %mul3A_746 = vector.broadcast %squeeze3A_737 : f32 to vector<16xf32>
        %mul3A_747 = arith.mulf %mul3A_746, %get3A_745 : vector<16xf32>
        %slice3A_748 = vector.extract_strided_slice %mul3A_358 {offsets = [15], sizes = [1], strides = [1]} : vector<16xf32> to vector<1xf32>
        %squeeze3A_749 = vector.extract %slice3A_748[0] : f32 from vector<1xf32>
        %mul3A_750 = arith.constant 16 : i32
        %mul3A_751 = arith.muli %scan3A_349, %mul3A_750 : i32
        %add3A_752 = arith.constant 15 : i32
        %add3A_753 = arith.addi %mul3A_751, %add3A_752 : i32
        %get3A_754 = arith.index_cast %add3A_753 : i32 to index
        %get3A_755 = arith.constant 16 : index
        %get3A_756 = tpu.vector_load %arg14[%get3A_754, %get3A_755] {strides = array<i32>} : memref<512x64xf32, #tpu.memory_space<vmem>>, vector<1x16xf32>,
        %get3A_757 = vector.shape_cast %get3A_756 : vector<1x16xf32> to vector<16xf32>
        %mul3A_758 = vector.broadcast %squeeze3A_749 : f32 to vector<16xf32>
        %mul3A_759 = arith.mulf %mul3A_758, %get3A_757 : vector<16xf32>
        %add3A_760 = arith.addf %mul3A_579, %mul3A_591 : vector<16xf32>
        %add3A_761 = arith.addf %mul3A_603, %mul3A_615 : vector<16xf32>
        %add3A_762 = arith.addf %mul3A_627, %mul3A_639 : vector<16xf32>
        %add3A_763 = arith.addf %mul3A_651, %mul3A_663 : vector<16xf32>
        %add3A_764 = arith.addf %mul3A_675, %mul3A_687 : vector<16xf32>
        %add3A_765 = arith.addf %mul3A_699, %mul3A_711 : vector<16xf32>
        %add3A_766 = arith.addf %mul3A_723, %mul3A_735 : vector<16xf32>
        %add3A_767 = arith.addf %mul3A_747, %mul3A_759 : vector<16xf32>
        %add3A_768 = arith.addf %add3A_760, %add3A_761 : vector<16xf32>
        %add3A_769 = arith.addf %add3A_762, %add3A_763 : vector<16xf32>
        %add3A_770 = arith.addf %add3A_764, %add3A_765 : vector<16xf32>
        %add3A_771 = arith.addf %add3A_766, %add3A_767 : vector<16xf32>
        %add3A_772 = arith.addf %add3A_768, %add3A_769 : vector<16xf32>
        %add3A_773 = arith.addf %add3A_770, %add3A_771 : vector<16xf32>
        %add3A_774 = arith.addf %add3A_772, %add3A_773 : vector<16xf32>
        %swap3A_775 = arith.index_cast %scan3A_349 : i32 to index
        %swap3A_776 = arith.constant 16 : index
        %swap3A_777 = tpu.vector_load %arg16[%swap3A_775, %swap3A_776] {strides = array<i32>} : memref<32x64xf32, #tpu.memory_space<vmem>>, vector<1x16xf32>,
        %swap3A_778 = vector.shape_cast %swap3A_777 : vector<1x16xf32> to vector<16xf32>
        %swap3A_779 = vector.shape_cast %add3A_774 : vector<16xf32> to vector<1x16xf32>
        tpu.vector_store %arg16[%swap3A_775, %swap3A_776], %swap3A_779 {strides = array<i32>} : memref<32x64xf32, #tpu.memory_space<vmem>>, vector<1x16xf32>,
        %slice3A_780 = vector.extract_strided_slice %mul3A_358 {offsets = [0], sizes = [1], strides = [1]} : vector<16xf32> to vector<1xf32>
        %squeeze3A_781 = vector.extract %slice3A_780[0] : f32 from vector<1xf32>
        %mul3A_782 = arith.constant 16 : i32
        %mul3A_783 = arith.muli %scan3A_349, %mul3A_782 : i32
        %add3A_784 = arith.constant 0 : i32
        %add3A_785 = arith.addi %mul3A_783, %add3A_784 : i32
        %get3A_786 = arith.index_cast %add3A_785 : i32 to index
        %get3A_787 = arith.constant 32 : index
        %get3A_788 = tpu.vector_load %arg14[%get3A_786, %get3A_787] {strides = array<i32>} : memref<512x64xf32, #tpu.memory_space<vmem>>, vector<1x16xf32>,
        %get3A_789 = vector.shape_cast %get3A_788 : vector<1x16xf32> to vector<16xf32>
        %mul3A_790 = vector.broadcast %squeeze3A_781 : f32 to vector<16xf32>
        %mul3A_791 = arith.mulf %mul3A_790, %get3A_789 : vector<16xf32>
        %slice3A_792 = vector.extract_strided_slice %mul3A_358 {offsets = [1], sizes = [1], strides = [1]} : vector<16xf32> to vector<1xf32>
        %squeeze3A_793 = vector.extract %slice3A_792[0] : f32 from vector<1xf32>
        %mul3A_794 = arith.constant 16 : i32
        %mul3A_795 = arith.muli %scan3A_349, %mul3A_794 : i32
        %add3A_796 = arith.constant 1 : i32
        %add3A_797 = arith.addi %mul3A_795, %add3A_796 : i32
        %get3A_798 = arith.index_cast %add3A_797 : i32 to index
        %get3A_799 = arith.constant 32 : index
        %get3A_800 = tpu.vector_load %arg14[%get3A_798, %get3A_799] {strides = array<i32>} : memref<512x64xf32, #tpu.memory_space<vmem>>, vector<1x16xf32>,
        %get3A_801 = vector.shape_cast %get3A_800 : vector<1x16xf32> to vector<16xf32>
        %mul3A_802 = vector.broadcast %squeeze3A_793 : f32 to vector<16xf32>
        %mul3A_803 = arith.mulf %mul3A_802, %get3A_801 : vector<16xf32>
        %slice3A_804 = vector.extract_strided_slice %mul3A_358 {offsets = [2], sizes = [1], strides = [1]} : vector<16xf32> to vector<1xf32>
        %squeeze3A_805 = vector.extract %slice3A_804[0] : f32 from vector<1xf32>
        %mul3A_806 = arith.constant 16 : i32
        %mul3A_807 = arith.muli %scan3A_349, %mul3A_806 : i32
        %add3A_808 = arith.constant 2 : i32
        %add3A_809 = arith.addi %mul3A_807, %add3A_808 : i32
        %get3A_810 = arith.index_cast %add3A_809 : i32 to index
        %get3A_811 = arith.constant 32 : index
        %get3A_812 = tpu.vector_load %arg14[%get3A_810, %get3A_811] {strides = array<i32>} : memref<512x64xf32, #tpu.memory_space<vmem>>, vector<1x16xf32>,
        %get3A_813 = vector.shape_cast %get3A_812 : vector<1x16xf32> to vector<16xf32>
        %mul3A_814 = vector.broadcast %squeeze3A_805 : f32 to vector<16xf32>
        %mul3A_815 = arith.mulf %mul3A_814, %get3A_813 : vector<16xf32>
        %slice3A_816 = vector.extract_strided_slice %mul3A_358 {offsets = [3], sizes = [1], strides = [1]} : vector<16xf32> to vector<1xf32>
        %squeeze3A_817 = vector.extract %slice3A_816[0] : f32 from vector<1xf32>
        %mul3A_818 = arith.constant 16 : i32
        %mul3A_819 = arith.muli %scan3A_349, %mul3A_818 : i32
        %add3A_820 = arith.constant 3 : i32
        %add3A_821 = arith.addi %mul3A_819, %add3A_820 : i32
        %get3A_822 = arith.index_cast %add3A_821 : i32 to index
        %get3A_823 = arith.constant 32 : index
        %get3A_824 = tpu.vector_load %arg14[%get3A_822, %get3A_823] {strides = array<i32>} : memref<512x64xf32, #tpu.memory_space<vmem>>, vector<1x16xf32>,
        %get3A_825 = vector.shape_cast %get3A_824 : vector<1x16xf32> to vector<16xf32>
        %mul3A_826 = vector.broadcast %squeeze3A_817 : f32 to vector<16xf32>
        %mul3A_827 = arith.mulf %mul3A_826, %get3A_825 : vector<16xf32>
        %slice3A_828 = vector.extract_strided_slice %mul3A_358 {offsets = [4], sizes = [1], strides = [1]} : vector<16xf32> to vector<1xf32>
        %squeeze3A_829 = vector.extract %slice3A_828[0] : f32 from vector<1xf32>
        %mul3A_830 = arith.constant 16 : i32
        %mul3A_831 = arith.muli %scan3A_349, %mul3A_830 : i32
        %add3A_832 = arith.constant 4 : i32
        %add3A_833 = arith.addi %mul3A_831, %add3A_832 : i32
        %get3A_834 = arith.index_cast %add3A_833 : i32 to index
        %get3A_835 = arith.constant 32 : index
        %get3A_836 = tpu.vector_load %arg14[%get3A_834, %get3A_835] {strides = array<i32>} : memref<512x64xf32, #tpu.memory_space<vmem>>, vector<1x16xf32>,
        %get3A_837 = vector.shape_cast %get3A_836 : vector<1x16xf32> to vector<16xf32>
        %mul3A_838 = vector.broadcast %squeeze3A_829 : f32 to vector<16xf32>
        %mul3A_839 = arith.mulf %mul3A_838, %get3A_837 : vector<16xf32>
        %slice3A_840 = vector.extract_strided_slice %mul3A_358 {offsets = [5], sizes = [1], strides = [1]} : vector<16xf32> to vector<1xf32>
        %squeeze3A_841 = vector.extract %slice3A_840[0] : f32 from vector<1xf32>
        %mul3A_842 = arith.constant 16 : i32
        %mul3A_843 = arith.muli %scan3A_349, %mul3A_842 : i32
        %add3A_844 = arith.constant 5 : i32
        %add3A_845 = arith.addi %mul3A_843, %add3A_844 : i32
        %get3A_846 = arith.index_cast %add3A_845 : i32 to index
        %get3A_847 = arith.constant 32 : index
        %get3A_848 = tpu.vector_load %arg14[%get3A_846, %get3A_847] {strides = array<i32>} : memref<512x64xf32, #tpu.memory_space<vmem>>, vector<1x16xf32>,
        %get3A_849 = vector.shape_cast %get3A_848 : vector<1x16xf32> to vector<16xf32>
        %mul3A_850 = vector.broadcast %squeeze3A_841 : f32 to vector<16xf32>
        %mul3A_851 = arith.mulf %mul3A_850, %get3A_849 : vector<16xf32>
        %slice3A_852 = vector.extract_strided_slice %mul3A_358 {offsets = [6], sizes = [1], strides = [1]} : vector<16xf32> to vector<1xf32>
        %squeeze3A_853 = vector.extract %slice3A_852[0] : f32 from vector<1xf32>
        %mul3A_854 = arith.constant 16 : i32
        %mul3A_855 = arith.muli %scan3A_349, %mul3A_854 : i32
        %add3A_856 = arith.constant 6 : i32
        %add3A_857 = arith.addi %mul3A_855, %add3A_856 : i32
        %get3A_858 = arith.index_cast %add3A_857 : i32 to index
        %get3A_859 = arith.constant 32 : index
        %get3A_860 = tpu.vector_load %arg14[%get3A_858, %get3A_859] {strides = array<i32>} : memref<512x64xf32, #tpu.memory_space<vmem>>, vector<1x16xf32>,
        %get3A_861 = vector.shape_cast %get3A_860 : vector<1x16xf32> to vector<16xf32>
        %mul3A_862 = vector.broadcast %squeeze3A_853 : f32 to vector<16xf32>
        %mul3A_863 = arith.mulf %mul3A_862, %get3A_861 : vector<16xf32>
        %slice3A_864 = vector.extract_strided_slice %mul3A_358 {offsets = [7], sizes = [1], strides = [1]} : vector<16xf32> to vector<1xf32>
        %squeeze3A_865 = vector.extract %slice3A_864[0] : f32 from vector<1xf32>
        %mul3A_866 = arith.constant 16 : i32
        %mul3A_867 = arith.muli %scan3A_349, %mul3A_866 : i32
        %add3A_868 = arith.constant 7 : i32
        %add3A_869 = arith.addi %mul3A_867, %add3A_868 : i32
        %get3A_870 = arith.index_cast %add3A_869 : i32 to index
        %get3A_871 = arith.constant 32 : index
        %get3A_872 = tpu.vector_load %arg14[%get3A_870, %get3A_871] {strides = array<i32>} : memref<512x64xf32, #tpu.memory_space<vmem>>, vector<1x16xf32>,
        %get3A_873 = vector.shape_cast %get3A_872 : vector<1x16xf32> to vector<16xf32>
        %mul3A_874 = vector.broadcast %squeeze3A_865 : f32 to vector<16xf32>
        %mul3A_875 = arith.mulf %mul3A_874, %get3A_873 : vector<16xf32>
        %slice3A_876 = vector.extract_strided_slice %mul3A_358 {offsets = [8], sizes = [1], strides = [1]} : vector<16xf32> to vector<1xf32>
        %squeeze3A_877 = vector.extract %slice3A_876[0] : f32 from vector<1xf32>
        %mul3A_878 = arith.constant 16 : i32
        %mul3A_879 = arith.muli %scan3A_349, %mul3A_878 : i32
        %add3A_880 = arith.constant 8 : i32
        %add3A_881 = arith.addi %mul3A_879, %add3A_880 : i32
        %get3A_882 = arith.index_cast %add3A_881 : i32 to index
        %get3A_883 = arith.constant 32 : index
        %get3A_884 = tpu.vector_load %arg14[%get3A_882, %get3A_883] {strides = array<i32>} : memref<512x64xf32, #tpu.memory_space<vmem>>, vector<1x16xf32>,
        %get3A_885 = vector.shape_cast %get3A_884 : vector<1x16xf32> to vector<16xf32>
        %mul3A_886 = vector.broadcast %squeeze3A_877 : f32 to vector<16xf32>
        %mul3A_887 = arith.mulf %mul3A_886, %get3A_885 : vector<16xf32>
        %slice3A_888 = vector.extract_strided_slice %mul3A_358 {offsets = [9], sizes = [1], strides = [1]} : vector<16xf32> to vector<1xf32>
        %squeeze3A_889 = vector.extract %slice3A_888[0] : f32 from vector<1xf32>
        %mul3A_890 = arith.constant 16 : i32
        %mul3A_891 = arith.muli %scan3A_349, %mul3A_890 : i32
        %add3A_892 = arith.constant 9 : i32
        %add3A_893 = arith.addi %mul3A_891, %add3A_892 : i32
        %get3A_894 = arith.index_cast %add3A_893 : i32 to index
        %get3A_895 = arith.constant 32 : index
        %get3A_896 = tpu.vector_load %arg14[%get3A_894, %get3A_895] {strides = array<i32>} : memref<512x64xf32, #tpu.memory_space<vmem>>, vector<1x16xf32>,
        %get3A_897 = vector.shape_cast %get3A_896 : vector<1x16xf32> to vector<16xf32>
        %mul3A_898 = vector.broadcast %squeeze3A_889 : f32 to vector<16xf32>
        %mul3A_899 = arith.mulf %mul3A_898, %get3A_897 : vector<16xf32>
        %slice3A_900 = vector.extract_strided_slice %mul3A_358 {offsets = [10], sizes = [1], strides = [1]} : vector<16xf32> to vector<1xf32>
        %squeeze3A_901 = vector.extract %slice3A_900[0] : f32 from vector<1xf32>
        %mul3A_902 = arith.constant 16 : i32
        %mul3A_903 = arith.muli %scan3A_349, %mul3A_902 : i32
        %add3A_904 = arith.constant 10 : i32
        %add3A_905 = arith.addi %mul3A_903, %add3A_904 : i32
        %get3A_906 = arith.index_cast %add3A_905 : i32 to index
        %get3A_907 = arith.constant 32 : index
        %get3A_908 = tpu.vector_load %arg14[%get3A_906, %get3A_907] {strides = array<i32>} : memref<512x64xf32, #tpu.memory_space<vmem>>, vector<1x16xf32>,
        %get3A_909 = vector.shape_cast %get3A_908 : vector<1x16xf32> to vector<16xf32>
        %mul3A_910 = vector.broadcast %squeeze3A_901 : f32 to vector<16xf32>
        %mul3A_911 = arith.mulf %mul3A_910, %get3A_909 : vector<16xf32>
        %slice3A_912 = vector.extract_strided_slice %mul3A_358 {offsets = [11], sizes = [1], strides = [1]} : vector<16xf32> to vector<1xf32>
        %squeeze3A_913 = vector.extract %slice3A_912[0] : f32 from vector<1xf32>
        %mul3A_914 = arith.constant 16 : i32
        %mul3A_915 = arith.muli %scan3A_349, %mul3A_914 : i32
        %add3A_916 = arith.constant 11 : i32
        %add3A_917 = arith.addi %mul3A_915, %add3A_916 : i32
        %get3A_918 = arith.index_cast %add3A_917 : i32 to index
        %get3A_919 = arith.constant 32 : index
        %get3A_920 = tpu.vector_load %arg14[%get3A_918, %get3A_919] {strides = array<i32>} : memref<512x64xf32, #tpu.memory_space<vmem>>, vector<1x16xf32>,
        %get3A_921 = vector.shape_cast %get3A_920 : vector<1x16xf32> to vector<16xf32>
        %mul3A_922 = vector.broadcast %squeeze3A_913 : f32 to vector<16xf32>
        %mul3A_923 = arith.mulf %mul3A_922, %get3A_921 : vector<16xf32>
        %slice3A_924 = vector.extract_strided_slice %mul3A_358 {offsets = [12], sizes = [1], strides = [1]} : vector<16xf32> to vector<1xf32>
        %squeeze3A_925 = vector.extract %slice3A_924[0] : f32 from vector<1xf32>
        %mul3A_926 = arith.constant 16 : i32
        %mul3A_927 = arith.muli %scan3A_349, %mul3A_926 : i32
        %add3A_928 = arith.constant 12 : i32
        %add3A_929 = arith.addi %mul3A_927, %add3A_928 : i32
        %get3A_930 = arith.index_cast %add3A_929 : i32 to index
        %get3A_931 = arith.constant 32 : index
        %get3A_932 = tpu.vector_load %arg14[%get3A_930, %get3A_931] {strides = array<i32>} : memref<512x64xf32, #tpu.memory_space<vmem>>, vector<1x16xf32>,
        %get3A_933 = vector.shape_cast %get3A_932 : vector<1x16xf32> to vector<16xf32>
        %mul3A_934 = vector.broadcast %squeeze3A_925 : f32 to vector<16xf32>
        %mul3A_935 = arith.mulf %mul3A_934, %get3A_933 : vector<16xf32>
        %slice3A_936 = vector.extract_strided_slice %mul3A_358 {offsets = [13], sizes = [1], strides = [1]} : vector<16xf32> to vector<1xf32>
        %squeeze3A_937 = vector.extract %slice3A_936[0] : f32 from vector<1xf32>
        %mul3A_938 = arith.constant 16 : i32
        %mul3A_939 = arith.muli %scan3A_349, %mul3A_938 : i32
        %add3A_940 = arith.constant 13 : i32
        %add3A_941 = arith.addi %mul3A_939, %add3A_940 : i32
        %get3A_942 = arith.index_cast %add3A_941 : i32 to index
        %get3A_943 = arith.constant 32 : index
        %get3A_944 = tpu.vector_load %arg14[%get3A_942, %get3A_943] {strides = array<i32>} : memref<512x64xf32, #tpu.memory_space<vmem>>, vector<1x16xf32>,
        %get3A_945 = vector.shape_cast %get3A_944 : vector<1x16xf32> to vector<16xf32>
        %mul3A_946 = vector.broadcast %squeeze3A_937 : f32 to vector<16xf32>
        %mul3A_947 = arith.mulf %mul3A_946, %get3A_945 : vector<16xf32>
        %slice3A_948 = vector.extract_strided_slice %mul3A_358 {offsets = [14], sizes = [1], strides = [1]} : vector<16xf32> to vector<1xf32>
        %squeeze3A_949 = vector.extract %slice3A_948[0] : f32 from vector<1xf32>
        %mul3A_950 = arith.constant 16 : i32
        %mul3A_951 = arith.muli %scan3A_349, %mul3A_950 : i32
        %add3A_952 = arith.constant 14 : i32
        %add3A_953 = arith.addi %mul3A_951, %add3A_952 : i32
        %get3A_954 = arith.index_cast %add3A_953 : i32 to index
        %get3A_955 = arith.constant 32 : index
        %get3A_956 = tpu.vector_load %arg14[%get3A_954, %get3A_955] {strides = array<i32>} : memref<512x64xf32, #tpu.memory_space<vmem>>, vector<1x16xf32>,
        %get3A_957 = vector.shape_cast %get3A_956 : vector<1x16xf32> to vector<16xf32>
        %mul3A_958 = vector.broadcast %squeeze3A_949 : f32 to vector<16xf32>
        %mul3A_959 = arith.mulf %mul3A_958, %get3A_957 : vector<16xf32>
        %slice3A_960 = vector.extract_strided_slice %mul3A_358 {offsets = [15], sizes = [1], strides = [1]} : vector<16xf32> to vector<1xf32>
        %squeeze3A_961 = vector.extract %slice3A_960[0] : f32 from vector<1xf32>
        %mul3A_962 = arith.constant 16 : i32
        %mul3A_963 = arith.muli %scan3A_349, %mul3A_962 : i32
        %add3A_964 = arith.constant 15 : i32
        %add3A_965 = arith.addi %mul3A_963, %add3A_964 : i32
        %get3A_966 = arith.index_cast %add3A_965 : i32 to index
        %get3A_967 = arith.constant 32 : index
        %get3A_968 = tpu.vector_load %arg14[%get3A_966, %get3A_967] {strides = array<i32>} : memref<512x64xf32, #tpu.memory_space<vmem>>, vector<1x16xf32>,
        %get3A_969 = vector.shape_cast %get3A_968 : vector<1x16xf32> to vector<16xf32>
        %mul3A_970 = vector.broadcast %squeeze3A_961 : f32 to vector<16xf32>
        %mul3A_971 = arith.mulf %mul3A_970, %get3A_969 : vector<16xf32>
        %add3A_972 = arith.addf %mul3A_791, %mul3A_803 : vector<16xf32>
        %add3A_973 = arith.addf %mul3A_815, %mul3A_827 : vector<16xf32>
        %add3A_974 = arith.addf %mul3A_839, %mul3A_851 : vector<16xf32>
        %add3A_975 = arith.addf %mul3A_863, %mul3A_875 : vector<16xf32>
        %add3A_976 = arith.addf %mul3A_887, %mul3A_899 : vector<16xf32>
        %add3A_977 = arith.addf %mul3A_911, %mul3A_923 : vector<16xf32>
        %add3A_978 = arith.addf %mul3A_935, %mul3A_947 : vector<16xf32>
        %add3A_979 = arith.addf %mul3A_959, %mul3A_971 : vector<16xf32>
        %add3A_980 = arith.addf %add3A_972, %add3A_973 : vector<16xf32>
        %add3A_981 = arith.addf %add3A_974, %add3A_975 : vector<16xf32>
        %add3A_982 = arith.addf %add3A_976, %add3A_977 : vector<16xf32>
        %add3A_983 = arith.addf %add3A_978, %add3A_979 : vector<16xf32>
        %add3A_984 = arith.addf %add3A_980, %add3A_981 : vector<16xf32>
        %add3A_985 = arith.addf %add3A_982, %add3A_983 : vector<16xf32>
        %add3A_986 = arith.addf %add3A_984, %add3A_985 : vector<16xf32>
        %swap3A_987 = arith.index_cast %scan3A_349 : i32 to index
        %swap3A_988 = arith.constant 32 : index
        %swap3A_989 = tpu.vector_load %arg16[%swap3A_987, %swap3A_988] {strides = array<i32>} : memref<32x64xf32, #tpu.memory_space<vmem>>, vector<1x16xf32>,
        %swap3A_990 = vector.shape_cast %swap3A_989 : vector<1x16xf32> to vector<16xf32>
        %swap3A_991 = vector.shape_cast %add3A_986 : vector<16xf32> to vector<1x16xf32>
        tpu.vector_store %arg16[%swap3A_987, %swap3A_988], %swap3A_991 {strides = array<i32>} : memref<32x64xf32, #tpu.memory_space<vmem>>, vector<1x16xf32>,
        %slice3A_992 = vector.extract_strided_slice %mul3A_358 {offsets = [0], sizes = [1], strides = [1]} : vector<16xf32> to vector<1xf32>
        %squeeze3A_993 = vector.extract %slice3A_992[0] : f32 from vector<1xf32>
        %mul3A_994 = arith.constant 16 : i32
        %mul3A_995 = arith.muli %scan3A_349, %mul3A_994 : i32
        %add3A_996 = arith.constant 0 : i32
        %add3A_997 = arith.addi %mul3A_995, %add3A_996 : i32
        %get3A_998 = arith.index_cast %add3A_997 : i32 to index
        %get3A_999 = arith.constant 48 : index
        %get3A_1000 = tpu.vector_load %arg14[%get3A_998, %get3A_999] {strides = array<i32>} : memref<512x64xf32, #tpu.memory_space<vmem>>, vector<1x16xf32>,
        %get3A_1001 = vector.shape_cast %get3A_1000 : vector<1x16xf32> to vector<16xf32>
        %mul3A_1002 = vector.broadcast %squeeze3A_993 : f32 to vector<16xf32>
        %mul3A_1003 = arith.mulf %mul3A_1002, %get3A_1001 : vector<16xf32>
        %slice3A_1004 = vector.extract_strided_slice %mul3A_358 {offsets = [1], sizes = [1], strides = [1]} : vector<16xf32> to vector<1xf32>
        %squeeze3A_1005 = vector.extract %slice3A_1004[0] : f32 from vector<1xf32>
        %mul3A_1006 = arith.constant 16 : i32
        %mul3A_1007 = arith.muli %scan3A_349, %mul3A_1006 : i32
        %add3A_1008 = arith.constant 1 : i32
        %add3A_1009 = arith.addi %mul3A_1007, %add3A_1008 : i32
        %get3A_1010 = arith.index_cast %add3A_1009 : i32 to index
        %get3A_1011 = arith.constant 48 : index
        %get3A_1012 = tpu.vector_load %arg14[%get3A_1010, %get3A_1011] {strides = array<i32>} : memref<512x64xf32, #tpu.memory_space<vmem>>, vector<1x16xf32>,
        %get3A_1013 = vector.shape_cast %get3A_1012 : vector<1x16xf32> to vector<16xf32>
        %mul3A_1014 = vector.broadcast %squeeze3A_1005 : f32 to vector<16xf32>
        %mul3A_1015 = arith.mulf %mul3A_1014, %get3A_1013 : vector<16xf32>
        %slice3A_1016 = vector.extract_strided_slice %mul3A_358 {offsets = [2], sizes = [1], strides = [1]} : vector<16xf32> to vector<1xf32>
        %squeeze3A_1017 = vector.extract %slice3A_1016[0] : f32 from vector<1xf32>
        %mul3A_1018 = arith.constant 16 : i32
        %mul3A_1019 = arith.muli %scan3A_349, %mul3A_1018 : i32
        %add3A_1020 = arith.constant 2 : i32
        %add3A_1021 = arith.addi %mul3A_1019, %add3A_1020 : i32
        %get3A_1022 = arith.index_cast %add3A_1021 : i32 to index
        %get3A_1023 = arith.constant 48 : index
        %get3A_1024 = tpu.vector_load %arg14[%get3A_1022, %get3A_1023] {strides = array<i32>} : memref<512x64xf32, #tpu.memory_space<vmem>>, vector<1x16xf32>,
        %get3A_1025 = vector.shape_cast %get3A_1024 : vector<1x16xf32> to vector<16xf32>
        %mul3A_1026 = vector.broadcast %squeeze3A_1017 : f32 to vector<16xf32>
        %mul3A_1027 = arith.mulf %mul3A_1026, %get3A_1025 : vector<16xf32>
        %slice3A_1028 = vector.extract_strided_slice %mul3A_358 {offsets = [3], sizes = [1], strides = [1]} : vector<16xf32> to vector<1xf32>
        %squeeze3A_1029 = vector.extract %slice3A_1028[0] : f32 from vector<1xf32>
        %mul3A_1030 = arith.constant 16 : i32
        %mul3A_1031 = arith.muli %scan3A_349, %mul3A_1030 : i32
        %add3A_1032 = arith.constant 3 : i32
        %add3A_1033 = arith.addi %mul3A_1031, %add3A_1032 : i32
        %get3A_1034 = arith.index_cast %add3A_1033 : i32 to index
        %get3A_1035 = arith.constant 48 : index
        %get3A_1036 = tpu.vector_load %arg14[%get3A_1034, %get3A_1035] {strides = array<i32>} : memref<512x64xf32, #tpu.memory_space<vmem>>, vector<1x16xf32>,
        %get3A_1037 = vector.shape_cast %get3A_1036 : vector<1x16xf32> to vector<16xf32>
        %mul3A_1038 = vector.broadcast %squeeze3A_1029 : f32 to vector<16xf32>
        %mul3A_1039 = arith.mulf %mul3A_1038, %get3A_1037 : vector<16xf32>
        %slice3A_1040 = vector.extract_strided_slice %mul3A_358 {offsets = [4], sizes = [1], strides = [1]} : vector<16xf32> to vector<1xf32>
        %squeeze3A_1041 = vector.extract %slice3A_1040[0] : f32 from vector<1xf32>
        %mul3A_1042 = arith.constant 16 : i32
        %mul3A_1043 = arith.muli %scan3A_349, %mul3A_1042 : i32
        %add3A_1044 = arith.constant 4 : i32
        %add3A_1045 = arith.addi %mul3A_1043, %add3A_1044 : i32
        %get3A_1046 = arith.index_cast %add3A_1045 : i32 to index
        %get3A_1047 = arith.constant 48 : index
        %get3A_1048 = tpu.vector_load %arg14[%get3A_1046, %get3A_1047] {strides = array<i32>} : memref<512x64xf32, #tpu.memory_space<vmem>>, vector<1x16xf32>,
        %get3A_1049 = vector.shape_cast %get3A_1048 : vector<1x16xf32> to vector<16xf32>
        %mul3A_1050 = vector.broadcast %squeeze3A_1041 : f32 to vector<16xf32>
        %mul3A_1051 = arith.mulf %mul3A_1050, %get3A_1049 : vector<16xf32>
        %slice3A_1052 = vector.extract_strided_slice %mul3A_358 {offsets = [5], sizes = [1], strides = [1]} : vector<16xf32> to vector<1xf32>
        %squeeze3A_1053 = vector.extract %slice3A_1052[0] : f32 from vector<1xf32>
        %mul3A_1054 = arith.constant 16 : i32
        %mul3A_1055 = arith.muli %scan3A_349, %mul3A_1054 : i32
        %add3A_1056 = arith.constant 5 : i32
        %add3A_1057 = arith.addi %mul3A_1055, %add3A_1056 : i32
        %get3A_1058 = arith.index_cast %add3A_1057 : i32 to index
        %get3A_1059 = arith.constant 48 : index
        %get3A_1060 = tpu.vector_load %arg14[%get3A_1058, %get3A_1059] {strides = array<i32>} : memref<512x64xf32, #tpu.memory_space<vmem>>, vector<1x16xf32>,
        %get3A_1061 = vector.shape_cast %get3A_1060 : vector<1x16xf32> to vector<16xf32>
        %mul3A_1062 = vector.broadcast %squeeze3A_1053 : f32 to vector<16xf32>
        %mul3A_1063 = arith.mulf %mul3A_1062, %get3A_1061 : vector<16xf32>
        %slice3A_1064 = vector.extract_strided_slice %mul3A_358 {offsets = [6], sizes = [1], strides = [1]} : vector<16xf32> to vector<1xf32>
        %squeeze3A_1065 = vector.extract %slice3A_1064[0] : f32 from vector<1xf32>
        %mul3A_1066 = arith.constant 16 : i32
        %mul3A_1067 = arith.muli %scan3A_349, %mul3A_1066 : i32
        %add3A_1068 = arith.constant 6 : i32
        %add3A_1069 = arith.addi %mul3A_1067, %add3A_1068 : i32
        %get3A_1070 = arith.index_cast %add3A_1069 : i32 to index
        %get3A_1071 = arith.constant 48 : index
        %get3A_1072 = tpu.vector_load %arg14[%get3A_1070, %get3A_1071] {strides = array<i32>} : memref<512x64xf32, #tpu.memory_space<vmem>>, vector<1x16xf32>,
        %get3A_1073 = vector.shape_cast %get3A_1072 : vector<1x16xf32> to vector<16xf32>
        %mul3A_1074 = vector.broadcast %squeeze3A_1065 : f32 to vector<16xf32>
        %mul3A_1075 = arith.mulf %mul3A_1074, %get3A_1073 : vector<16xf32>
        %slice3A_1076 = vector.extract_strided_slice %mul3A_358 {offsets = [7], sizes = [1], strides = [1]} : vector<16xf32> to vector<1xf32>
        %squeeze3A_1077 = vector.extract %slice3A_1076[0] : f32 from vector<1xf32>
        %mul3A_1078 = arith.constant 16 : i32
        %mul3A_1079 = arith.muli %scan3A_349, %mul3A_1078 : i32
        %add3A_1080 = arith.constant 7 : i32
        %add3A_1081 = arith.addi %mul3A_1079, %add3A_1080 : i32
        %get3A_1082 = arith.index_cast %add3A_1081 : i32 to index
        %get3A_1083 = arith.constant 48 : index
        %get3A_1084 = tpu.vector_load %arg14[%get3A_1082, %get3A_1083] {strides = array<i32>} : memref<512x64xf32, #tpu.memory_space<vmem>>, vector<1x16xf32>,
        %get3A_1085 = vector.shape_cast %get3A_1084 : vector<1x16xf32> to vector<16xf32>
        %mul3A_1086 = vector.broadcast %squeeze3A_1077 : f32 to vector<16xf32>
        %mul3A_1087 = arith.mulf %mul3A_1086, %get3A_1085 : vector<16xf32>
        %slice3A_1088 = vector.extract_strided_slice %mul3A_358 {offsets = [8], sizes = [1], strides = [1]} : vector<16xf32> to vector<1xf32>
        %squeeze3A_1089 = vector.extract %slice3A_1088[0] : f32 from vector<1xf32>
        %mul3A_1090 = arith.constant 16 : i32
        %mul3A_1091 = arith.muli %scan3A_349, %mul3A_1090 : i32
        %add3A_1092 = arith.constant 8 : i32
        %add3A_1093 = arith.addi %mul3A_1091, %add3A_1092 : i32
        %get3A_1094 = arith.index_cast %add3A_1093 : i32 to index
        %get3A_1095 = arith.constant 48 : index
        %get3A_1096 = tpu.vector_load %arg14[%get3A_1094, %get3A_1095] {strides = array<i32>} : memref<512x64xf32, #tpu.memory_space<vmem>>, vector<1x16xf32>,
        %get3A_1097 = vector.shape_cast %get3A_1096 : vector<1x16xf32> to vector<16xf32>
        %mul3A_1098 = vector.broadcast %squeeze3A_1089 : f32 to vector<16xf32>
        %mul3A_1099 = arith.mulf %mul3A_1098, %get3A_1097 : vector<16xf32>
        %slice3A_1100 = vector.extract_strided_slice %mul3A_358 {offsets = [9], sizes = [1], strides = [1]} : vector<16xf32> to vector<1xf32>
        %squeeze3A_1101 = vector.extract %slice3A_1100[0] : f32 from vector<1xf32>
        %mul3A_1102 = arith.constant 16 : i32
        %mul3A_1103 = arith.muli %scan3A_349, %mul3A_1102 : i32
        %add3A_1104 = arith.constant 9 : i32
        %add3A_1105 = arith.addi %mul3A_1103, %add3A_1104 : i32
        %get3A_1106 = arith.index_cast %add3A_1105 : i32 to index
        %get3A_1107 = arith.constant 48 : index
        %get3A_1108 = tpu.vector_load %arg14[%get3A_1106, %get3A_1107] {strides = array<i32>} : memref<512x64xf32, #tpu.memory_space<vmem>>, vector<1x16xf32>,
        %get3A_1109 = vector.shape_cast %get3A_1108 : vector<1x16xf32> to vector<16xf32>
        %mul3A_1110 = vector.broadcast %squeeze3A_1101 : f32 to vector<16xf32>
        %mul3A_1111 = arith.mulf %mul3A_1110, %get3A_1109 : vector<16xf32>
        %slice3A_1112 = vector.extract_strided_slice %mul3A_358 {offsets = [10], sizes = [1], strides = [1]} : vector<16xf32> to vector<1xf32>
        %squeeze3A_1113 = vector.extract %slice3A_1112[0] : f32 from vector<1xf32>
        %mul3A_1114 = arith.constant 16 : i32
        %mul3A_1115 = arith.muli %scan3A_349, %mul3A_1114 : i32
        %add3A_1116 = arith.constant 10 : i32
        %add3A_1117 = arith.addi %mul3A_1115, %add3A_1116 : i32
        %get3A_1118 = arith.index_cast %add3A_1117 : i32 to index
        %get3A_1119 = arith.constant 48 : index
        %get3A_1120 = tpu.vector_load %arg14[%get3A_1118, %get3A_1119] {strides = array<i32>} : memref<512x64xf32, #tpu.memory_space<vmem>>, vector<1x16xf32>,
        %get3A_1121 = vector.shape_cast %get3A_1120 : vector<1x16xf32> to vector<16xf32>
        %mul3A_1122 = vector.broadcast %squeeze3A_1113 : f32 to vector<16xf32>
        %mul3A_1123 = arith.mulf %mul3A_1122, %get3A_1121 : vector<16xf32>
        %slice3A_1124 = vector.extract_strided_slice %mul3A_358 {offsets = [11], sizes = [1], strides = [1]} : vector<16xf32> to vector<1xf32>
        %squeeze3A_1125 = vector.extract %slice3A_1124[0] : f32 from vector<1xf32>
        %mul3A_1126 = arith.constant 16 : i32
        %mul3A_1127 = arith.muli %scan3A_349, %mul3A_1126 : i32
        %add3A_1128 = arith.constant 11 : i32
        %add3A_1129 = arith.addi %mul3A_1127, %add3A_1128 : i32
        %get3A_1130 = arith.index_cast %add3A_1129 : i32 to index
        %get3A_1131 = arith.constant 48 : index
        %get3A_1132 = tpu.vector_load %arg14[%get3A_1130, %get3A_1131] {strides = array<i32>} : memref<512x64xf32, #tpu.memory_space<vmem>>, vector<1x16xf32>,
        %get3A_1133 = vector.shape_cast %get3A_1132 : vector<1x16xf32> to vector<16xf32>
        %mul3A_1134 = vector.broadcast %squeeze3A_1125 : f32 to vector<16xf32>
        %mul3A_1135 = arith.mulf %mul3A_1134, %get3A_1133 : vector<16xf32>
        %slice3A_1136 = vector.extract_strided_slice %mul3A_358 {offsets = [12], sizes = [1], strides = [1]} : vector<16xf32> to vector<1xf32>
        %squeeze3A_1137 = vector.extract %slice3A_1136[0] : f32 from vector<1xf32>
        %mul3A_1138 = arith.constant 16 : i32
        %mul3A_1139 = arith.muli %scan3A_349, %mul3A_1138 : i32
        %add3A_1140 = arith.constant 12 : i32
        %add3A_1141 = arith.addi %mul3A_1139, %add3A_1140 : i32
        %get3A_1142 = arith.index_cast %add3A_1141 : i32 to index
        %get3A_1143 = arith.constant 48 : index
        %get3A_1144 = tpu.vector_load %arg14[%get3A_1142, %get3A_1143] {strides = array<i32>} : memref<512x64xf32, #tpu.memory_space<vmem>>, vector<1x16xf32>,
        %get3A_1145 = vector.shape_cast %get3A_1144 : vector<1x16xf32> to vector<16xf32>
        %mul3A_1146 = vector.broadcast %squeeze3A_1137 : f32 to vector<16xf32>
        %mul3A_1147 = arith.mulf %mul3A_1146, %get3A_1145 : vector<16xf32>
        %slice3A_1148 = vector.extract_strided_slice %mul3A_358 {offsets = [13], sizes = [1], strides = [1]} : vector<16xf32> to vector<1xf32>
        %squeeze3A_1149 = vector.extract %slice3A_1148[0] : f32 from vector<1xf32>
        %mul3A_1150 = arith.constant 16 : i32
        %mul3A_1151 = arith.muli %scan3A_349, %mul3A_1150 : i32
        %add3A_1152 = arith.constant 13 : i32
        %add3A_1153 = arith.addi %mul3A_1151, %add3A_1152 : i32
        %get3A_1154 = arith.index_cast %add3A_1153 : i32 to index
        %get3A_1155 = arith.constant 48 : index
        %get3A_1156 = tpu.vector_load %arg14[%get3A_1154, %get3A_1155] {strides = array<i32>} : memref<512x64xf32, #tpu.memory_space<vmem>>, vector<1x16xf32>,
        %get3A_1157 = vector.shape_cast %get3A_1156 : vector<1x16xf32> to vector<16xf32>
        %mul3A_1158 = vector.broadcast %squeeze3A_1149 : f32 to vector<16xf32>
        %mul3A_1159 = arith.mulf %mul3A_1158, %get3A_1157 : vector<16xf32>
        %slice3A_1160 = vector.extract_strided_slice %mul3A_358 {offsets = [14], sizes = [1], strides = [1]} : vector<16xf32> to vector<1xf32>
        %squeeze3A_1161 = vector.extract %slice3A_1160[0] : f32 from vector<1xf32>
        %mul3A_1162 = arith.constant 16 : i32
        %mul3A_1163 = arith.muli %scan3A_349, %mul3A_1162 : i32
        %add3A_1164 = arith.constant 14 : i32
        %add3A_1165 = arith.addi %mul3A_1163, %add3A_1164 : i32
        %get3A_1166 = arith.index_cast %add3A_1165 : i32 to index
        %get3A_1167 = arith.constant 48 : index
        %get3A_1168 = tpu.vector_load %arg14[%get3A_1166, %get3A_1167] {strides = array<i32>} : memref<512x64xf32, #tpu.memory_space<vmem>>, vector<1x16xf32>,
        %get3A_1169 = vector.shape_cast %get3A_1168 : vector<1x16xf32> to vector<16xf32>
        %mul3A_1170 = vector.broadcast %squeeze3A_1161 : f32 to vector<16xf32>
        %mul3A_1171 = arith.mulf %mul3A_1170, %get3A_1169 : vector<16xf32>
        %slice3A_1172 = vector.extract_strided_slice %mul3A_358 {offsets = [15], sizes = [1], strides = [1]} : vector<16xf32> to vector<1xf32>
        %squeeze3A_1173 = vector.extract %slice3A_1172[0] : f32 from vector<1xf32>
        %mul3A_1174 = arith.constant 16 : i32
        %mul3A_1175 = arith.muli %scan3A_349, %mul3A_1174 : i32
        %add3A_1176 = arith.constant 15 : i32
        %add3A_1177 = arith.addi %mul3A_1175, %add3A_1176 : i32
        %get3A_1178 = arith.index_cast %add3A_1177 : i32 to index
        %get3A_1179 = arith.constant 48 : index
        %get3A_1180 = tpu.vector_load %arg14[%get3A_1178, %get3A_1179] {strides = array<i32>} : memref<512x64xf32, #tpu.memory_space<vmem>>, vector<1x16xf32>,
        %get3A_1181 = vector.shape_cast %get3A_1180 : vector<1x16xf32> to vector<16xf32>
        %mul3A_1182 = vector.broadcast %squeeze3A_1173 : f32 to vector<16xf32>
        %mul3A_1183 = arith.mulf %mul3A_1182, %get3A_1181 : vector<16xf32>
        %add3A_1184 = arith.addf %mul3A_1003, %mul3A_1015 : vector<16xf32>
        %add3A_1185 = arith.addf %mul3A_1027, %mul3A_1039 : vector<16xf32>
        %add3A_1186 = arith.addf %mul3A_1051, %mul3A_1063 : vector<16xf32>
        %add3A_1187 = arith.addf %mul3A_1075, %mul3A_1087 : vector<16xf32>
        %add3A_1188 = arith.addf %mul3A_1099, %mul3A_1111 : vector<16xf32>
        %add3A_1189 = arith.addf %mul3A_1123, %mul3A_1135 : vector<16xf32>
        %add3A_1190 = arith.addf %mul3A_1147, %mul3A_1159 : vector<16xf32>
        %add3A_1191 = arith.addf %mul3A_1171, %mul3A_1183 : vector<16xf32>
        %add3A_1192 = arith.addf %add3A_1184, %add3A_1185 : vector<16xf32>
        %add3A_1193 = arith.addf %add3A_1186, %add3A_1187 : vector<16xf32>
        %add3A_1194 = arith.addf %add3A_1188, %add3A_1189 : vector<16xf32>
        %add3A_1195 = arith.addf %add3A_1190, %add3A_1191 : vector<16xf32>
        %add3A_1196 = arith.addf %add3A_1192, %add3A_1193 : vector<16xf32>
        %add3A_1197 = arith.addf %add3A_1194, %add3A_1195 : vector<16xf32>
        %add3A_1198 = arith.addf %add3A_1196, %add3A_1197 : vector<16xf32>
        %swap3A_1199 = arith.index_cast %scan3A_349 : i32 to index
        %swap3A_1200 = arith.constant 48 : index
        %swap3A_1201 = tpu.vector_load %arg16[%swap3A_1199, %swap3A_1200] {strides = array<i32>} : memref<32x64xf32, #tpu.memory_space<vmem>>, vector<1x16xf32>,
        %swap3A_1202 = vector.shape_cast %swap3A_1201 : vector<1x16xf32> to vector<16xf32>
        %swap3A_1203 = vector.shape_cast %add3A_1198 : vector<16xf32> to vector<1x16xf32>
        tpu.vector_store %arg16[%swap3A_1199, %swap3A_1200], %swap3A_1203 {strides = array<i32>} : memref<32x64xf32, #tpu.memory_space<vmem>>, vector<1x16xf32>,
        %scan3A_1204 = arith.constant 0 : i32
        scf.yield %scan3A_1204 : i32
      }
      %scan3A_330 = arith.constant 32 : i32
      %dma_start3A_331 = arith.constant 0 : i32
      %dma_start3A_332 = tpu.memref_slice %arg6[%add3A_318, %dma_start3A_331] : memref<16384x64xf32, #tpu.memory_space<hbm>> -> memref<32x64xf32, #tpu.memory_space<hbm>>
      %dma_start3A_333 = arith.constant 0 : i32
      %dma_start3A_334 = tpu.memref_slice %arg6[%add3A_318, %dma_start3A_333] : memref<16384x64xf32, #tpu.memory_space<hbm>> -> memref<32x64xf32, #tpu.memory_space<hbm>>
      tpu.enqueue_dma source(%arg16 : memref<32x64xf32, #tpu.memory_space<vmem>>) target(%dma_start3A_334 : memref<32x64xf32, #tpu.memory_space<hbm>>) target_semaphore(%arg24 : memref<!tpu.dma_semaphore, #tpu.memory_space<semaphore_mem>>)
      %add3A_335 = arith.constant 3 : i32
      %add3A_336 = arith.addi %mul3A_108, %add3A_335 : i32
      %lt3A_337 = arith.constant 16 : i32
      %lt3A_338 = arith.cmpi slt, %add3A_336, %lt3A_337 : i32
      %convert_element_type3A_339 = arith.extui %lt3A_338 : i1 to i32
      %cond3A_340 = arith.constant 0 : i32
      %cond3A_341 = arith.cmpi ne, %convert_element_type3A_339, %cond3A_340 : i32
      scf.if %cond3A_341 {
        %add3A_349 = arith.constant 3 : i32
        %add3A_350 = arith.addi %mul3A_108, %add3A_349 : i32
        %mul3A_351 = arith.constant 512 : i32
        %mul3A_352 = arith.muli %add3A, %mul3A_351 : i32
        %mul3A_353 = arith.constant 32 : i32
        %mul3A_354 = arith.muli %add3A_350, %mul3A_353 : i32
        %add3A_355 = arith.addi %mul3A_352, %mul3A_354 : i32
        %mul3A_356 = arith.constant 16 : i32
        %mul3A_357 = arith.muli %add3A_355, %mul3A_356 : i32
        %dma_start3A_358 = tpu.memref_slice %arg2[%mul3A_357] : memref<262144xi32, #tpu.memory_space<hbm>> -> memref<512xi32, #tpu.memory_space<hbm>>
        %dma_start3A_359 = tpu.memref_slice %arg2[%mul3A_357] : memref<262144xi32, #tpu.memory_space<hbm>> -> memref<512xi32, #tpu.memory_space<hbm>>
        tpu.enqueue_dma source(%dma_start3A_359 : memref<512xi32, #tpu.memory_space<hbm>>) target(%arg8 : memref<512xi32, #tpu.memory_space<vmem>>) target_semaphore(%arg18 : memref<!tpu.dma_semaphore, #tpu.memory_space<semaphore_mem>>)
        %dma_start3A_360 = tpu.memref_slice %arg3[%mul3A_357] : memref<262144xf32, #tpu.memory_space<hbm>> -> memref<512xf32, #tpu.memory_space<hbm>>
        %dma_start3A_361 = tpu.memref_slice %arg3[%mul3A_357] : memref<262144xf32, #tpu.memory_space<hbm>> -> memref<512xf32, #tpu.memory_space<hbm>>
        tpu.enqueue_dma source(%dma_start3A_361 : memref<512xf32, #tpu.memory_space<hbm>>) target(%arg10 : memref<512xf32, #tpu.memory_space<vmem>>) target_semaphore(%arg18 : memref<!tpu.dma_semaphore, #tpu.memory_space<semaphore_mem>>)
      } else {
      }
      %add3A_342 = arith.constant 2 : i32
      %add3A_343 = arith.addi %mul3A_108, %add3A_342 : i32
      %lt3A_344 = arith.constant 16 : i32
      %lt3A_345 = arith.cmpi slt, %add3A_343, %lt3A_344 : i32
      %convert_element_type3A_346 = arith.extui %lt3A_345 : i1 to i32
      %cond3A_347 = arith.constant 0 : i32
      %cond3A_348 = arith.cmpi ne, %convert_element_type3A_346, %cond3A_347 : i32
      scf.if %cond3A_348 {
        %add3A_349 = arith.constant 2 : i32
        %add3A_350 = arith.addi %mul3A_108, %add3A_349 : i32
        %mul3A_351 = arith.constant 512 : i32
        %mul3A_352 = arith.muli %add3A, %mul3A_351 : i32
        %mul3A_353 = arith.constant 32 : i32
        %mul3A_354 = arith.muli %add3A_350, %mul3A_353 : i32
        %add3A_355 = arith.addi %mul3A_352, %mul3A_354 : i32
        %mul3A_356 = arith.constant 16 : i32
        %mul3A_357 = arith.muli %add3A_355, %mul3A_356 : i32
        %dma_wait3A_358 = tpu.memref_slice %arg2[%mul3A_357] : memref<262144xi32, #tpu.memory_space<hbm>> -> memref<512xi32, #tpu.memory_space<hbm>>
        %dma_wait3A_359 = tpu.memref_slice %arg2[%mul3A_357] : memref<262144xi32, #tpu.memory_space<hbm>> -> memref<512xi32, #tpu.memory_space<hbm>>
        tpu.wait_dma2 semaphore(%arg17 : memref<!tpu.dma_semaphore, #tpu.memory_space<semaphore_mem>>) src(%dma_wait3A_359 : memref<512xi32, #tpu.memory_space<hbm>>) dst(%arg7 : memref<512xi32, #tpu.memory_space<vmem>>)
        %dma_wait3A_360 = tpu.memref_slice %arg3[%mul3A_357] : memref<262144xf32, #tpu.memory_space<hbm>> -> memref<512xf32, #tpu.memory_space<hbm>>
        %dma_wait3A_361 = tpu.memref_slice %arg3[%mul3A_357] : memref<262144xf32, #tpu.memory_space<hbm>> -> memref<512xf32, #tpu.memory_space<hbm>>
        tpu.wait_dma2 semaphore(%arg17 : memref<!tpu.dma_semaphore, #tpu.memory_space<semaphore_mem>>) src(%dma_wait3A_361 : memref<512xf32, #tpu.memory_space<hbm>>) dst(%arg9 : memref<512xf32, #tpu.memory_space<vmem>>)
        %dma_start3A_362 = arith.constant 0 : i32
        %dma_start3A_363 = arith.constant 0 : i32
        %dma_start3A_364 = tpu.memref_slice %arg13[%dma_start3A_362, %dma_start3A_363] : memref<512x64xf32, #tpu.memory_space<vmem>> -> memref<128x64xf32, #tpu.memory_space<vmem>>
        %dma_start3A_365 = arith.constant 0 : i32
        %dma_start3A_366 = tpu.memref_slice %arg7[%dma_start3A_365] : memref<512xi32, #tpu.memory_space<vmem>> -> memref<128xi32, #tpu.memory_space<vmem>>
        %dma_start3A_367 = arith.constant 0 : i32
        %dma_start3A_368 = arith.constant 0 : i32
        %dma_start3A_369 = tpu.memref_slice %arg4[%dma_start3A_367, %dma_start3A_368] : memref<50000x64xf32, #tpu.memory_space<hbm>> -> memref<50000x64xf32, #tpu.memory_space<hbm>>
        tpu.enqueue_indirect_dma source(%dma_start3A_369 : memref<50000x64xf32, #tpu.memory_space<hbm>>) target(%dma_start3A_364 : memref<128x64xf32, #tpu.memory_space<vmem>>) offsets(%dma_start3A_366 : memref<128xi32, #tpu.memory_space<vmem>>) semaphore(%arg19 : memref<!tpu.dma_semaphore, #tpu.memory_space<semaphore_mem>>)
        %dma_start3A_370 = arith.constant 0 : i32
        %dma_start3A_371 = tpu.memref_slice %arg11[%dma_start3A_370] : memref<512xf32, #tpu.memory_space<vmem>> -> memref<128xf32, #tpu.memory_space<vmem>>
        %dma_start3A_372 = arith.constant 0 : i32
        %dma_start3A_373 = tpu.memref_slice %arg7[%dma_start3A_372] : memref<512xi32, #tpu.memory_space<vmem>> -> memref<128xi32, #tpu.memory_space<vmem>>
        %dma_start3A_374 = arith.constant 0 : i32
        %dma_start3A_375 = tpu.memref_slice %arg5[%dma_start3A_374] : memref<50000xf32, #tpu.memory_space<hbm>> -> memref<50000xf32, #tpu.memory_space<hbm>>
        tpu.enqueue_indirect_dma source(%dma_start3A_375 : memref<50000xf32, #tpu.memory_space<hbm>>) target(%dma_start3A_371 : memref<128xf32, #tpu.memory_space<vmem>>) offsets(%dma_start3A_373 : memref<128xi32, #tpu.memory_space<vmem>>) semaphore(%arg21 : memref<!tpu.dma_semaphore, #tpu.memory_space<semaphore_mem>>)
        %dma_start3A_376 = arith.constant 128 : i32
        %dma_start3A_377 = arith.constant 0 : i32
        %dma_start3A_378 = tpu.memref_slice %arg13[%dma_start3A_376, %dma_start3A_377] : memref<512x64xf32, #tpu.memory_space<vmem>> -> memref<128x64xf32, #tpu.memory_space<vmem>>
        %dma_start3A_379 = arith.constant 128 : i32
        %dma_start3A_380 = tpu.memref_slice %arg7[%dma_start3A_379] : memref<512xi32, #tpu.memory_space<vmem>> -> memref<128xi32, #tpu.memory_space<vmem>>
        %dma_start3A_381 = arith.constant 0 : i32
        %dma_start3A_382 = arith.constant 0 : i32
        %dma_start3A_383 = tpu.memref_slice %arg4[%dma_start3A_381, %dma_start3A_382] : memref<50000x64xf32, #tpu.memory_space<hbm>> -> memref<50000x64xf32, #tpu.memory_space<hbm>>
        tpu.enqueue_indirect_dma source(%dma_start3A_383 : memref<50000x64xf32, #tpu.memory_space<hbm>>) target(%dma_start3A_378 : memref<128x64xf32, #tpu.memory_space<vmem>>) offsets(%dma_start3A_380 : memref<128xi32, #tpu.memory_space<vmem>>) semaphore(%arg19 : memref<!tpu.dma_semaphore, #tpu.memory_space<semaphore_mem>>)
        %dma_start3A_384 = arith.constant 128 : i32
        %dma_start3A_385 = tpu.memref_slice %arg11[%dma_start3A_384] : memref<512xf32, #tpu.memory_space<vmem>> -> memref<128xf32, #tpu.memory_space<vmem>>
        %dma_start3A_386 = arith.constant 128 : i32
        %dma_start3A_387 = tpu.memref_slice %arg7[%dma_start3A_386] : memref<512xi32, #tpu.memory_space<vmem>> -> memref<128xi32, #tpu.memory_space<vmem>>
        %dma_start3A_388 = arith.constant 0 : i32
        %dma_start3A_389 = tpu.memref_slice %arg5[%dma_start3A_388] : memref<50000xf32, #tpu.memory_space<hbm>> -> memref<50000xf32, #tpu.memory_space<hbm>>
        tpu.enqueue_indirect_dma source(%dma_start3A_389 : memref<50000xf32, #tpu.memory_space<hbm>>) target(%dma_start3A_385 : memref<128xf32, #tpu.memory_space<vmem>>) offsets(%dma_start3A_387 : memref<128xi32, #tpu.memory_space<vmem>>) semaphore(%arg21 : memref<!tpu.dma_semaphore, #tpu.memory_space<semaphore_mem>>)
        %dma_start3A_390 = arith.constant 256 : i32
        %dma_start3A_391 = arith.constant 0 : i32
        %dma_start3A_392 = tpu.memref_slice %arg13[%dma_start3A_390, %dma_start3A_391] : memref<512x64xf32, #tpu.memory_space<vmem>> -> memref<128x64xf32, #tpu.memory_space<vmem>>
        %dma_start3A_393 = arith.constant 256 : i32
        %dma_start3A_394 = tpu.memref_slice %arg7[%dma_start3A_393] : memref<512xi32, #tpu.memory_space<vmem>> -> memref<128xi32, #tpu.memory_space<vmem>>
        %dma_start3A_395 = arith.constant 0 : i32
        %dma_start3A_396 = arith.constant 0 : i32
        %dma_start3A_397 = tpu.memref_slice %arg4[%dma_start3A_395, %dma_start3A_396] : memref<50000x64xf32, #tpu.memory_space<hbm>> -> memref<50000x64xf32, #tpu.memory_space<hbm>>
        tpu.enqueue_indirect_dma source(%dma_start3A_397 : memref<50000x64xf32, #tpu.memory_space<hbm>>) target(%dma_start3A_392 : memref<128x64xf32, #tpu.memory_space<vmem>>) offsets(%dma_start3A_394 : memref<128xi32, #tpu.memory_space<vmem>>) semaphore(%arg19 : memref<!tpu.dma_semaphore, #tpu.memory_space<semaphore_mem>>)
        %dma_start3A_398 = arith.constant 256 : i32
        %dma_start3A_399 = tpu.memref_slice %arg11[%dma_start3A_398] : memref<512xf32, #tpu.memory_space<vmem>> -> memref<128xf32, #tpu.memory_space<vmem>>
        %dma_start3A_400 = arith.constant 256 : i32
        %dma_start3A_401 = tpu.memref_slice %arg7[%dma_start3A_400] : memref<512xi32, #tpu.memory_space<vmem>> -> memref<128xi32, #tpu.memory_space<vmem>>
        %dma_start3A_402 = arith.constant 0 : i32
        %dma_start3A_403 = tpu.memref_slice %arg5[%dma_start3A_402] : memref<50000xf32, #tpu.memory_space<hbm>> -> memref<50000xf32, #tpu.memory_space<hbm>>
        tpu.enqueue_indirect_dma source(%dma_start3A_403 : memref<50000xf32, #tpu.memory_space<hbm>>) target(%dma_start3A_399 : memref<128xf32, #tpu.memory_space<vmem>>) offsets(%dma_start3A_401 : memref<128xi32, #tpu.memory_space<vmem>>) semaphore(%arg21 : memref<!tpu.dma_semaphore, #tpu.memory_space<semaphore_mem>>)
        %dma_start3A_404 = arith.constant 384 : i32
        %dma_start3A_405 = arith.constant 0 : i32
        %dma_start3A_406 = tpu.memref_slice %arg13[%dma_start3A_404, %dma_start3A_405] : memref<512x64xf32, #tpu.memory_space<vmem>> -> memref<128x64xf32, #tpu.memory_space<vmem>>
        %dma_start3A_407 = arith.constant 384 : i32
        %dma_start3A_408 = tpu.memref_slice %arg7[%dma_start3A_407] : memref<512xi32, #tpu.memory_space<vmem>> -> memref<128xi32, #tpu.memory_space<vmem>>
        %dma_start3A_409 = arith.constant 0 : i32
        %dma_start3A_410 = arith.constant 0 : i32
        %dma_start3A_411 = tpu.memref_slice %arg4[%dma_start3A_409, %dma_start3A_410] : memref<50000x64xf32, #tpu.memory_space<hbm>> -> memref<50000x64xf32, #tpu.memory_space<hbm>>
        tpu.enqueue_indirect_dma source(%dma_start3A_411 : memref<50000x64xf32, #tpu.memory_space<hbm>>) target(%dma_start3A_406 : memref<128x64xf32, #tpu.memory_space<vmem>>) offsets(%dma_start3A_408 : memref<128xi32, #tpu.memory_space<vmem>>) semaphore(%arg19 : memref<!tpu.dma_semaphore, #tpu.memory_space<semaphore_mem>>)
        %dma_start3A_412 = arith.constant 384 : i32
        %dma_start3A_413 = tpu.memref_slice %arg11[%dma_start3A_412] : memref<512xf32, #tpu.memory_space<vmem>> -> memref<128xf32, #tpu.memory_space<vmem>>
        %dma_start3A_414 = arith.constant 384 : i32
        %dma_start3A_415 = tpu.memref_slice %arg7[%dma_start3A_414] : memref<512xi32, #tpu.memory_space<vmem>> -> memref<128xi32, #tpu.memory_space<vmem>>
        %dma_start3A_416 = arith.constant 0 : i32
        %dma_start3A_417 = tpu.memref_slice %arg5[%dma_start3A_416] : memref<50000xf32, #tpu.memory_space<hbm>> -> memref<50000xf32, #tpu.memory_space<hbm>>
        tpu.enqueue_indirect_dma source(%dma_start3A_417 : memref<50000xf32, #tpu.memory_space<hbm>>) target(%dma_start3A_413 : memref<128xf32, #tpu.memory_space<vmem>>) offsets(%dma_start3A_415 : memref<128xi32, #tpu.memory_space<vmem>>) semaphore(%arg21 : memref<!tpu.dma_semaphore, #tpu.memory_space<semaphore_mem>>)
      } else {
      }
    }
    %scan3A_89 = arith.constant 8 : i32
    %mul3A_90 = arith.constant 512 : i32
    %mul3A_91 = arith.muli %add3A, %mul3A_90 : i32
    %add3A_92 = arith.constant 448 : i32
    %add3A_93 = arith.addi %mul3A_91, %add3A_92 : i32
    %dma_wait3A_94 = arith.constant 0 : i32
    %dma_wait3A_95 = tpu.memref_slice %arg6[%add3A_93, %dma_wait3A_94] : memref<16384x64xf32, #tpu.memory_space<hbm>> -> memref<32x64xf32, #tpu.memory_space<hbm>>
    %dma_wait3A_96 = arith.constant 0 : i32
    %dma_wait3A_97 = tpu.memref_slice %arg6[%add3A_93, %dma_wait3A_96] : memref<16384x64xf32, #tpu.memory_space<hbm>> -> memref<32x64xf32, #tpu.memory_space<hbm>>
    tpu.wait_dma2 semaphore(%arg23 : memref<!tpu.dma_semaphore, #tpu.memory_space<semaphore_mem>>) src(%arg15 : memref<32x64xf32, #tpu.memory_space<vmem>>) dst(%dma_wait3A_97 : memref<32x64xf32, #tpu.memory_space<hbm>>)
    %mul3A_98 = arith.constant 512 : i32
    %mul3A_99 = arith.muli %add3A, %mul3A_98 : i32
    %add3A_100 = arith.constant 480 : i32
    %add3A_101 = arith.addi %mul3A_99, %add3A_100 : i32
    %dma_wait3A_102 = arith.constant 0 : i32
    %dma_wait3A_103 = tpu.memref_slice %arg6[%add3A_101, %dma_wait3A_102] : memref<16384x64xf32, #tpu.memory_space<hbm>> -> memref<32x64xf32, #tpu.memory_space<hbm>>
    %dma_wait3A_104 = arith.constant 0 : i32
    %dma_wait3A_105 = tpu.memref_slice %arg6[%add3A_101, %dma_wait3A_104] : memref<16384x64xf32, #tpu.memory_space<hbm>> -> memref<32x64xf32, #tpu.memory_space<hbm>>
    tpu.wait_dma2 semaphore(%arg24 : memref<!tpu.dma_semaphore, #tpu.memory_space<semaphore_mem>>) src(%arg16 : memref<32x64xf32, #tpu.memory_space<vmem>>) dst(%dma_wait3A_105 : memref<32x64xf32, #tpu.memory_space<hbm>>)
    return
  }
}

#map = affine_map<(d0, d1) -> (0)>
#map1 = affine_map<(d0, d1) -> (0, 0)>
module attributes {stable_mosaic.version = 14 : i64} {
  func.func @_sc1_body(%arg0: i32, %arg1: i32, %arg2: memref<16384xi32, #tpu.memory_space<hbm>>, %arg3: memref<16384xi32, #tpu.memory_space<hbm>>, %arg4: memref<50000x16xi32, #tpu.memory_space<hbm>>, %arg5: memref<50000x16xi32, #tpu.memory_space<hbm>>, %arg6: memref<50000x64xf32, #tpu.memory_space<hbm>>, %arg7: memref<50000x64xf32, #tpu.memory_space<hbm>>, %arg8: memref<16384x64xf32, #tpu.memory_space<hbm>>, %arg9: memref<16384x64xf32, #tpu.memory_space<hbm>>, %arg10: memref<262144xi32, #tpu.memory_space<hbm>>, %arg11: memref<16384x16xi32, #tpu.memory_space<hbm>>, %arg12: memref<64xi32, #tpu.memory_space<vmem>>, %arg13: memref<64xi32, #tpu.memory_space<vmem>>, %arg14: memref<64x16xi32, #tpu.memory_space<vmem>>, %arg15: memref<1024xi32, #tpu.memory_space<vmem>>, %arg16: memref<64x16xi32, #tpu.memory_space<vmem>>, %arg17: memref<64x64xf32, #tpu.memory_space<vmem>>, %arg18: memref<64x64xf32, #tpu.memory_space<vmem>>, %arg19: memref<!tpu.dma_semaphore, #tpu.memory_space<semaphore_mem>>, %arg20: memref<!tpu.dma_semaphore, #tpu.memory_space<semaphore_mem>>) attributes {dimension_semantics = [#tpu.dimension_semantics<core_parallel>, #tpu.dimension_semantics<subcore_parallel>], iteration_bounds = array<i64: 2, 16>, scalar_prefetch = 0 : i64, scratch_operands = 9 : i64, tpu.core_type = #tpu.core_type<sc_vector_subcore>, window_params = [{transform_indices = #map}, {transform_indices = #map}, {transform_indices = #map1}, {transform_indices = #map1}, {transform_indices = #map1}, {transform_indices = #map1}, {transform_indices = #map1}, {transform_indices = #map1}, {transform_indices = #map}, {transform_indices = #map1}]} {
    %mul3A = arith.constant 2 : i32
    %mul3A_0 = arith.muli %arg1, %mul3A : i32
    %add3A = arith.addi %mul3A_0, %arg0 : i32
    %scan3A = arith.constant 0 : i32
    %scan3A_1 = arith.constant 0 : i32
    %scan3A_2 = arith.constant 8 : i32
    %scan3A_3 = arith.addi %scan3A_1, %scan3A_2 : i32
    %scan3A_4 = arith.constant 1 : i32
    scf.for %scan3A_6 = %scan3A_1 to %scan3A_3 step %scan3A_4  : i32 {
      %mul3A_7 = arith.constant 512 : i32
      %mul3A_8 = arith.muli %add3A, %mul3A_7 : i32
      %mul3A_9 = arith.constant 64 : i32
      %mul3A_10 = arith.muli %scan3A_6, %mul3A_9 : i32
      %add3A_11 = arith.addi %mul3A_8, %mul3A_10 : i32
      "tpu.region"() ({
        %run_scoped3A = tpu.sem_alloc : memref<!tpu.dma_semaphore, #tpu.memory_space<semaphore_mem>>
        %dma_start3A_43 = tpu.memref_slice %arg2[%add3A_11] : memref<16384xi32, #tpu.memory_space<hbm>> -> memref<64xi32, #tpu.memory_space<hbm>>
        %dma_start3A_44 = tpu.memref_slice %arg2[%add3A_11] : memref<16384xi32, #tpu.memory_space<hbm>> -> memref<64xi32, #tpu.memory_space<hbm>>
        tpu.enqueue_dma source(%dma_start3A_44 : memref<64xi32, #tpu.memory_space<hbm>>) target(%arg12 : memref<64xi32, #tpu.memory_space<vmem>>) target_semaphore(%run_scoped3A : memref<!tpu.dma_semaphore, #tpu.memory_space<semaphore_mem>>)
        %dma_wait3A_45 = tpu.memref_slice %arg2[%add3A_11] : memref<16384xi32, #tpu.memory_space<hbm>> -> memref<64xi32, #tpu.memory_space<hbm>>
        %dma_wait3A_46 = tpu.memref_slice %arg2[%add3A_11] : memref<16384xi32, #tpu.memory_space<hbm>> -> memref<64xi32, #tpu.memory_space<hbm>>
        tpu.wait_dma2 semaphore(%run_scoped3A : memref<!tpu.dma_semaphore, #tpu.memory_space<semaphore_mem>>) src(%dma_wait3A_46 : memref<64xi32, #tpu.memory_space<hbm>>) dst(%arg12 : memref<64xi32, #tpu.memory_space<vmem>>)
        tpu.yield
      }) : () -> ()
      "tpu.region"() ({
        %run_scoped3A = tpu.sem_alloc : memref<!tpu.dma_semaphore, #tpu.memory_space<semaphore_mem>>
        %dma_start3A_43 = tpu.memref_slice %arg3[%add3A_11] : memref<16384xi32, #tpu.memory_space<hbm>> -> memref<64xi32, #tpu.memory_space<hbm>>
        %dma_start3A_44 = tpu.memref_slice %arg3[%add3A_11] : memref<16384xi32, #tpu.memory_space<hbm>> -> memref<64xi32, #tpu.memory_space<hbm>>
        tpu.enqueue_dma source(%dma_start3A_44 : memref<64xi32, #tpu.memory_space<hbm>>) target(%arg13 : memref<64xi32, #tpu.memory_space<vmem>>) target_semaphore(%run_scoped3A : memref<!tpu.dma_semaphore, #tpu.memory_space<semaphore_mem>>)
        %dma_wait3A_45 = tpu.memref_slice %arg3[%add3A_11] : memref<16384xi32, #tpu.memory_space<hbm>> -> memref<64xi32, #tpu.memory_space<hbm>>
        %dma_wait3A_46 = tpu.memref_slice %arg3[%add3A_11] : memref<16384xi32, #tpu.memory_space<hbm>> -> memref<64xi32, #tpu.memory_space<hbm>>
        tpu.wait_dma2 semaphore(%run_scoped3A : memref<!tpu.dma_semaphore, #tpu.memory_space<semaphore_mem>>) src(%dma_wait3A_46 : memref<64xi32, #tpu.memory_space<hbm>>) dst(%arg13 : memref<64xi32, #tpu.memory_space<vmem>>)
        tpu.yield
      }) : () -> ()
      %dma_start3A = arith.constant 0 : i32
      %dma_start3A_12 = arith.constant 0 : i32
      %dma_start3A_13 = tpu.memref_slice %arg4[%dma_start3A, %dma_start3A_12] : memref<50000x16xi32, #tpu.memory_space<hbm>> -> memref<50000x16xi32, #tpu.memory_space<hbm>>
      tpu.enqueue_indirect_dma source(%dma_start3A_13 : memref<50000x16xi32, #tpu.memory_space<hbm>>) target(%arg14 : memref<64x16xi32, #tpu.memory_space<vmem>>) offsets(%arg13 : memref<64xi32, #tpu.memory_space<vmem>>) semaphore(%arg19 : memref<!tpu.dma_semaphore, #tpu.memory_space<semaphore_mem>>)
      %dma_start3A_14 = arith.constant 0 : i32
      %dma_start3A_15 = arith.constant 0 : i32
      %dma_start3A_16 = tpu.memref_slice %arg5[%dma_start3A_14, %dma_start3A_15] : memref<50000x16xi32, #tpu.memory_space<hbm>> -> memref<50000x16xi32, #tpu.memory_space<hbm>>
      tpu.enqueue_indirect_dma source(%dma_start3A_16 : memref<50000x16xi32, #tpu.memory_space<hbm>>) target(%arg16 : memref<64x16xi32, #tpu.memory_space<vmem>>) offsets(%arg13 : memref<64xi32, #tpu.memory_space<vmem>>) semaphore(%arg20 : memref<!tpu.dma_semaphore, #tpu.memory_space<semaphore_mem>>)
      %dma_start3A_17 = arith.constant 0 : i32
      %dma_start3A_18 = arith.constant 0 : i32
      %dma_start3A_19 = tpu.memref_slice %arg6[%dma_start3A_17, %dma_start3A_18] : memref<50000x64xf32, #tpu.memory_space<hbm>> -> memref<50000x64xf32, #tpu.memory_space<hbm>>
      tpu.enqueue_indirect_dma source(%dma_start3A_19 : memref<50000x64xf32, #tpu.memory_space<hbm>>) target(%arg17 : memref<64x64xf32, #tpu.memory_space<vmem>>) offsets(%arg12 : memref<64xi32, #tpu.memory_space<vmem>>) semaphore(%arg20 : memref<!tpu.dma_semaphore, #tpu.memory_space<semaphore_mem>>)
      %dma_start3A_20 = arith.constant 0 : i32
      %dma_start3A_21 = arith.constant 0 : i32
      %dma_start3A_22 = tpu.memref_slice %arg7[%dma_start3A_20, %dma_start3A_21] : memref<50000x64xf32, #tpu.memory_space<hbm>> -> memref<50000x64xf32, #tpu.memory_space<hbm>>
      tpu.enqueue_indirect_dma source(%dma_start3A_22 : memref<50000x64xf32, #tpu.memory_space<hbm>>) target(%arg18 : memref<64x64xf32, #tpu.memory_space<vmem>>) offsets(%arg13 : memref<64xi32, #tpu.memory_space<vmem>>) semaphore(%arg20 : memref<!tpu.dma_semaphore, #tpu.memory_space<semaphore_mem>>)
      %dma_wait3A = arith.constant 0 : i32
      %dma_wait3A_23 = arith.constant 0 : i32
      %dma_wait3A_24 = tpu.memref_slice %arg4[%dma_wait3A, %dma_wait3A_23] : memref<50000x16xi32, #tpu.memory_space<hbm>> -> memref<50000x16xi32, #tpu.memory_space<hbm>>
      tpu.wait_indirect_dma semaphore(%arg19 : memref<!tpu.dma_semaphore, #tpu.memory_space<semaphore_mem>>) src(%dma_wait3A_24 : memref<50000x16xi32, #tpu.memory_space<hbm>>) dst(%arg14 : memref<64x16xi32, #tpu.memory_space<vmem>>)
      %scan3A_25 = arith.constant 0 : i32
      %scan3A_26 = arith.constant 0 : i32
      %scan3A_27 = arith.constant 64 : i32
      %scan3A_28 = arith.addi %scan3A_26, %scan3A_27 : i32
      %scan3A_29 = arith.constant 1 : i32
      %scan3A_30 = scf.for %scan3A_43 = %scan3A_26 to %scan3A_28 step %scan3A_29 iter_args(%scan3A_44 = %scan3A_25) -> (i32)  : i32 {
        %get3A = arith.index_cast %scan3A_43 : i32 to index
        %get3A_45 = arith.constant 0 : index
        %get3A_46 = tpu.vector_load %arg14[%get3A, %get3A_45] {strides = array<i32>} : memref<64x16xi32, #tpu.memory_space<vmem>>, vector<1x16xi32>,
        %get3A_47 = vector.shape_cast %get3A_46 : vector<1x16xi32> to vector<16xi32>
        %mul3A_48 = arith.constant 16 : i32
        %mul3A_49 = arith.muli %scan3A_43, %mul3A_48 : i32
        %multiple_of3A = tpu.assume_multiple %mul3A_49, 16 : i32
        %swap3A = arith.index_cast %multiple_of3A : i32 to index
        %swap3A_50 = tpu.vector_load %arg15[%swap3A] {strides = array<i32>} : memref<1024xi32, #tpu.memory_space<vmem>>, vector<16xi32>,
        %swap3A_51 = vector.shape_cast %swap3A_50 : vector<16xi32> to vector<16xi32>
        %swap3A_52 = vector.shape_cast %get3A_47 : vector<16xi32> to vector<16xi32>
        tpu.vector_store %arg15[%swap3A], %swap3A_52 {strides = array<i32>} : memref<1024xi32, #tpu.memory_space<vmem>>, vector<16xi32>,
        %scan3A_53 = arith.constant 0 : i32
        scf.yield %scan3A_53 : i32
      }
      %scan3A_31 = arith.constant 64 : i32
      %dma_wait3A_32 = arith.constant 0 : i32
      %dma_wait3A_33 = arith.constant 0 : i32
      %dma_wait3A_34 = tpu.memref_slice %arg5[%dma_wait3A_32, %dma_wait3A_33] : memref<50000x16xi32, #tpu.memory_space<hbm>> -> memref<50000x16xi32, #tpu.memory_space<hbm>>
      tpu.wait_indirect_dma semaphore(%arg20 : memref<!tpu.dma_semaphore, #tpu.memory_space<semaphore_mem>>) src(%dma_wait3A_34 : memref<50000x16xi32, #tpu.memory_space<hbm>>) dst(%arg16 : memref<64x16xi32, #tpu.memory_space<vmem>>)
      %dma_wait3A_35 = arith.constant 0 : i32
      %dma_wait3A_36 = arith.constant 0 : i32
      %dma_wait3A_37 = tpu.memref_slice %arg6[%dma_wait3A_35, %dma_wait3A_36] : memref<50000x64xf32, #tpu.memory_space<hbm>> -> memref<50000x64xf32, #tpu.memory_space<hbm>>
      tpu.wait_indirect_dma semaphore(%arg20 : memref<!tpu.dma_semaphore, #tpu.memory_space<semaphore_mem>>) src(%dma_wait3A_37 : memref<50000x64xf32, #tpu.memory_space<hbm>>) dst(%arg17 : memref<64x64xf32, #tpu.memory_space<vmem>>)
      %dma_wait3A_38 = arith.constant 0 : i32
      %dma_wait3A_39 = arith.constant 0 : i32
      %dma_wait3A_40 = tpu.memref_slice %arg7[%dma_wait3A_38, %dma_wait3A_39] : memref<50000x64xf32, #tpu.memory_space<hbm>> -> memref<50000x64xf32, #tpu.memory_space<hbm>>
      tpu.wait_indirect_dma semaphore(%arg20 : memref<!tpu.dma_semaphore, #tpu.memory_space<semaphore_mem>>) src(%dma_wait3A_40 : memref<50000x64xf32, #tpu.memory_space<hbm>>) dst(%arg18 : memref<64x64xf32, #tpu.memory_space<vmem>>)
      "tpu.region"() ({
        %run_scoped3A = tpu.sem_alloc : memref<!tpu.dma_semaphore, #tpu.memory_space<semaphore_mem>>
        %dma_start3A_43 = arith.constant 0 : i32
        %dma_start3A_44 = tpu.memref_slice %arg8[%add3A_11, %dma_start3A_43] : memref<16384x64xf32, #tpu.memory_space<hbm>> -> memref<64x64xf32, #tpu.memory_space<hbm>>
        %dma_start3A_45 = arith.constant 0 : i32
        %dma_start3A_46 = tpu.memref_slice %arg8[%add3A_11, %dma_start3A_45] : memref<16384x64xf32, #tpu.memory_space<hbm>> -> memref<64x64xf32, #tpu.memory_space<hbm>>
        tpu.enqueue_dma source(%arg17 : memref<64x64xf32, #tpu.memory_space<vmem>>) target(%dma_start3A_46 : memref<64x64xf32, #tpu.memory_space<hbm>>) target_semaphore(%run_scoped3A : memref<!tpu.dma_semaphore, #tpu.memory_space<semaphore_mem>>)
        %dma_wait3A_47 = arith.constant 0 : i32
        %dma_wait3A_48 = tpu.memref_slice %arg8[%add3A_11, %dma_wait3A_47] : memref<16384x64xf32, #tpu.memory_space<hbm>> -> memref<64x64xf32, #tpu.memory_space<hbm>>
        %dma_wait3A_49 = arith.constant 0 : i32
        %dma_wait3A_50 = tpu.memref_slice %arg8[%add3A_11, %dma_wait3A_49] : memref<16384x64xf32, #tpu.memory_space<hbm>> -> memref<64x64xf32, #tpu.memory_space<hbm>>
        tpu.wait_dma2 semaphore(%run_scoped3A : memref<!tpu.dma_semaphore, #tpu.memory_space<semaphore_mem>>) src(%arg17 : memref<64x64xf32, #tpu.memory_space<vmem>>) dst(%dma_wait3A_50 : memref<64x64xf32, #tpu.memory_space<hbm>>)
        tpu.yield
      }) : () -> ()
      "tpu.region"() ({
        %run_scoped3A = tpu.sem_alloc : memref<!tpu.dma_semaphore, #tpu.memory_space<semaphore_mem>>
        %dma_start3A_43 = arith.constant 0 : i32
        %dma_start3A_44 = tpu.memref_slice %arg9[%add3A_11, %dma_start3A_43] : memref<16384x64xf32, #tpu.memory_space<hbm>> -> memref<64x64xf32, #tpu.memory_space<hbm>>
        %dma_start3A_45 = arith.constant 0 : i32
        %dma_start3A_46 = tpu.memref_slice %arg9[%add3A_11, %dma_start3A_45] : memref<16384x64xf32, #tpu.memory_space<hbm>> -> memref<64x64xf32, #tpu.memory_space<hbm>>
        tpu.enqueue_dma source(%arg18 : memref<64x64xf32, #tpu.memory_space<vmem>>) target(%dma_start3A_46 : memref<64x64xf32, #tpu.memory_space<hbm>>) target_semaphore(%run_scoped3A : memref<!tpu.dma_semaphore, #tpu.memory_space<semaphore_mem>>)
        %dma_wait3A_47 = arith.constant 0 : i32
        %dma_wait3A_48 = tpu.memref_slice %arg9[%add3A_11, %dma_wait3A_47] : memref<16384x64xf32, #tpu.memory_space<hbm>> -> memref<64x64xf32, #tpu.memory_space<hbm>>
        %dma_wait3A_49 = arith.constant 0 : i32
        %dma_wait3A_50 = tpu.memref_slice %arg9[%add3A_11, %dma_wait3A_49] : memref<16384x64xf32, #tpu.memory_space<hbm>> -> memref<64x64xf32, #tpu.memory_space<hbm>>
        tpu.wait_dma2 semaphore(%run_scoped3A : memref<!tpu.dma_semaphore, #tpu.memory_space<semaphore_mem>>) src(%arg18 : memref<64x64xf32, #tpu.memory_space<vmem>>) dst(%dma_wait3A_50 : memref<64x64xf32, #tpu.memory_space<hbm>>)
        tpu.yield
      }) : () -> ()
      %mul3A_41 = arith.constant 16 : i32
      %mul3A_42 = arith.muli %add3A_11, %mul3A_41 : i32
      "tpu.region"() ({
        %run_scoped3A = tpu.sem_alloc : memref<!tpu.dma_semaphore, #tpu.memory_space<semaphore_mem>>
        %dma_start3A_43 = tpu.memref_slice %arg10[%mul3A_42] : memref<262144xi32, #tpu.memory_space<hbm>> -> memref<1024xi32, #tpu.memory_space<hbm>>
        %dma_start3A_44 = tpu.memref_slice %arg10[%mul3A_42] : memref<262144xi32, #tpu.memory_space<hbm>> -> memref<1024xi32, #tpu.memory_space<hbm>>
        tpu.enqueue_dma source(%arg15 : memref<1024xi32, #tpu.memory_space<vmem>>) target(%dma_start3A_44 : memref<1024xi32, #tpu.memory_space<hbm>>) target_semaphore(%run_scoped3A : memref<!tpu.dma_semaphore, #tpu.memory_space<semaphore_mem>>)
        %dma_wait3A_45 = tpu.memref_slice %arg10[%mul3A_42] : memref<262144xi32, #tpu.memory_space<hbm>> -> memref<1024xi32, #tpu.memory_space<hbm>>
        %dma_wait3A_46 = tpu.memref_slice %arg10[%mul3A_42] : memref<262144xi32, #tpu.memory_space<hbm>> -> memref<1024xi32, #tpu.memory_space<hbm>>
        tpu.wait_dma2 semaphore(%run_scoped3A : memref<!tpu.dma_semaphore, #tpu.memory_space<semaphore_mem>>) src(%arg15 : memref<1024xi32, #tpu.memory_space<vmem>>) dst(%dma_wait3A_46 : memref<1024xi32, #tpu.memory_space<hbm>>)
        tpu.yield
      }) : () -> ()
      "tpu.region"() ({
        %run_scoped3A = tpu.sem_alloc : memref<!tpu.dma_semaphore, #tpu.memory_space<semaphore_mem>>
        %dma_start3A_43 = arith.constant 0 : i32
        %dma_start3A_44 = tpu.memref_slice %arg11[%add3A_11, %dma_start3A_43] : memref<16384x16xi32, #tpu.memory_space<hbm>> -> memref<64x16xi32, #tpu.memory_space<hbm>>
        %dma_start3A_45 = arith.constant 0 : i32
        %dma_start3A_46 = tpu.memref_slice %arg11[%add3A_11, %dma_start3A_45] : memref<16384x16xi32, #tpu.memory_space<hbm>> -> memref<64x16xi32, #tpu.memory_space<hbm>>
        tpu.enqueue_dma source(%arg16 : memref<64x16xi32, #tpu.memory_space<vmem>>) target(%dma_start3A_46 : memref<64x16xi32, #tpu.memory_space<hbm>>) target_semaphore(%run_scoped3A : memref<!tpu.dma_semaphore, #tpu.memory_space<semaphore_mem>>)
        %dma_wait3A_47 = arith.constant 0 : i32
        %dma_wait3A_48 = tpu.memref_slice %arg11[%add3A_11, %dma_wait3A_47] : memref<16384x16xi32, #tpu.memory_space<hbm>> -> memref<64x16xi32, #tpu.memory_space<hbm>>
        %dma_wait3A_49 = arith.constant 0 : i32
        %dma_wait3A_50 = tpu.memref_slice %arg11[%add3A_11, %dma_wait3A_49] : memref<16384x16xi32, #tpu.memory_space<hbm>> -> memref<64x16xi32, #tpu.memory_space<hbm>>
        tpu.wait_dma2 semaphore(%run_scoped3A : memref<!tpu.dma_semaphore, #tpu.memory_space<semaphore_mem>>) src(%arg16 : memref<64x16xi32, #tpu.memory_space<vmem>>) dst(%dma_wait3A_50 : memref<64x16xi32, #tpu.memory_space<hbm>>)
        tpu.yield
      }) : () -> ()
    }
    %scan3A_5 = arith.constant 8 : i32
    return
  }
}

module attributes {stable_mosaic.version = 14 : i64} {
  func.func @_norm_body(%arg0: i32, %arg1: memref<2000x64xf32, #tpu.memory_space<vmem>>, %arg2: memref<2000x1xf32, #tpu.memory_space<vmem>>) attributes {dimension_semantics = [#tpu.dimension_semantics<arbitrary>], iteration_bounds = array<i64: 25>, scalar_prefetch = 0 : i64, scratch_operands = 0 : i64, tpu.core_type = #tpu.core_type<tc>, window_params = [{transform_indices = @transform_0, window_bounds = array<i64: 2000, 64>}, {transform_indices = @transform_1, window_bounds = array<i64: 2000, 1>}]} {
    %get3A = arith.constant 0 : index
    %get3A_0 = arith.constant 0 : index
    %get3A_1 = vector.load %arg1[%get3A, %get3A_0] : memref<2000x64xf32, #tpu.memory_space<vmem>>, vector<2000x64xf32>
    %mul3A = arith.mulf %get3A_1, %get3A_1 : vector<2000x64xf32>
    %reduce_sum3A = arith.constant dense<0.000000e+00> : vector<2000xf32>
    %reduce_sum3A_2 = vector.multi_reduction <add>, %mul3A, %reduce_sum3A [1] : vector<2000x64xf32> to vector<2000xf32>
    %broadcast_in_dim3A = vector.shape_cast %reduce_sum3A_2 : vector<2000xf32> to vector<2000x1xf32>
    %sqrt3A = math.sqrt %broadcast_in_dim3A : vector<2000x1xf32>
    %max3A = arith.constant 1.000000e-07 : f32
    %max3A_3 = vector.broadcast %max3A : f32 to vector<2000x1xf32>
    %max3A_4 = arith.maximumf %sqrt3A, %max3A_3 : vector<2000x1xf32>
    %div3A = arith.constant 1.000000e+00 : f32
    %div3A_5 = vector.broadcast %div3A : f32 to vector<2000x1xf32>
    %div3A_6 = arith.divf %div3A_5, %max3A_4 : vector<2000x1xf32>
    %min3A = arith.constant 1.000000e+00 : f32
    %min3A_7 = vector.broadcast %min3A : f32 to vector<2000x1xf32>
    %min3A_8 = arith.minimumf %min3A_7, %div3A_6 : vector<2000x1xf32>
    %swap3A = arith.constant 0 : index
    %swap3A_9 = arith.constant 0 : index
    %swap3A_10 = vector.load %arg2[%swap3A, %swap3A_9] : memref<2000x1xf32, #tpu.memory_space<vmem>>, vector<2000x1xf32>
    tpu.vector_store %arg2[%swap3A, %swap3A_9], %min3A_8 {strides = array<i32>} : memref<2000x1xf32, #tpu.memory_space<vmem>>, vector<2000x1xf32>,
    return
  }
  func.func @transform_0(%arg0: i32) -> (i32, i32) {
    %c0_i32 = arith.constant 0 : i32
    %c0_i32_0 = arith.constant 0 : i32
    return %arg0, %c0_i32 : i32, i32
  }
  func.func @transform_1(%arg0: i32) -> (i32, i32) {
    %c0_i32 = arith.constant 0 : i32
    %c0_i32_0 = arith.constant 0 : i32
    return %arg0, %c0_i32 : i32, i32
  }
}

module attributes {stable_mosaic.version = 14 : i64} {
  func.func @_weights_body(%arg0: i32, %arg1: memref<512x64xf32, #tpu.memory_space<vmem>>, %arg2: memref<512x64xf32, #tpu.memory_space<vmem>>, %arg3: memref<512x16xi32, #tpu.memory_space<vmem>>, %arg4: memref<32x64xf32, #tpu.memory_space<vmem>>, %arg5: memref<512x64xf32, #tpu.memory_space<vmem>>, %arg6: memref<512x64xf32, #tpu.memory_space<vmem>>, %arg7: memref<512x16xf32, #tpu.memory_space<vmem>>) attributes {dimension_semantics = [#tpu.dimension_semantics<arbitrary>], iteration_bounds = array<i64: 32>, scalar_prefetch = 0 : i64, scratch_operands = 0 : i64, tpu.core_type = #tpu.core_type<tc>, window_params = [{transform_indices = @transform_0, window_bounds = array<i64: 512, 64>}, {transform_indices = @transform_1, window_bounds = array<i64: 512, 64>}, {transform_indices = @transform_2, window_bounds = array<i64: 512, 16>}, {pipeline_mode = #tpu.pipeline_mode<synchronous>, transform_indices = @transform_3, window_bounds = array<i64: 32, 64>}, {transform_indices = @transform_4, window_bounds = array<i64: 512, 64>}, {transform_indices = @transform_5, window_bounds = array<i64: 512, 64>}, {transform_indices = @transform_6, window_bounds = array<i64: 512, 16>}]} {
    %get3A = arith.constant 0 : index
    %get3A_0 = arith.constant 0 : index
    %get3A_1 = vector.load %arg4[%get3A, %get3A_0] : memref<32x64xf32, #tpu.memory_space<vmem>>, vector<32x64xf32>
    %mul3A = arith.mulf %get3A_1, %get3A_1 : vector<32x64xf32>
    %reduce_sum3A = arith.constant dense<0.000000e+00> : vector<32xf32>
    %reduce_sum3A_2 = vector.multi_reduction <add>, %mul3A, %reduce_sum3A [1] : vector<32x64xf32> to vector<32xf32>
    %broadcast_in_dim3A = vector.shape_cast %reduce_sum3A_2 : vector<32xf32> to vector<32x1xf32>
    %sqrt3A = math.sqrt %broadcast_in_dim3A : vector<32x1xf32>
    %max3A = arith.constant 1.000000e-07 : f32
    %max3A_3 = vector.broadcast %max3A : f32 to vector<32x1xf32>
    %max3A_4 = arith.maximumf %sqrt3A, %max3A_3 : vector<32x1xf32>
    %div3A = arith.constant 1.000000e+00 : f32
    %div3A_5 = vector.broadcast %div3A : f32 to vector<32x1xf32>
    %div3A_6 = arith.divf %div3A_5, %max3A_4 : vector<32x1xf32>
    %min3A = arith.constant 1.000000e+00 : f32
    %min3A_7 = vector.broadcast %min3A : f32 to vector<32x1xf32>
    %min3A_8 = arith.minimumf %min3A_7, %div3A_6 : vector<32x1xf32>
    %mul3A_9 = vector.broadcast %min3A_8 : vector<32x1xf32> to vector<32x64xf32>
    %mul3A_10 = arith.mulf %get3A_1, %mul3A_9 : vector<32x64xf32>
    %get3A_11 = arith.constant 0 : index
    %get3A_12 = arith.constant 0 : index
    %get3A_13 = vector.load %arg1[%get3A_11, %get3A_12] : memref<512x64xf32, #tpu.memory_space<vmem>>, vector<512x64xf32>
    %mul3A_14 = arith.mulf %get3A_13, %get3A_13 : vector<512x64xf32>
    %reduce_sum3A_15 = arith.constant dense<0.000000e+00> : vector<512xf32>
    %reduce_sum3A_16 = vector.multi_reduction <add>, %mul3A_14, %reduce_sum3A_15 [1] : vector<512x64xf32> to vector<512xf32>
    %broadcast_in_dim3A_17 = vector.shape_cast %reduce_sum3A_16 : vector<512xf32> to vector<512x1xf32>
    %sqrt3A_18 = math.sqrt %broadcast_in_dim3A_17 : vector<512x1xf32>
    %max3A_19 = arith.constant 1.000000e-07 : f32
    %max3A_20 = vector.broadcast %max3A_19 : f32 to vector<512x1xf32>
    %max3A_21 = arith.maximumf %sqrt3A_18, %max3A_20 : vector<512x1xf32>
    %div3A_22 = arith.constant 1.000000e+00 : f32
    %div3A_23 = vector.broadcast %div3A_22 : f32 to vector<512x1xf32>
    %div3A_24 = arith.divf %div3A_23, %max3A_21 : vector<512x1xf32>
    %min3A_25 = arith.constant 1.000000e+00 : f32
    %min3A_26 = vector.broadcast %min3A_25 : f32 to vector<512x1xf32>
    %min3A_27 = arith.minimumf %min3A_26, %div3A_24 : vector<512x1xf32>
    %mul3A_28 = vector.broadcast %min3A_27 : vector<512x1xf32> to vector<512x64xf32>
    %mul3A_29 = arith.mulf %get3A_13, %mul3A_28 : vector<512x64xf32>
    %swap3A = arith.constant 0 : index
    %swap3A_30 = arith.constant 0 : index
    %swap3A_31 = vector.load %arg5[%swap3A, %swap3A_30] : memref<512x64xf32, #tpu.memory_space<vmem>>, vector<512x64xf32>
    tpu.vector_store %arg5[%swap3A, %swap3A_30], %mul3A_29 {strides = array<i32>} : memref<512x64xf32, #tpu.memory_space<vmem>>, vector<512x64xf32>,
    %get3A_32 = arith.constant 0 : index
    %get3A_33 = arith.constant 0 : index
    %get3A_34 = vector.load %arg2[%get3A_32, %get3A_33] : memref<512x64xf32, #tpu.memory_space<vmem>>, vector<512x64xf32>
    %mul3A_35 = arith.mulf %get3A_34, %get3A_34 : vector<512x64xf32>
    %reduce_sum3A_36 = arith.constant dense<0.000000e+00> : vector<512xf32>
    %reduce_sum3A_37 = vector.multi_reduction <add>, %mul3A_35, %reduce_sum3A_36 [1] : vector<512x64xf32> to vector<512xf32>
    %broadcast_in_dim3A_38 = vector.shape_cast %reduce_sum3A_37 : vector<512xf32> to vector<512x1xf32>
    %sqrt3A_39 = math.sqrt %broadcast_in_dim3A_38 : vector<512x1xf32>
    %max3A_40 = arith.constant 1.000000e-07 : f32
    %max3A_41 = vector.broadcast %max3A_40 : f32 to vector<512x1xf32>
    %max3A_42 = arith.maximumf %sqrt3A_39, %max3A_41 : vector<512x1xf32>
    %div3A_43 = arith.constant 1.000000e+00 : f32
    %div3A_44 = vector.broadcast %div3A_43 : f32 to vector<512x1xf32>
    %div3A_45 = arith.divf %div3A_44, %max3A_42 : vector<512x1xf32>
    %min3A_46 = arith.constant 1.000000e+00 : f32
    %min3A_47 = vector.broadcast %min3A_46 : f32 to vector<512x1xf32>
    %min3A_48 = arith.minimumf %min3A_47, %div3A_45 : vector<512x1xf32>
    %mul3A_49 = vector.broadcast %min3A_48 : vector<512x1xf32> to vector<512x64xf32>
    %mul3A_50 = arith.mulf %get3A_34, %mul3A_49 : vector<512x64xf32>
    %swap3A_51 = arith.constant 0 : index
    %swap3A_52 = arith.constant 0 : index
    %swap3A_53 = vector.load %arg6[%swap3A_51, %swap3A_52] : memref<512x64xf32, #tpu.memory_space<vmem>>, vector<512x64xf32>
    tpu.vector_store %arg6[%swap3A_51, %swap3A_52], %mul3A_50 {strides = array<i32>} : memref<512x64xf32, #tpu.memory_space<vmem>>, vector<512x64xf32>,
    %dot_general3A = arith.constant dense<0.000000e+00> : vector<512x32xf32>
    %dot_general3A_54 = tpu.matmul %mul3A_29, %mul3A_10, %dot_general3A {dimension_numbers = #tpu.dot_dimension_numbers<[1], [1], [0], [0], [0, 0, 1, 0], [], []>, transpose_lhs_hint = false} : vector<512x64xf32>, vector<32x64xf32>, vector<512x32xf32> -> vector<512x32xf32>
    %get3A_55 = arith.constant 0 : index
    %get3A_56 = arith.constant 0 : index
    %get3A_57 = vector.load %arg3[%get3A_55, %get3A_56] : memref<512x16xi32, #tpu.memory_space<vmem>>, vector<512x16xi32>
    %lt3A = arith.constant 0 : i32
    %lt3A_58 = vector.broadcast %lt3A : i32 to vector<512x16xi32>
    %lt3A_59 = arith.cmpi slt, %get3A_57, %lt3A_58 : vector<512x16xi32>
    %add3A = arith.constant 32 : i32
    %add3A_60 = vector.broadcast %add3A : i32 to vector<512x16xi32>
    %add3A_61 = arith.addi %get3A_57, %add3A_60 : vector<512x16xi32>
    %select_n3A = arith.select %lt3A_59, %add3A_61, %get3A_57 : vector<512x16xi1>, vector<512x16xi32>
    %reshape3A = vector.shape_cast %select_n3A : vector<512x16xi32> to vector<512x16x1xi32>
    %gather3A = vector.shape_cast %reshape3A : vector<512x16x1xi32> to vector<512x16xi32>
    %gather3A_62 = tpu.dynamic_gather %dot_general3A_54[%gather3A] in [1] : vector<512x32xf32>, vector<512x16xi32> -> vector<512x16xf32>
    %reduce_max3A = arith.constant dense<0xFF800000> : vector<512xf32>
    %reduce_max3A_63 = vector.multi_reduction <maximumf>, %gather3A_62, %reduce_max3A [1] : vector<512x16xf32> to vector<512xf32>
    %broadcast_in_dim3A_64 = vector.shape_cast %reduce_max3A_63 : vector<512xf32> to vector<512x1xf32>
    %sub3A = vector.broadcast %broadcast_in_dim3A_64 : vector<512x1xf32> to vector<512x16xf32>
    %sub3A_65 = arith.subf %gather3A_62, %sub3A : vector<512x16xf32>
    %exp3A = math.exp %sub3A_65 : vector<512x16xf32>
    %reduce_sum3A_66 = arith.constant dense<0.000000e+00> : vector<512xf32>
    %reduce_sum3A_67 = vector.multi_reduction <add>, %exp3A, %reduce_sum3A_66 [1] : vector<512x16xf32> to vector<512xf32>
    %broadcast_in_dim3A_68 = vector.shape_cast %reduce_sum3A_67 : vector<512xf32> to vector<512x1xf32>
    %div3A_69 = vector.broadcast %broadcast_in_dim3A_68 : vector<512x1xf32> to vector<512x16xf32>
    %div3A_70 = arith.divf %exp3A, %div3A_69 : vector<512x16xf32>
    %swap3A_71 = arith.constant 0 : index
    %swap3A_72 = arith.constant 0 : index
    %swap3A_73 = vector.load %arg7[%swap3A_71, %swap3A_72] : memref<512x16xf32, #tpu.memory_space<vmem>>, vector<512x16xf32>
    tpu.vector_store %arg7[%swap3A_71, %swap3A_72], %div3A_70 {strides = array<i32>} : memref<512x16xf32, #tpu.memory_space<vmem>>, vector<512x16xf32>,
    return
  }
  func.func @transform_0(%arg0: i32) -> (i32, i32) {
    %c0_i32 = arith.constant 0 : i32
    %c0_i32_0 = arith.constant 0 : i32
    return %arg0, %c0_i32 : i32, i32
  }
  func.func @transform_1(%arg0: i32) -> (i32, i32) {
    %c0_i32 = arith.constant 0 : i32
    %c0_i32_0 = arith.constant 0 : i32
    return %arg0, %c0_i32 : i32, i32
  }
  func.func @transform_2(%arg0: i32) -> (i32, i32) {
    %c0_i32 = arith.constant 0 : i32
    %c0_i32_0 = arith.constant 0 : i32
    return %arg0, %c0_i32 : i32, i32
  }
  func.func @transform_3(%arg0: i32) -> (i32, i32) {
    %c0_i32 = arith.constant 0 : i32
    %c0_i32_0 = arith.constant 0 : i32
    %c0_i32_1 = arith.constant 0 : i32
    return %c0_i32, %c0_i32_0 : i32, i32
  }
  func.func @transform_4(%arg0: i32) -> (i32, i32) {
    %c0_i32 = arith.constant 0 : i32
    %c0_i32_0 = arith.constant 0 : i32
    return %arg0, %c0_i32 : i32, i32
  }
  func.func @transform_5(%arg0: i32) -> (i32, i32) {
    %c0_i32 = arith.constant 0 : i32
    %c0_i32_0 = arith.constant 0 : i32
    return %arg0, %c0_i32 : i32, i32
  }
  func.func @transform_6(%arg0: i32) -> (i32, i32) {
    %c0_i32 = arith.constant 0 : i32
    %c0_i32_0 = arith.constant 0 : i32
    return %arg0, %c0_i32 : i32, i32
  }
}

module attributes {stable_mosaic.version = 14 : i64} {
  func.func @_final_body(%arg0: i32, %arg1: memref<1024x64xf32, #tpu.memory_space<vmem>>, %arg2: memref<1024x64xf32, #tpu.memory_space<vmem>>, %arg3: memref<64x64xf32, #tpu.memory_space<vmem>>, %arg4: memref<1x64xf32, #tpu.memory_space<vmem>>, %arg5: memref<1024x64xf32, #tpu.memory_space<vmem>>) attributes {dimension_semantics = [#tpu.dimension_semantics<arbitrary>], iteration_bounds = array<i64: 16>, scalar_prefetch = 0 : i64, scratch_operands = 0 : i64, tpu.core_type = #tpu.core_type<tc>, window_params = [{transform_indices = @transform_0, window_bounds = array<i64: 1024, 64>}, {transform_indices = @transform_1, window_bounds = array<i64: 1024, 64>}, {pipeline_mode = #tpu.pipeline_mode<synchronous>, transform_indices = @transform_2, window_bounds = array<i64: 64, 64>}, {pipeline_mode = #tpu.pipeline_mode<synchronous>, transform_indices = @transform_3, window_bounds = array<i64: 1, 64>}, {transform_indices = @transform_4, window_bounds = array<i64: 1024, 64>}]} {
    %get3A = arith.constant 0 : index
    %get3A_0 = arith.constant 0 : index
    %get3A_1 = vector.load %arg1[%get3A, %get3A_0] : memref<1024x64xf32, #tpu.memory_space<vmem>>, vector<1024x64xf32>
    %get3A_2 = arith.constant 0 : index
    %get3A_3 = arith.constant 0 : index
    %get3A_4 = vector.load %arg2[%get3A_2, %get3A_3] : memref<1024x64xf32, #tpu.memory_space<vmem>>, vector<1024x64xf32>
    %add3A = arith.addf %get3A_1, %get3A_4 : vector<1024x64xf32>
    %get3A_5 = arith.constant 0 : index
    %get3A_6 = arith.constant 0 : index
    %get3A_7 = vector.load %arg3[%get3A_5, %get3A_6] : memref<64x64xf32, #tpu.memory_space<vmem>>, vector<64x64xf32>
    %dot_general3A = arith.constant dense<0.000000e+00> : vector<1024x64xf32>
    %dot_general3A_8 = tpu.matmul %add3A, %get3A_7, %dot_general3A {dimension_numbers = #tpu.dot_dimension_numbers<[1], [0], [0], [1], [0, 0, 1, 1], [], []>, transpose_lhs_hint = false} : vector<1024x64xf32>, vector<64x64xf32>, vector<1024x64xf32> -> vector<1024x64xf32>
    %get3A_9 = arith.constant 0 : index
    %get3A_10 = arith.constant 0 : index
    %get3A_11 = vector.load %arg4[%get3A_9, %get3A_10] : memref<1x64xf32, #tpu.memory_space<vmem>>, vector<1x64xf32>
    %add3A_12 = vector.broadcast %get3A_11 : vector<1x64xf32> to vector<1024x64xf32>
    %add3A_13 = arith.addf %dot_general3A_8, %add3A_12 : vector<1024x64xf32>
    %tanh3A = math.tanh %add3A_13 : vector<1024x64xf32>
    %swap3A = arith.constant 0 : index
    %swap3A_14 = arith.constant 0 : index
    %swap3A_15 = vector.load %arg5[%swap3A, %swap3A_14] : memref<1024x64xf32, #tpu.memory_space<vmem>>, vector<1024x64xf32>
    tpu.vector_store %arg5[%swap3A, %swap3A_14], %tanh3A {strides = array<i32>} : memref<1024x64xf32, #tpu.memory_space<vmem>>, vector<1024x64xf32>,
    return
  }
  func.func @transform_0(%arg0: i32) -> (i32, i32) {
    %c0_i32 = arith.constant 0 : i32
    %c0_i32_0 = arith.constant 0 : i32
    return %arg0, %c0_i32 : i32, i32
  }
  func.func @transform_1(%arg0: i32) -> (i32, i32) {
    %c0_i32 = arith.constant 0 : i32
    %c0_i32_0 = arith.constant 0 : i32
    return %arg0, %c0_i32 : i32, i32
  }
  func.func @transform_2(%arg0: i32) -> (i32, i32) {
    %c0_i32 = arith.constant 0 : i32
    %c0_i32_0 = arith.constant 0 : i32
    %c0_i32_1 = arith.constant 0 : i32
    return %c0_i32, %c0_i32_0 : i32, i32
  }
  func.func @transform_3(%arg0: i32) -> (i32, i32) {
    %c0_i32 = arith.constant 0 : i32
    %c0_i32_0 = arith.constant 0 : i32
    %c0_i32_1 = arith.constant 0 : i32
    return %c0_i32, %c0_i32_0 : i32, i32
  }
  func.func @transform_4(%arg0: i32) -> (i32, i32) {
    %c0_i32 = arith.constant 0 : i32
    %c0_i32_0 = arith.constant 0 : i32
    return %arg0, %c0_i32 : i32, i32
  }
}

</mosaic_0001>

<sc_bundles>
// kernel: kernel.10.cloned.1.call-start
scs
__scs_entry_jumppad:
0x0: {  	(pc) =	sbr.rel $0x88, $3  }
0x1: {  	(tag) =	ssettag $0x0;
	lr =	simm.s32 $0x1  }
0x2: {  	[smem:$0x3F98] =	sst lr;
	_ =	strace $0xD0000000  }
0x3: {  	_ = 	snop  }
0x4: {  	_ = 	snop  }
0x5: {  	_ = 	snop  }
0x6: {  	_ = 	snop  }
0x7: {  	_ = 	snop  }
__scs_overlays_trampoline_lowered:
0x8: {  	[smem:$0x3FA7] =	sst s0  }
0x9: {  	[smem:$0x3FA8] =	sst s1  }
0xa: {  	[smem:$0x3FA9] =	sst s2  }
0xb: {  	[smem:$0x3FAA] =	sst s3  }
0xc: {  	[smem:$0x3FAB] =	sst s4  }
0xd: {  	[smem:$0x3FAC] =	sst s5  }
0xe: {  	[smem:$0x3FAD] =	sst s6  }
0xf: {  	[smem:$0x3FAE] =	sst s7  }
0x10: {  	[smem:$0x3FAF] =	sst s8  }
0x11: {  	[smem:$0x3FB0] =	sst s9;
	s0 =	simm.s32 @!p0 $0x0  }
0x12: {  	s1 =	sld [smem:$0x3F96];
	s0 =	simm.s32 @p0 $0x1  }
0x13: {  	[smem:$0x3FB1] =	sst s0;
	s0 =	simm.s32 @!p1 $0x0  }
0x14: {  	s2 =	sld [smem:$0x3F95];
	s0 =	simm.s32 @p1 $0x1  }
0x15: {  	[smem:$0x3FB2] =	sst s0;
	s0 =	simm.s32 @!p2 $0x0  }
0x16: {  	s3 =	sld [smem:$0x3FDB];
	s0 =	simm.s32 @p2 $0x1  }
0x17: {  	s4 =	simm.s32 $0x1BF5;
	[smem:$0x3FB4] =	sst s0  }
0x18: {  	s0 =	sld [smem:$0x3F97];
	_ =	swait.ge [sflag:s4], $0x0  }
0x19: {  	s7 =	sld [smem:$0x3F98]  }
0x1a: {  	s8 =	sadd.s32 $0xFFFFE003, lr  }
0x1b: {  	s9 =	sadd.s32 $0xFFFFFEF7, lr;
	s5 =	simm.s32 $0xFFFFFFFF;
	p2 =	slt.u32 s8, $0xFFFFF086  }
0x1c: {  	p1 =	slt.u32 s9, $0xF7A;
	s5 =	simm.s32 @!p2 $0x0  }
0x1d: {  	s5 =	simm.s32 @p1 $0x1;
	p0 =	seq.s32 s7, s2  }
0x1e: {  	s7 =	smul.u32 @!p0 $0xF7A, s2;
	p2 =	seq.s32 @!p0 s5, $0x0  }
0x1f: {  	s9 =	smul.u32 $0xF7A, s1;
	s8 =	simm.s32 @!p0 $0x1BF5;
	p2 =	por !p2, p0  }
0x20: {  	[sflag:s8] =	ssyncset.s32 @!p0 $0xFFFFF086;
	s6 =	sadd.s32 @!p0 s3, s7;
	s7 =	simm.s32 @!p0 $0x108  }
0x21: {  	s3 =	sadd.s32 s3, s9;
	s6 =	sadd.s32 @!p0 $0x88, s6;
	s7 =	simm.s32 @p2 $0x1082  }
0x22: {  	[simem:s7], [sflag:s8] =	dma.local @!p0 [hbm:s6], $0xF7A  }
0x23: {  	s9 =	sor.u32 $0xD0000000, s2;
	s6 =	simm.s32 $0x108;
	_ =	swait.ge @!p0 [sflag:s8], $0x0  }
0x24: {  	s3 =	sadd.s32 $0x88, s3;
	s6 =	simm.s32 @!p1 $0x1082;
	[sflag:s4] =	ssyncset.s32 $0xFFFFF086  }
0x25: {  	[simem:s6], [sflag:s4] =	dma.local [hbm:s3], $0xF7A  }
0x26: {  	[smem:$0x3F98] =	sst s1;
	(tag) =	ssettag s2;
	_ =	strace s9  }
0x27: {  	s1 =	sld [smem:$0x3FA8]  }
0x28: {  	s2 =	sld [smem:$0x3FA9]  }
0x29: {  	s4 =	sld [smem:$0x3FAB]  }
0x2a: {  	p0 =	seq.s32 s5, $0x0;
	s5 =	sld [smem:$0x3FAC]  }
0x2b: {  	s6 =	sld [smem:$0x3FAD]  }
0x2c: {  	s7 =	sld [smem:$0x3FAE]  }
0x2d: {  	s3 =	simm.s32 $0x108;
	s8 =	sld [smem:$0x3FAF]  }
0x2e: {  	s3 =	simm.s32 @!p0 $0x1082;
	s9 =	sld [smem:$0x3FB0]  }
0x2f: {  	lr =	sadd.s32 s0, s3;
	s0 =	sld [smem:$0x3FA7]  }
0x30: {  	s3 =	sld [smem:$0x3FAA]  }
0x31: {  	[smem:$0x3FB3] =	sst s10  }
0x32: {  	s10 =	sld [smem:$0x3FB1];
	_ =	sdelay $0x3  }
0x33: {  	p0 =	seq.s32 s10, $0x1;
	s10 =	sld [smem:$0x3FB3];
	_ =	sdelay $0x3  }
0x34: {  	[smem:$0x3FB3] =	sst s10  }
0x35: {  	s10 =	sld [smem:$0x3FB2];
	_ =	sdelay $0x3  }
0x36: {  	p1 =	seq.s32 s10, $0x1;
	s10 =	sld [smem:$0x3FB3];
	_ =	sdelay $0x3  }
0x37: {  	[smem:$0x3FB3] =	sst s10  }
0x38: {  	s10 =	sld [smem:$0x3FB4]  }
0x39: {  	_ = 	snop;
	(pc) =	sbr.ind lr, $3  }
0x3a: {  	_ = 	snop  }
0x3b: {  	_ = 	snop  }
0x3c: {  	p2 =	seq.s32 s10, $0x1;
	s10 =	sld [smem:$0x3FB3]  }
0x3d: {  	_ =	shalt  }
0x3e: {  	_ =	shalt  }
0x3f: {  	_ =	shalt  }
0x40: {  	_ =	shalt  }
0x41: {  	_ =	shalt  }
0x42: {  	_ =	shalt  }
0x43: {  	_ =	shalt  }
0x44: {  	_ =	shalt  }
0x45: {  	_ =	shalt  }
0x46: {  	_ =	shalt  }
0x47: {  	_ =	shalt  }
0x48: {  	_ =	shalt  }
0x49: {  	_ =	shalt  }
0x4a: {  	_ =	shalt  }
0x4b: {  	_ =	shalt  }
0x4c: {  	_ =	shalt  }
0x4d: {  	_ =	shalt  }
0x4e: {  	_ =	shalt  }
0x4f: {  	_ =	shalt  }
0x50: {  	_ =	shalt  }
0x51: {  	_ =	shalt  }
0x52: {  	_ =	shalt  }
0x53: {  	_ =	shalt  }
0x54: {  	_ =	shalt  }
0x55: {  	_ =	shalt  }
0x56: {  	_ =	shalt  }
0x57: {  	_ =	shalt  }
0x58: {  	_ =	shalt  }
0x59: {  	_ =	shalt  }
0x5a: {  	_ =	shalt  }
0x5b: {  	_ =	shalt  }
0x5c: {  	_ =	shalt  }
0x5d: {  	_ =	shalt  }
0x5e: {  	_ =	shalt  }
0x5f: {  	_ =	shalt  }
0x60: {  	_ =	shalt  }
0x61: {  	_ =	shalt  }
0x62: {  	_ =	shalt  }
0x63: {  	_ =	shalt  }
0x64: {  	_ =	shalt  }
0x65: {  	_ =	shalt  }
0x66: {  	_ =	shalt  }
0x67: {  	_ =	shalt  }
0x68: {  	_ =	shalt  }
0x69: {  	_ =	shalt  }
0x6a: {  	_ =	shalt  }
0x6b: {  	_ =	shalt  }
0x6c: {  	_ =	shalt  }
0x6d: {  	_ =	shalt  }
0x6e: {  	_ =	shalt  }
0x6f: {  	_ =	shalt  }
0x70: {  	_ =	shalt  }
0x71: {  	_ =	shalt  }
0x72: {  	_ =	shalt  }
0x73: {  	_ =	shalt  }
0x74: {  	_ =	shalt  }
0x75: {  	_ =	shalt  }
0x76: {  	_ =	shalt  }
0x77: {  	_ =	shalt  }
0x78: {  	_ =	shalt  }
0x79: {  	_ =	shalt  }
0x7a: {  	_ =	shalt  }
0x7b: {  	_ =	shalt  }
0x7c: {  	_ =	shalt  }
0x7d: {  	_ =	shalt  }
0x7e: {  	_ =	shalt  }
0x7f: {  	_ =	shalt  }
0x80: {  	_ =	shalt  }
0x81: {  	_ =	shalt  }
0x82: {  	_ =	shalt  }
0x83: {  	_ =	shalt  }
0x84: {  	_ =	shalt  }
0x85: {  	_ =	shalt  }
0x86: {  	_ =	shalt  }
0x87: {  	_ =	shalt  }
.Lfunc_end0:
.L_simem_size_0:
called_computation.1_lowered:
.L_overlay_start_0:
0x88: {  	s2 =	sld [smem:$0x3FD9]  }
0x89: {  	s3 =	sld [smem:$0x3FFE];
	_ =	sdelay $0x1  }
0x8a: {  	s1 =	srdreg.scid  }
0x8b: {  	s0 =	sand.u32 $0x1, s1  }
0x8c: {  	s14 =	sshll.u32 s0, $0xA;
	s2 =	sadd.s32 s3, s2  }
0x8d: {  	s2 =	sadd.s32 s2, s14  }
0x8e: {  	[smem:$0x3FBF] =	sst s2  }
0x8f: {  	_ = 	snop  }
0x90: {  	s2 =	sld [smem:$0x3FD0];
	_ =	sdelay $0x2  }
0x91: {  	s15 =	simm.s32 $0xA;
	s4 =	simm.s32 $0x10  }
0x92: {  	[smem:s4], [sflag:s15] =	dma.local [hbm:s2], $0x1  }
0x93: {  	_ =	swait.eq [sflag:s15], $0x1  }
0x94: {  	[sflag:s15] =	ssyncset.done $0x0  }
0x95: {  	[sflag:s15] =	ssyncadd.s32 $0xFFFFFFFF  }
0x96: {  	s16 =	sld [smem:$0x11];
	(tm) =	ssettm $0x1  }
0x97: {  	s17 =	sld [smem:$0x3FFB];
	_ =	sdelay $0x3  }
0x98: {  	_ =	strace s17  }
0x99: {  	s3 =	sld [smem:$0x3FFC];
	_ =	sdelay $0x3  }
0x9a: {  	_ =	strace s3  }
0x9b: {  	s3 =	sld [smem:$0x3FFD];
	_ =	sdelay $0x3  }
0x9c: {  	_ =	strace s3  }
0x9d: {  	_ =	strace $0x8FFFFFFF  }
0x9e: {  	s18 =	sld [smem:$0x3FDB];
	_ =	sdelay $0x1  }
0x9f: {  	s19 =	simm.s32 $_scs_section_size  }
0xa0: {  	s5 =	simm.s32 $_size__tile_overlayer_lowered;
	s6 =	simm.s32 $_tile_overlayer_lowered  }
0xa1: {  	s22 =	simm.s32 $0x1BFF;
	s21 =	sshll.u32 s6, $0x1;
	s3 =	sadd.s32 s19, s18  }
0xa2: {  	s7 =	simm.s32 $0x0;
	s20 =	sshll.u32 s5, $0x1;
	s5 =	sadd.s32 s21, s3  }
0xa3: {  	[timem:s7], [sflag:s22] =	dma.local [hbm:s5], s20  }
0xa4: {  	_ =	swait.ge [sflag:s22], s20  }
0xa5: {  	s4 =	ssub.s32 $0x0, s20;
	[sflag:s22] =	ssyncset.done $0x0  }
0xa6: {  	[sflag:s22] =	ssyncadd.s32 s4;
	_ =	sdelay $0x1  }
0xa7: {  	s23 =	simm.s32 $0x1B8B  }
0xa8: {  	_ =	swait.ge [sflag:s23], $0x1  }
0xa9: {  	[sflag:s23] =	ssyncset.done $0x0  }
0xaa: {  	s25 =	simm.s32 $0x1B8E;
	s24 =	sld [smem:$0x3FFE];
	[sflag:s23] =	ssyncadd.s32 $0xFFFFFFFF  }
0xab: {  	s26 =	simm.s32 $execute0_lowered;
	[smem:$0x3FD2] =	sst s25  }
0xac: {  	s5 =	sshll.u32 s26, $0x1;
	_ =	strace $0x80000049;
	[dreg:$0x1] =	wrdreg $0xFFFFFFFF  }
0xad: {  	s28 =	simm.s32 $_size_execute0_lowered;
	s3 =	sadd.s32 s3, s5;
	[dreg:$0x0] =	wrdreg $0x0  }
0xae: {  	s5 =	sshll.u32 s28, $0x1;
	[dreg:$0x2] =	wrdreg s3  }
0xaf: {  	[dreg:$0x3] =	wrdreg s5  }
0xb0: {  	[dreg:$0x4] =	wrdreg $0xC0  }
0xb1: {  	_ =	task [dreg:s7], $0x5FFFF  }
0xb2: {  	[dreg:$0x1] =	wrdreg $0xFFFFFFFF  }
0xb3: {  	[dreg:$0x0] =	wrdreg $0x60  }
0xb4: {  	[dreg:$0x2] =	wrdreg s24  }
0xb5: {  	[dreg:$0x3] =	wrdreg s16  }
0xb6: {  	[dreg:$0x4] =	wrdreg $0x9  }
0xb7: {  	_ =	task.clear_ibuf [dreg:s7], $0x5FFFF;
	_ =	strace $0x90000049  }
0xb8: {  	s29 =	simm.s32 $0x9;
	_ =	strace $0x8000004B  }
0xb9: {  	_ =	swait.ge [sflag:s29], $0x1  }
0xba: {  	[sflag:s29] =	ssyncadd.s32 $0xFFFFFFFF  }
0xbb: {  	_ =	strace $0x9000004B  }
0xbc: {  	_ =	sfence  }
0xbd: {  	s30 =	sld [smem:$0x0];
	_ =	sdelay $0x2  }
0xbe: {  	s31 =	sshll.u32 s1, $0xD;
	s1 =	sshrl.u32 s1, $0x2  }
0xbf: {  	s3 =	sand.u32 $0x4000, s31;
	s1 =	sadd.s32 s1, s30  }
0xc0: {  	s0 =	sor.u32 s3, s0;
	s1 =	sshll.u32 s1, $0x11  }
0xc1: {  	s0 =	sor.u32 s1, s0  }
0xc2: {  	s0 =	sadd.s32 $0x8F2B, s0  }
0xc3: {  	[sflag:s0] =	ssyncadd.remote.s32 $0x1  }
0xc4: {  	_ =	sfence.sel $0xFFFF  }
0xc5: {  	[dreg:$0x0] =	wrdreg $0xFFFFFFFF;
	(pc) =	sbr.abs _section_cstart, $3  }
0xc6: {  	[dreg:$0x1] =	wrdreg $0xFFFFFFFF  }
0xc7: {  	_ =	task.clear_ibuf [dreg:s7], $0x2FFFF;
	_ =	strace $0x9FFFFFFF  }
0xc8: {  	(tm) =	ssettm $0x7FFFFFFF  }
0xc9: {  	_ =	shalt  }
tec
execute0_lowered:
.L_overlay_start_1:
0x0: {  	(tag) =	ssettag $0x1  }
0x1: {  	s0 =	rddreg [dreg:$0x0]  }
0x2: {  	s1 =	rddreg [dreg:$0x1]  }
0x3: {  	s2 =	simm.s32 $0x0;
	s4 =	srdreg.scid;
	s6 =	stileid.u32  }
0x4: {  	s16 =	simm.s32 $0x1;
	s17 =	simm.s32 $0x80;
	s29 =	simm.s32 $0x200  }
0x5: {  	s31 =	simm.s32 $0x2;
	s15 =	simm.s32 $0x280;
	s18 =	simm.s32 $0x380  }
0x6: {  	s28 =	simm.s32 $0x6;
	s30 =	simm.s32 $0x11400;
	[smem:$0x7FF] =	sst s2  }
0x7: {  	s3 =	sadd.s32 $0x1A9000, s0;
	s5 =	sand.u32 $0x1, s4;
	s6 =	sshll.u32 s6, $0x1  }
0x8: {  	s4 =	sadd.s32 $0x1A00, s0;
	_ =	strace $0x8000004A;
	s7 =	ssub.s32 $0x2, s5  }
0x9: {  	s8 =	sor.u32 s5, s6;
	s5 =	sadd.s32 $0xC5000, s0;
	s6 =	sadd.s32 $0x1B1000, s0  }
0xa: {  	s9 =	sshrl.u32 s7, $0x1;
	s10 =	sshll.u32 s8, $0xA;
	s24 =	sshll.u32 s8, $0xC  }
0xb: {  	s21 =	ssub.s32 s7, s9;
	s22 =	sadd.s32 s3, s10;
	s23 =	sadd.s32 s4, s10  }
0xc: {  	s25 =	sor.u32 $0x40, s10;
	s11 =	sadd.s32 s1, s24;
	s12 =	sor.u32 $0x80, s10  }
0xd: {  	s13 =	sor.u32 $0xC0, s10;
	s9 =	simm.s32 $0x300;
	s24 =	simm.s32 $0x10C00  }
.Ltmp0:
0xe: {  	s7 =	simm.s32 $0x0;
	[dreg:$0x3] =	wrdreg s22;
	(pc) =	sbr.rel .LBB2_1-.Ltmp0, $4  }
0xf: {  	[dreg:$0x4] =	wrdreg s23;
	s26 =	sadd.s32 s3, s25;
	s8 =	sadd.s32 s4, s25  }
0x10: {  	s0 =	smax.u32 s21, $0x1;
	s22 =	simm.s32 $0x100;
	[dreg:$0x5] =	wrdreg s26  }
0x11: {  	s25 =	simm.s32 $0x180;
	s21 =	simm.s32 $0x3;
	[dreg:$0x6] =	wrdreg s8  }
0x12: {  	s23 =	simm.s32 $0x5;
	[dreg:$0x7] =	wrdreg s0;
	s26 =	simm.s32 $0x4  }
.LBB2_8:
0x13: {  	s0 =	simm.s32 $0x7  }
0x14: {  	_ =	swait.ge [sflag:s0], $0x800  }
0x15: {  	[sflag:s0] =	ssyncset.done $0x0  }
0x16: {  	s1 =	simm.s32 $0x8;
	[sflag:s0] =	ssyncadd.s32 $0xFFFFF800  }
0x17: {  	_ =	swait.ge [sflag:s1], $0x800  }
0x18: {  	s7 =	rddreg [dreg:$0x8]  }
0x19: {  	s20 =	rddreg [dreg:$0x7];
	s7 =	sadd.s32 $0x1, s7  }
0x1a: {  	p0 =	sne.s32 s7, s20  }
.Ltmp1:
0x1b: {  	_ = 	snop;
	(pc) =	sbr.rel @!p0 .LBB2_9-.Ltmp1, $3  }
0x1c: {  	_ =	sdelay $0x1  }
0x1d: {  	[sflag:s1] =	ssyncset.done $0x0  }
0x1e: {  	[sflag:s1] =	ssyncadd.s32 $0xFFFFF800  }
.LBB2_1:
0x1f: {  	[dreg:$0x8] =	wrdreg s7  }
0x20: {  	s0 =	rddreg [dreg:$0x3]  }
0x21: {  	[tilespmem:s2], [sflag:$0x1] =	stream.linear.gather [hbm4b:s0+s2], $0x200, $0x38;
	[tilespmem:$0x11C00] =	vst v63  }
0x22: {  	s8 =	rddreg [dreg:$0x4];
	s1 =	simm.s32 $0x400  }
0x23: {  	[tilespmem:s1], [sflag:$0x1] =	stream.linear.gather [hbm4b:s8+s2], $0x200, $0x38;
	[tilespmem:$0x11C00] =	vst v63  }
0x24: {  	_ =	swait.ge [sflag:s16], $0x200  }
0x25: {  	[sflag:s16] =	ssyncset.done $0x0  }
0x26: {  	[sflag:s16] =	ssyncadd.s32 $0xFFFFFE00  }
0x27: {  	_ =	swait.ge [sflag:s16], $0x200  }
0x28: {  	[sflag:s16] =	ssyncset.done $0x0  }
0x29: {  	s10 =	simm.s32 $0xC00;
	[sflag:s16] =	ssyncadd.s32 $0xFFFFFE00  }
0x2a: {  	[tilespmem:s10], [sflag:$0x3] =	stream.indirect.gather [hbm4b:s5+s17], $0x40, s2, s17, $0xb8;
	[tilespmem:$0x11C00] =	vst v63  }
0x2b: {  	s14 =	simm.s32 $0x800  }
0x2c: {  	[tilespmem:s14], [sflag:$0x5] =	stream.indirect.gather [hbm4b:s6+s17], $0x1, s2, s17, $0xb8;
	[tilespmem:$0x11C00] =	vst v63  }
0x2d: {  	s19 =	simm.s32 $0x2C00  }
0x2e: {  	[tilespmem:s19], [sflag:$0x3] =	stream.indirect.gather [hbm4b:s5+s17], $0x40, s17, s17, $0xb8;
	[tilespmem:$0x11C00] =	vst v63  }
0x2f: {  	s20 =	simm.s32 $0x880  }
0x30: {  	[tilespmem:s20], [sflag:$0x5] =	stream.indirect.gather [hbm4b:s6+s17], $0x1, s17, s17, $0xb8;
	[tilespmem:$0x11C00] =	vst v63  }
0x31: {  	s1 =	simm.s32 $0x4C00  }
0x32: {  	[tilespmem:s1], [sflag:$0x3] =	stream.indirect.gather [hbm4b:s5+s17], $0x40, s22, s17, $0xb8;
	[tilespmem:$0x11C00] =	vst v63  }
0x33: {  	s7 =	simm.s32 $0x900  }
0x34: {  	[tilespmem:s7], [sflag:$0x5] =	stream.indirect.gather [hbm4b:s6+s17], $0x1, s22, s17, $0xb8;
	[tilespmem:$0x11C00] =	vst v63  }
0x35: {  	s8 =	simm.s32 $0x6C00  }
0x36: {  	[tilespmem:s8], [sflag:$0x3] =	stream.indirect.gather [hbm4b:s5+s17], $0x40, s25, s17, $0xb8;
	[tilespmem:$0x11C00] =	vst v63  }
0x37: {  	s10 =	simm.s32 $0x980  }
0x38: {  	[tilespmem:s10], [sflag:$0x5] =	stream.indirect.gather [hbm4b:s6+s17], $0x1, s25, s17, $0xb8;
	[tilespmem:$0x11C00] =	vst v63  }
0x39: {  	s14 =	rddreg [dreg:$0x5]  }
0x3a: {  	[tilespmem:s29], [sflag:$0x2] =	stream.linear.gather [hbm4b:s14+s2], $0x200, $0x38;
	[tilespmem:$0x11C00] =	vst v63  }
0x3b: {  	s0 =	simm.s32 $0x0;
	s19 =	rddreg [dreg:$0x6];
	s20 =	simm.s32 $0x600  }
0x3c: {  	[tilespmem:s20], [sflag:$0x2] =	stream.linear.gather [hbm4b:s19+s2], $0x200, $0x38;
	[tilespmem:$0x11C00] =	vst v63  }
.LBB2_2:
0x3d: {  	_ =	swait.ge [sflag:s31], $0x200  }
0x3e: {  	[sflag:s31] =	ssyncset.done $0x0  }
0x3f: {  	[sflag:s31] =	ssyncadd.s32 $0xFFFFFE00  }
0x40: {  	_ =	swait.ge [sflag:s31], $0x200  }
0x41: {  	[sflag:s31] =	ssyncset.done $0x0  }
0x42: {  	s1 =	simm.s32 $0x8C00;
	[sflag:s31] =	ssyncadd.s32 $0xFFFFFE00  }
0x43: {  	[tilespmem:s1], [sflag:$0x4] =	stream.indirect.gather [hbm4b:s5+s17], $0x40, s29, s17, $0xb8;
	[tilespmem:$0x11C00] =	vst v63  }
0x44: {  	s20 =	simm.s32 $0xA00  }
0x45: {  	[tilespmem:s20], [sflag:$0x6] =	stream.indirect.gather [hbm4b:s6+s17], $0x1, s29, s17, $0xb8;
	[tilespmem:$0x11C00] =	vst v63  }
0x46: {  	s7 =	simm.s32 $0xAC00  }
0x47: {  	[tilespmem:s7], [sflag:$0x4] =	stream.indirect.gather [hbm4b:s5+s17], $0x40, s15, s17, $0xb8;
	[tilespmem:$0x11C00] =	vst v63  }
0x48: {  	s8 =	simm.s32 $0xA80  }
0x49: {  	[tilespmem:s8], [sflag:$0x6] =	stream.indirect.gather [hbm4b:s6+s17], $0x1, s15, s17, $0xb8;
	[tilespmem:$0x11C00] =	vst v63  }
0x4a: {  	s10 =	simm.s32 $0xCC00  }
0x4b: {  	[tilespmem:s10], [sflag:$0x4] =	stream.indirect.gather [hbm4b:s5+s17], $0x40, s9, s17, $0xb8;
	[tilespmem:$0x11C00] =	vst v63  }
0x4c: {  	s14 =	simm.s32 $0xB00  }
0x4d: {  	[tilespmem:s14], [sflag:$0x6] =	stream.indirect.gather [hbm4b:s6+s17], $0x1, s9, s17, $0xb8;
	[tilespmem:$0x11C00] =	vst v63  }
0x4e: {  	s19 =	simm.s32 $0xEC00  }
0x4f: {  	[tilespmem:s19], [sflag:$0x4] =	stream.indirect.gather [hbm4b:s5+s17], $0x40, s18, s17, $0xb8;
	[tilespmem:$0x11C00] =	vst v63  }
0x50: {  	s20 =	simm.s32 $0xB80  }
0x51: {  	[tilespmem:s20], [sflag:$0x6] =	stream.indirect.gather [hbm4b:s6+s17], $0x1, s18, s17, $0xb8;
	[tilespmem:$0x11C00] =	vst v63  }
0x52: {  	_ =	swait.ge [sflag:s21], $0x2000  }
0x53: {  	[sflag:s21] =	ssyncset.done $0x0  }
0x54: {  	[sflag:s21] =	ssyncadd.s32 $0xFFFFE000  }
0x55: {  	_ =	swait.ge [sflag:s23], $0x80  }
0x56: {  	[sflag:s23] =	ssyncset.done $0x0  }
0x57: {  	[sflag:s23] =	ssyncadd.s32 $0xFFFFFF80  }
0x58: {  	_ =	swait.ge [sflag:s21], $0x2000  }
0x59: {  	[sflag:s21] =	ssyncset.done $0x0  }
0x5a: {  	[sflag:s21] =	ssyncadd.s32 $0xFFFFE000  }
0x5b: {  	_ =	swait.ge [sflag:s23], $0x80  }
0x5c: {  	[sflag:s23] =	ssyncset.done $0x0  }
0x5d: {  	[sflag:s23] =	ssyncadd.s32 $0xFFFFFF80  }
0x5e: {  	_ =	swait.ge [sflag:s21], $0x2000  }
0x5f: {  	[sflag:s21] =	ssyncset.done $0x0  }
0x60: {  	[sflag:s21] =	ssyncadd.s32 $0xFFFFE000  }
0x61: {  	_ =	swait.ge [sflag:s23], $0x80  }
0x62: {  	[sflag:s23] =	ssyncset.done $0x0  }
0x63: {  	[sflag:s23] =	ssyncadd.s32 $0xFFFFFF80  }
0x64: {  	_ =	swait.ge [sflag:s21], $0x2000  }
0x65: {  	[sflag:s21] =	ssyncset.done $0x0  }
0x66: {  	[sflag:s21] =	ssyncadd.s32 $0xFFFFE000  }
0x67: {  	_ =	swait.ge [sflag:s23], $0x80  }
0x68: {  	p0 =	seq.s32 s0, $0x0;
	[sflag:s23] =	ssyncset.done $0x0  }
0x69: {  	s10 =	simm.s32 @!p0 $0x7;
	[sflag:s23] =	ssyncadd.s32 $0xFFFFFF80  }
0x6a: {  	s1 =	sshll.u32 s0, $0x7;
	s8 =	sshll.u32 s0, $0x9;
	_ =	swait.ge @!p0 [sflag:s10], $0x800  }
0x6b: {  	s7 =	sor.u32 $0x100, s8;
	s14 =	simm.s32 $0x10C20;
	[sflag:s10] =	ssyncset.done @!p0 $0x0  }
0x6c: {  	s19 =	simm.s32 $0xE00;
	[sflag:s10] =	ssyncadd.s32 @!p0 $0xFFFFF800;
	s10 =	simm.s32 $0x0  }
.LBB2_3:
0x6d: {  	s20 =	sshra.s32 s10, $0x2  }
0x6e: {  	v0 =	vld [tilespmem:s20+$0x400]  }
0x6f: {  	v1 =	vld [tilespmem:s20+$0x800];
	_ =	sdelay $0x3  }
0x70: {  	v2 =	vld [tilespmem:s19+$0xFFFFFE00]  }
0x71: {  	v3 =	vld [tilespmem:s19+$0xFFFFFE40];
	v14 =	vmul.f32 v1, v0  }
0x72: {  	v4 =	vld [tilespmem:s19+$0xFFFFFE80]  }
0x73: {  	v5 =	vld [tilespmem:s19+$0xFFFFFEC0];
	v0 =	vbroadcast v14, $0x0  }
0x74: {  	v6 =	vld [tilespmem:s19+$0xFFFFFF00];
	v1 =	vbroadcast v14, $0x1  }
0x75: {  	v7 =	vld [tilespmem:s19+$0xFFFFFF40];
	v16 =	vmul.f32 v0, v2;
	v2 =	vbroadcast v14, $0x2  }
0x76: {  	v8 =	vld [tilespmem:s19+$0xFFFFFF80];
	v17 =	vmul.f32 v3, v1;
	v3 =	vbroadcast v14, $0x3  }
0x77: {  	v9 =	vld [tilespmem:s19+$0xFFFFFFC0];
	v18 =	vmul.f32 v4, v2;
	v4 =	vbroadcast v14, $0x4  }
0x78: {  	v10 =	vld [tilespmem:s19+$0x0];
	v19 =	vmul.f32 v5, v3;
	v5 =	vbroadcast v14, $0x5  }
0x79: {  	v11 =	vld [tilespmem:s19+$0x40];
	v20 =	vmul.f32 v6, v4;
	v6 =	vbroadcast v14, $0x6  }
0x7a: {  	v12 =	vld [tilespmem:s19+$0x80];
	v21 =	vmul.f32 v7, v5;
	v7 =	vbroadcast v14, $0x7  }
0x7b: {  	v13 =	vld [tilespmem:s19+$0xC0];
	v22 =	vmul.f32 v8, v6;
	v8 =	vbroadcast v14, $0x8  }
0x7c: {  	v15 =	vld [tilespmem:s19+$0x100];
	v23 =	vmul.f32 v9, v7;
	v9 =	vbroadcast v14, $0x9  }
0x7d: {  	v25 =	vld [tilespmem:s19+$0x140];
	v24 =	vmul.f32 v10, v8;
	v10 =	vbroadcast v14, $0xA  }
0x7e: {  	v27 =	vld [tilespmem:s19+$0x180];
	v26 =	vmul.f32 v11, v9;
	v11 =	vbroadcast v14, $0xB  }
0x7f: {  	v29 =	vld [tilespmem:s19+$0x1C0];
	v28 =	vmul.f32 v12, v10;
	v12 =	vbroadcast v14, $0xC  }
0x80: {  	v30 =	vmul.f32 v13, v11  }
0x81: {  	v13 =	vbroadcast v14, $0xD;
	v31 =	vmul.f32 v15, v12  }
0x82: {  	v16 =	vadd.f32 v17, v16;
	v15 =	vbroadcast v14, $0xE;
	v14 =	vbroadcast v14, $0xF  }
0x83: {  	v43 =	vadd.f32 v19, v18;
	v45 =	vadd.f32 v21, v20;
	v25 =	vmul.f32 v25, v13  }
0x84: {  	v46 =	vadd.f32 v23, v22;
	v27 =	vmul.f32 v27, v15;
	v44 =	vmul.f32 v29, v14  }
0x85: {  	v47 =	vadd.f32 v26, v24;
	v48 =	vadd.f32 v30, v28  }
0x86: {  	v49 =	vadd.f32 v25, v31;
	v18 =	vadd.f32 v44, v27  }
0x87: {  	v16 =	vadd.f32 v43, v16;
	v50 =	vadd.f32 v46, v45  }
0x88: {  	v51 =	vadd.f32 v48, v47;
	v18 =	vadd.f32 v18, v49;
	_ =	sdelay $0x1  }
0x89: {  	v16 =	vadd.f32 v50, v16;
	v52 =	vadd.f32 v18, v51;
	_ =	sdelay $0x1  }
0x8a: {  	v16 =	vadd.f32 v52, v16;
	_ =	sdelay $0x1  }
0x8b: {  	[tilespmem:s14+$0xFFFFFFE0] =	vst v16  }
0x8c: {  	v16 =	vld [tilespmem:s19+$0xFFFFFE10]  }
0x8d: {  	v53 =	vld [tilespmem:s19+$0xFFFFFE50]  }
0x8e: {  	v54 =	vld [tilespmem:s19+$0xFFFFFE90]  }
0x8f: {  	v55 =	vld [tilespmem:s19+$0xFFFFFED0]  }
0x90: {  	v56 =	vld [tilespmem:s19+$0xFFFFFF10]  }
0x91: {  	v57 =	vld [tilespmem:s19+$0xFFFFFF50]  }
0x92: {  	v58 =	vld [tilespmem:s19+$0xFFFFFF90]  }
0x93: {  	v59 =	vld [tilespmem:s19+$0xFFFFFFD0]  }
0x94: {  	v60 =	vld [tilespmem:s19+$0x10]  }
0x95: {  	v61 =	vld [tilespmem:s19+$0x50]  }
0x96: {  	v62 =	vld [tilespmem:s19+$0x90]  }
0x97: {  	v63 =	vld [tilespmem:s19+$0xD0]  }
0x98: {  	v33 =	vld [tilespmem:s19+$0x110];
	v16 =	vmul.f32 v16, v0;
	v17 =	vmul.f32 v53, v1  }
0x99: {  	v34 =	vld [tilespmem:s19+$0x150];
	v18 =	vmul.f32 v54, v2;
	v19 =	vmul.f32 v55, v3  }
0x9a: {  	v35 =	vld [tilespmem:s19+$0x190];
	v20 =	vmul.f32 v56, v4;
	v21 =	vmul.f32 v57, v5  }
0x9b: {  	v36 =	vld [tilespmem:s19+$0x1D0];
	v22 =	vmul.f32 v58, v6;
	v23 =	vmul.f32 v59, v7  }
0x9c: {  	v24 =	vmul.f32 v60, v8;
	v25 =	vmul.f32 v61, v9  }
0x9d: {  	v26 =	vmul.f32 v62, v10;
	v27 =	vmul.f32 v63, v11  }
0x9e: {  	v28 =	vmul.f32 v33, v12;
	v29 =	vmul.f32 v34, v13  }
0x9f: {  	v30 =	vmul.f32 v35, v15;
	v16 =	vadd.f32 v17, v16;
	v37 =	vadd.f32 v19, v18  }
0xa0: {  	v38 =	vmul.f32 v36, v14;
	v39 =	vadd.f32 v21, v20;
	v40 =	vadd.f32 v23, v22  }
0xa1: {  	v41 =	vadd.f32 v25, v24;
	v42 =	vadd.f32 v27, v26  }
0xa2: {  	v43 =	vadd.f32 v29, v28;
	v18 =	vadd.f32 v38, v30  }
0xa3: {  	v16 =	vadd.f32 v37, v16;
	v44 =	vadd.f32 v40, v39  }
0xa4: {  	v45 =	vadd.f32 v42, v41;
	v18 =	vadd.f32 v18, v43;
	_ =	sdelay $0x1  }
0xa5: {  	v16 =	vadd.f32 v44, v16;
	v46 =	vadd.f32 v18, v45;
	_ =	sdelay $0x1  }
0xa6: {  	v16 =	vadd.f32 v46, v16;
	_ =	sdelay $0x1  }
0xa7: {  	[tilespmem:s14+$0xFFFFFFF0] =	vst v16  }
0xa8: {  	v16 =	vld [tilespmem:s19+$0xFFFFFE20]  }
0xa9: {  	v47 =	vld [tilespmem:s19+$0xFFFFFE60]  }
0xaa: {  	v48 =	vld [tilespmem:s19+$0xFFFFFEA0]  }
0xab: {  	v49 =	vld [tilespmem:s19+$0xFFFFFEE0]  }
0xac: {  	v50 =	vld [tilespmem:s19+$0xFFFFFF20]  }
0xad: {  	v51 =	vld [tilespmem:s19+$0xFFFFFF60]  }
0xae: {  	v52 =	vld [tilespmem:s19+$0xFFFFFFA0]  }
0xaf: {  	v53 =	vld [tilespmem:s19+$0xFFFFFFE0]  }
0xb0: {  	v54 =	vld [tilespmem:s19+$0x20]  }
0xb1: {  	v55 =	vld [tilespmem:s19+$0x60]  }
0xb2: {  	v56 =	vld [tilespmem:s19+$0xA0]  }
0xb3: {  	v57 =	vld [tilespmem:s19+$0xE0]  }
0xb4: {  	v58 =	vld [tilespmem:s19+$0x120];
	v16 =	vmul.f32 v16, v0;
	v17 =	vmul.f32 v47, v1  }
0xb5: {  	v59 =	vld [tilespmem:s19+$0x160];
	v18 =	vmul.f32 v48, v2;
	v19 =	vmul.f32 v49, v3  }
0xb6: {  	v60 =	vld [tilespmem:s19+$0x1A0];
	v20 =	vmul.f32 v50, v4;
	v21 =	vmul.f32 v51, v5  }
0xb7: {  	v61 =	vld [tilespmem:s19+$0x1E0];
	v22 =	vmul.f32 v52, v6;
	v23 =	vmul.f32 v53, v7  }
0xb8: {  	v24 =	vmul.f32 v54, v8;
	v25 =	vmul.f32 v55, v9  }
0xb9: {  	v26 =	vmul.f32 v56, v10;
	v27 =	vmul.f32 v57, v11  }
0xba: {  	v28 =	vmul.f32 v58, v12;
	v29 =	vmul.f32 v59, v13  }
0xbb: {  	v30 =	vmul.f32 v60, v15;
	v16 =	vadd.f32 v17, v16;
	v62 =	vadd.f32 v19, v18  }
0xbc: {  	v63 =	vmul.f32 v61, v14;
	v31 =	vadd.f32 v21, v20;
	v32 =	vadd.f32 v23, v22  }
0xbd: {  	v33 =	vadd.f32 v25, v24;
	v34 =	vadd.f32 v27, v26  }
0xbe: {  	v35 =	vadd.f32 v29, v28;
	v18 =	vadd.f32 v63, v30  }
0xbf: {  	v16 =	vadd.f32 v62, v16;
	v36 =	vadd.f32 v32, v31  }
0xc0: {  	v37 =	vadd.f32 v34, v33;
	v18 =	vadd.f32 v18, v35;
	_ =	sdelay $0x1  }
0xc1: {  	v16 =	vadd.f32 v36, v16;
	v38 =	vadd.f32 v18, v37;
	_ =	sdelay $0x1  }
0xc2: {  	v16 =	vadd.f32 v38, v16;
	_ =	sdelay $0x1  }
0xc3: {  	[tilespmem:s14+$0x0] =	vst v16  }
0xc4: {  	v16 =	vld [tilespmem:s19+$0xFFFFFE30]  }
0xc5: {  	v39 =	vld [tilespmem:s19+$0xFFFFFE70]  }
0xc6: {  	v40 =	vld [tilespmem:s19+$0xFFFFFEB0]  }
0xc7: {  	v41 =	vld [tilespmem:s19+$0xFFFFFEF0]  }
0xc8: {  	v42 =	vld [tilespmem:s19+$0xFFFFFF30]  }
0xc9: {  	v43 =	vld [tilespmem:s19+$0xFFFFFF70]  }
0xca: {  	v44 =	vld [tilespmem:s19+$0xFFFFFFB0]  }
0xcb: {  	v45 =	vld [tilespmem:s19+$0xFFFFFFF0]  }
0xcc: {  	v46 =	vld [tilespmem:s19+$0x30]  }
0xcd: {  	v47 =	vld [tilespmem:s19+$0x70]  }
0xce: {  	v48 =	vld [tilespmem:s19+$0xB0]  }
0xcf: {  	v49 =	vld [tilespmem:s19+$0xF0]  }
0xd0: {  	v50 =	vld [tilespmem:s19+$0x130];
	v0 =	vmul.f32 v16, v0;
	v1 =	vmul.f32 v39, v1  }
0xd1: {  	v51 =	vld [tilespmem:s19+$0x170];
	v2 =	vmul.f32 v40, v2;
	v3 =	vmul.f32 v41, v3  }
0xd2: {  	v52 =	vld [tilespmem:s19+$0x1B0];
	v4 =	vmul.f32 v42, v4;
	v5 =	vmul.f32 v43, v5  }
0xd3: {  	v53 =	vld [tilespmem:s19+$0x1F0];
	v6 =	vmul.f32 v44, v6;
	v7 =	vmul.f32 v45, v7  }
0xd4: {  	v8 =	vmul.f32 v46, v8;
	v9 =	vmul.f32 v47, v9  }
0xd5: {  	v10 =	vmul.f32 v48, v10;
	v11 =	vmul.f32 v49, v11  }
0xd6: {  	v12 =	vmul.f32 v50, v12;
	v13 =	vmul.f32 v51, v13  }
0xd7: {  	v15 =	vmul.f32 v52, v15;
	v0 =	vadd.f32 v1, v0;
	v54 =	vadd.f32 v3, v2  }
0xd8: {  	v55 =	vmul.f32 v53, v14;
	v56 =	vadd.f32 v5, v4;
	v57 =	vadd.f32 v7, v6  }
0xd9: {  	v58 =	vadd.f32 v9, v8;
	v59 =	vadd.f32 v11, v10  }
0xda: {  	v60 =	vadd.f32 v13, v12;
	v2 =	vadd.f32 v55, v15  }
0xdb: {  	v0 =	vadd.f32 v54, v0;
	v61 =	vadd.f32 v57, v56  }
0xdc: {  	v62 =	vadd.f32 v59, v58;
	v2 =	vadd.f32 v2, v60  }
0xdd: {  	p1 =	sne.s32 s10, $0x7C0  }
.Ltmp2:
0xde: {  	v0 =	vadd.f32 v61, v0;
	v63 =	vadd.f32 v2, v62;
	(pc) =	sbr.rel @p1 .LBB2_3-.Ltmp2, $3  }
0xdf: {  	_ = 	snop  }
0xe0: {  	v0 =	vadd.f32 v63, v0;
	_ =	sdelay $0x1  }
0xe1: {  	s10 =	sadd.s32 $0x40, s10;
	s19 =	sadd.s32 $0x400, s19;
	[tilespmem:s14+$0x10] =	vst v0;
	s14 =	sadd.s32 $0x40, s14  }
0xe2: {  	s8 =	sadd.s32 s8, s11;
	p1 =	seq.s32 s0, $0x7  }
0xe3: {  	[hbm4b:s8+s2] =	stream.linear.scatter [tilespmem:s24], [sflag:$0x7], $0x800, $0x38;
	[tilespmem:$0x11C00] =	vst v63  }
0xe4: {  	s8 =	sadd.s32 @!p1 s1, s12  }
0xe5: {  	s14 =	simm.s32 @!p1 $0x0;
	s10 =	sadd.s32 @!p1 s3, s8  }
0xe6: {  	[tilespmem:s14], [sflag:$0x1] =	stream.linear.gather @!p1 [hbm4b:s10+s14], $0x200, $0x38;
	[tilespmem:$0x11C00] =	vst v63  }
0xe7: {  	s8 =	sadd.s32 @!p1 s4, s8;
	s10 =	simm.s32 @!p1 $0x400  }
0xe8: {  	[tilespmem:s10], [sflag:$0x1] =	stream.linear.gather @!p1 [hbm4b:s8+s14], $0x200, $0x38;
	[tilespmem:$0x11C00] =	vst v63  }
0xe9: {  	_ =	swait.ge [sflag:s26], $0x2000  }
0xea: {  	[sflag:s26] =	ssyncset.done $0x0  }
0xeb: {  	[sflag:s26] =	ssyncadd.s32 $0xFFFFE000  }
0xec: {  	_ =	swait.ge [sflag:s28], $0x80  }
0xed: {  	[sflag:s28] =	ssyncset.done $0x0  }
0xee: {  	[sflag:s28] =	ssyncadd.s32 $0xFFFFFF80  }
0xef: {  	_ =	swait.ge [sflag:s26], $0x2000  }
0xf0: {  	[sflag:s26] =	ssyncset.done $0x0  }
0xf1: {  	[sflag:s26] =	ssyncadd.s32 $0xFFFFE000  }
0xf2: {  	_ =	swait.ge [sflag:s28], $0x80  }
0xf3: {  	[sflag:s28] =	ssyncset.done $0x0  }
0xf4: {  	[sflag:s28] =	ssyncadd.s32 $0xFFFFFF80  }
0xf5: {  	_ =	swait.ge [sflag:s26], $0x2000  }
0xf6: {  	[sflag:s26] =	ssyncset.done $0x0  }
0xf7: {  	[sflag:s26] =	ssyncadd.s32 $0xFFFFE000  }
0xf8: {  	_ =	swait.ge [sflag:s28], $0x80  }
0xf9: {  	[sflag:s28] =	ssyncset.done $0x0  }
0xfa: {  	[sflag:s28] =	ssyncadd.s32 $0xFFFFFF80  }
0xfb: {  	_ =	swait.ge [sflag:s26], $0x2000  }
0xfc: {  	[sflag:s26] =	ssyncset.done $0x0  }
0xfd: {  	[sflag:s26] =	ssyncadd.s32 $0xFFFFE000  }
0xfe: {  	_ =	swait.ge [sflag:s28], $0x80  }
0xff: {  	[sflag:s28] =	ssyncset.done $0x0  }
0x100: {  	s8 =	simm.s32 @!p0 $0x8;
	[sflag:s28] =	ssyncadd.s32 $0xFFFFFF80  }
0x101: {  	_ =	swait.ge @!p0 [sflag:s8], $0x800  }
0x102: {  	s10 =	simm.s32 $0x11420;
	[sflag:s8] =	ssyncset.done @!p0 $0x0  }
0x103: {  	s14 =	simm.s32 $0x8E00;
	[sflag:s8] =	ssyncadd.s32 @!p0 $0xFFFFF800;
	s8 =	simm.s32 $0x0  }
.LBB2_5:
0x104: {  	s19 =	sshra.s32 s8, $0x2  }
0x105: {  	v0 =	vld [tilespmem:s19+$0x600]  }
0x106: {  	v1 =	vld [tilespmem:s19+$0xA00];
	_ =	sdelay $0x3  }
0x107: {  	v2 =	vld [tilespmem:s14+$0xFFFFFE00]  }
0x108: {  	v3 =	vld [tilespmem:s14+$0xFFFFFE40];
	v14 =	vmul.f32 v1, v0  }
0x109: {  	v4 =	vld [tilespmem:s14+$0xFFFFFE80]  }
0x10a: {  	v5 =	vld [tilespmem:s14+$0xFFFFFEC0];
	v0 =	vbroadcast v14, $0x0  }
0x10b: {  	v6 =	vld [tilespmem:s14+$0xFFFFFF00];
	v1 =	vbroadcast v14, $0x1  }
0x10c: {  	v7 =	vld [tilespmem:s14+$0xFFFFFF40];
	v16 =	vmul.f32 v0, v2;
	v2 =	vbroadcast v14, $0x2  }
0x10d: {  	v8 =	vld [tilespmem:s14+$0xFFFFFF80];
	v17 =	vmul.f32 v3, v1;
	v3 =	vbroadcast v14, $0x3  }
0x10e: {  	v9 =	vld [tilespmem:s14+$0xFFFFFFC0];
	v18 =	vmul.f32 v4, v2;
	v4 =	vbroadcast v14, $0x4  }
0x10f: {  	v10 =	vld [tilespmem:s14+$0x0];
	v19 =	vmul.f32 v5, v3;
	v5 =	vbroadcast v14, $0x5  }
0x110: {  	v11 =	vld [tilespmem:s14+$0x40];
	v20 =	vmul.f32 v6, v4;
	v6 =	vbroadcast v14, $0x6  }
0x111: {  	v12 =	vld [tilespmem:s14+$0x80];
	v21 =	vmul.f32 v7, v5;
	v7 =	vbroadcast v14, $0x7  }
0x112: {  	v13 =	vld [tilespmem:s14+$0xC0];
	v22 =	vmul.f32 v8, v6;
	v8 =	vbroadcast v14, $0x8  }
0x113: {  	v15 =	vld [tilespmem:s14+$0x100];
	v23 =	vmul.f32 v9, v7;
	v9 =	vbroadcast v14, $0x9  }
0x114: {  	v25 =	vld [tilespmem:s14+$0x140];
	v24 =	vmul.f32 v10, v8;
	v10 =	vbroadcast v14, $0xA  }
0x115: {  	v27 =	vld [tilespmem:s14+$0x180];
	v26 =	vmul.f32 v11, v9;
	v11 =	vbroadcast v14, $0xB  }
0x116: {  	v29 =	vld [tilespmem:s14+$0x1C0];
	v28 =	vmul.f32 v12, v10;
	v12 =	vbroadcast v14, $0xC  }
0x117: {  	v30 =	vmul.f32 v13, v11  }
0x118: {  	v13 =	vbroadcast v14, $0xD;
	v31 =	vmul.f32 v15, v12  }
0x119: {  	v16 =	vadd.f32 v17, v16;
	v15 =	vbroadcast v14, $0xE;
	v14 =	vbroadcast v14, $0xF  }
0x11a: {  	v43 =	vadd.f32 v19, v18;
	v45 =	vadd.f32 v21, v20;
	v25 =	vmul.f32 v25, v13  }
0x11b: {  	v46 =	vadd.f32 v23, v22;
	v27 =	vmul.f32 v27, v15;
	v44 =	vmul.f32 v29, v14  }
0x11c: {  	v47 =	vadd.f32 v26, v24;
	v48 =	vadd.f32 v30, v28  }
0x11d: {  	v49 =	vadd.f32 v25, v31;
	v18 =	vadd.f32 v44, v27  }
0x11e: {  	v16 =	vadd.f32 v43, v16;
	v50 =	vadd.f32 v46, v45  }
0x11f: {  	v51 =	vadd.f32 v48, v47;
	v18 =	vadd.f32 v18, v49;
	_ =	sdelay $0x1  }
0x120: {  	v16 =	vadd.f32 v50, v16;
	v52 =	vadd.f32 v18, v51;
	_ =	sdelay $0x1  }
0x121: {  	v16 =	vadd.f32 v52, v16;
	_ =	sdelay $0x1  }
0x122: {  	[tilespmem:s10+$0xFFFFFFE0] =	vst v16  }
0x123: {  	v16 =	vld [tilespmem:s14+$0xFFFFFE10]  }
0x124: {  	v53 =	vld [tilespmem:s14+$0xFFFFFE50]  }
0x125: {  	v54 =	vld [tilespmem:s14+$0xFFFFFE90]  }
0x126: {  	v55 =	vld [tilespmem:s14+$0xFFFFFED0]  }
0x127: {  	v56 =	vld [tilespmem:s14+$0xFFFFFF10]  }
0x128: {  	v57 =	vld [tilespmem:s14+$0xFFFFFF50]  }
0x129: {  	v58 =	vld [tilespmem:s14+$0xFFFFFF90]  }
0x12a: {  	v59 =	vld [tilespmem:s14+$0xFFFFFFD0]  }
0x12b: {  	v60 =	vld [tilespmem:s14+$0x10]  }
0x12c: {  	v61 =	vld [tilespmem:s14+$0x50]  }
0x12d: {  	v62 =	vld [tilespmem:s14+$0x90]  }
0x12e: {  	v63 =	vld [tilespmem:s14+$0xD0]  }
0x12f: {  	v33 =	vld [tilespmem:s14+$0x110];
	v16 =	vmul.f32 v16, v0;
	v17 =	vmul.f32 v53, v1  }
0x130: {  	v34 =	vld [tilespmem:s14+$0x150];
	v18 =	vmul.f32 v54, v2;
	v19 =	vmul.f32 v55, v3  }
0x131: {  	v35 =	vld [tilespmem:s14+$0x190];
	v20 =	vmul.f32 v56, v4;
	v21 =	vmul.f32 v57, v5  }
0x132: {  	v36 =	vld [tilespmem:s14+$0x1D0];
	v22 =	vmul.f32 v58, v6;
	v23 =	vmul.f32 v59, v7  }
0x133: {  	v24 =	vmul.f32 v60, v8;
	v25 =	vmul.f32 v61, v9  }
0x134: {  	v26 =	vmul.f32 v62, v10;
	v27 =	vmul.f32 v63, v11  }
0x135: {  	v28 =	vmul.f32 v33, v12;
	v29 =	vmul.f32 v34, v13  }
0x136: {  	v30 =	vmul.f32 v35, v15;
	v16 =	vadd.f32 v17, v16;
	v37 =	vadd.f32 v19, v18  }
0x137: {  	v38 =	vmul.f32 v36, v14;
	v39 =	vadd.f32 v21, v20;
	v40 =	vadd.f32 v23, v22  }
0x138: {  	v41 =	vadd.f32 v25, v24;
	v42 =	vadd.f32 v27, v26  }
0x139: {  	v43 =	vadd.f32 v29, v28;
	v18 =	vadd.f32 v38, v30  }
0x13a: {  	v16 =	vadd.f32 v37, v16;
	v44 =	vadd.f32 v40, v39  }
0x13b: {  	v45 =	vadd.f32 v42, v41;
	v18 =	vadd.f32 v18, v43;
	_ =	sdelay $0x1  }
0x13c: {  	v16 =	vadd.f32 v44, v16;
	v46 =	vadd.f32 v18, v45;
	_ =	sdelay $0x1  }
0x13d: {  	v16 =	vadd.f32 v46, v16;
	_ =	sdelay $0x1  }
0x13e: {  	[tilespmem:s10+$0xFFFFFFF0] =	vst v16  }
0x13f: {  	v16 =	vld [tilespmem:s14+$0xFFFFFE20]  }
0x140: {  	v47 =	vld [tilespmem:s14+$0xFFFFFE60]  }
0x141: {  	v48 =	vld [tilespmem:s14+$0xFFFFFEA0]  }
0x142: {  	v49 =	vld [tilespmem:s14+$0xFFFFFEE0]  }
0x143: {  	v50 =	vld [tilespmem:s14+$0xFFFFFF20]  }
0x144: {  	v51 =	vld [tilespmem:s14+$0xFFFFFF60]  }
0x145: {  	v52 =	vld [tilespmem:s14+$0xFFFFFFA0]  }
0x146: {  	v53 =	vld [tilespmem:s14+$0xFFFFFFE0]  }
0x147: {  	v54 =	vld [tilespmem:s14+$0x20]  }
0x148: {  	v55 =	vld [tilespmem:s14+$0x60]  }
0x149: {  	v56 =	vld [tilespmem:s14+$0xA0]  }
0x14a: {  	v57 =	vld [tilespmem:s14+$0xE0]  }
0x14b: {  	v58 =	vld [tilespmem:s14+$0x120];
	v16 =	vmul.f32 v16, v0;
	v17 =	vmul.f32 v47, v1  }
0x14c: {  	v59 =	vld [tilespmem:s14+$0x160];
	v18 =	vmul.f32 v48, v2;
	v19 =	vmul.f32 v49, v3  }
0x14d: {  	v60 =	vld [tilespmem:s14+$0x1A0];
	v20 =	vmul.f32 v50, v4;
	v21 =	vmul.f32 v51, v5  }
0x14e: {  	v61 =	vld [tilespmem:s14+$0x1E0];
	v22 =	vmul.f32 v52, v6;
	v23 =	vmul.f32 v53, v7  }
0x14f: {  	v24 =	vmul.f32 v54, v8;
	v25 =	vmul.f32 v55, v9  }
0x150: {  	v26 =	vmul.f32 v56, v10;
	v27 =	vmul.f32 v57, v11  }
0x151: {  	v28 =	vmul.f32 v58, v12;
	v29 =	vmul.f32 v59, v13  }
0x152: {  	v30 =	vmul.f32 v60, v15;
	v16 =	vadd.f32 v17, v16;
	v62 =	vadd.f32 v19, v18  }
0x153: {  	v63 =	vmul.f32 v61, v14;
	v31 =	vadd.f32 v21, v20;
	v32 =	vadd.f32 v23, v22  }
0x154: {  	v33 =	vadd.f32 v25, v24;
	v34 =	vadd.f32 v27, v26  }
0x155: {  	v35 =	vadd.f32 v29, v28;
	v18 =	vadd.f32 v63, v30  }
0x156: {  	v16 =	vadd.f32 v62, v16;
	v36 =	vadd.f32 v32, v31  }
0x157: {  	v37 =	vadd.f32 v34, v33;
	v18 =	vadd.f32 v18, v35;
	_ =	sdelay $0x1  }
0x158: {  	v16 =	vadd.f32 v36, v16;
	v38 =	vadd.f32 v18, v37;
	_ =	sdelay $0x1  }
0x159: {  	v16 =	vadd.f32 v38, v16;
	_ =	sdelay $0x1  }
0x15a: {  	[tilespmem:s10+$0x0] =	vst v16  }
0x15b: {  	v16 =	vld [tilespmem:s14+$0xFFFFFE30]  }
0x15c: {  	v39 =	vld [tilespmem:s14+$0xFFFFFE70]  }
0x15d: {  	v40 =	vld [tilespmem:s14+$0xFFFFFEB0]  }
0x15e: {  	v41 =	vld [tilespmem:s14+$0xFFFFFEF0]  }
0x15f: {  	v42 =	vld [tilespmem:s14+$0xFFFFFF30]  }
0x160: {  	v43 =	vld [tilespmem:s14+$0xFFFFFF70]  }
0x161: {  	v44 =	vld [tilespmem:s14+$0xFFFFFFB0]  }
0x162: {  	v45 =	vld [tilespmem:s14+$0xFFFFFFF0]  }
0x163: {  	v46 =	vld [tilespmem:s14+$0x30]  }
0x164: {  	v47 =	vld [tilespmem:s14+$0x70]  }
0x165: {  	v48 =	vld [tilespmem:s14+$0xB0]  }
0x166: {  	v49 =	vld [tilespmem:s14+$0xF0]  }
0x167: {  	v50 =	vld [tilespmem:s14+$0x130];
	v0 =	vmul.f32 v16, v0;
	v1 =	vmul.f32 v39, v1  }
0x168: {  	v51 =	vld [tilespmem:s14+$0x170];
	v2 =	vmul.f32 v40, v2;
	v3 =	vmul.f32 v41, v3  }
0x169: {  	v52 =	vld [tilespmem:s14+$0x1B0];
	v4 =	vmul.f32 v42, v4;
	v5 =	vmul.f32 v43, v5  }
0x16a: {  	v53 =	vld [tilespmem:s14+$0x1F0];
	v6 =	vmul.f32 v44, v6;
	v7 =	vmul.f32 v45, v7  }
0x16b: {  	v8 =	vmul.f32 v46, v8;
	v9 =	vmul.f32 v47, v9  }
0x16c: {  	v10 =	vmul.f32 v48, v10;
	v11 =	vmul.f32 v49, v11  }
0x16d: {  	v12 =	vmul.f32 v50, v12;
	v13 =	vmul.f32 v51, v13  }
0x16e: {  	v15 =	vmul.f32 v52, v15;
	v0 =	vadd.f32 v1, v0;
	v54 =	vadd.f32 v3, v2  }
0x16f: {  	v55 =	vmul.f32 v53, v14;
	v56 =	vadd.f32 v5, v4;
	v57 =	vadd.f32 v7, v6  }
0x170: {  	v58 =	vadd.f32 v9, v8;
	v59 =	vadd.f32 v11, v10  }
0x171: {  	v60 =	vadd.f32 v13, v12;
	v2 =	vadd.f32 v55, v15  }
0x172: {  	v0 =	vadd.f32 v54, v0;
	v61 =	vadd.f32 v57, v56  }
0x173: {  	v62 =	vadd.f32 v59, v58;
	v2 =	vadd.f32 v2, v60  }
0x174: {  	p0 =	sne.s32 s8, $0x7C0  }
.Ltmp3:
0x175: {  	v0 =	vadd.f32 v61, v0;
	v63 =	vadd.f32 v2, v62;
	(pc) =	sbr.rel @p0 .LBB2_5-.Ltmp3, $3  }
0x176: {  	_ = 	snop  }
0x177: {  	v0 =	vadd.f32 v63, v0;
	_ =	sdelay $0x1  }
0x178: {  	s8 =	sadd.s32 $0x40, s8;
	s14 =	sadd.s32 $0x400, s14;
	[tilespmem:s10+$0x10] =	vst v0;
	s10 =	sadd.s32 $0x40, s10  }
.Ltmp4:
0x179: {  	(pc) =	sbr.rel @p1 .LBB2_8-.Ltmp4, $3  }
0x17a: {  	_ =	sdelay $0x1  }
0x17b: {  	s7 =	sadd.s32 s7, s11  }
0x17c: {  	[hbm4b:s7+s2] =	stream.linear.scatter [tilespmem:s30], [sflag:$0x8], $0x800, $0x38;
	[tilespmem:$0x11C00] =	vst v63  }
0x17d: {  	s1 =	sadd.s32 s1, s13  }
0x17e: {  	s7 =	sadd.s32 s3, s1  }
0x17f: {  	[tilespmem:s29], [sflag:$0x2] =	stream.linear.gather [hbm4b:s7+s2], $0x200, $0x38;
	[tilespmem:$0x11C00] =	vst v63  }
0x180: {  	s14 =	simm.s32 $0x600;
	s1 =	sadd.s32 s4, s1  }
0x181: {  	[tilespmem:s14], [sflag:$0x2] =	stream.linear.gather [hbm4b:s1+s2], $0x200, $0x38;
	[tilespmem:$0x11C00] =	vst v63  }
0x182: {  	_ =	swait.ge [sflag:s16], $0x200  }
0x183: {  	[sflag:s16] =	ssyncset.done $0x0  }
0x184: {  	[sflag:s16] =	ssyncadd.s32 $0xFFFFFE00  }
0x185: {  	_ =	swait.ge [sflag:s16], $0x200  }
0x186: {  	[sflag:s16] =	ssyncset.done $0x0  }
0x187: {  	s19 =	simm.s32 $0xC00;
	[sflag:s16] =	ssyncadd.s32 $0xFFFFFE00  }
0x188: {  	[tilespmem:s19], [sflag:$0x3] =	stream.indirect.gather [hbm4b:s5+s17], $0x40, s2, s17, $0xb8;
	[tilespmem:$0x11C00] =	vst v63  }
0x189: {  	s20 =	simm.s32 $0x800  }
0x18a: {  	[tilespmem:s20], [sflag:$0x5] =	stream.indirect.gather [hbm4b:s6+s17], $0x1, s2, s17, $0xb8;
	[tilespmem:$0x11C00] =	vst v63  }
0x18b: {  	s7 =	simm.s32 $0x2C00  }
0x18c: {  	[tilespmem:s7], [sflag:$0x3] =	stream.indirect.gather [hbm4b:s5+s17], $0x40, s17, s17, $0xb8;
	[tilespmem:$0x11C00] =	vst v63  }
0x18d: {  	s8 =	simm.s32 $0x880  }
0x18e: {  	[tilespmem:s8], [sflag:$0x5] =	stream.indirect.gather [hbm4b:s6+s17], $0x1, s17, s17, $0xb8;
	[tilespmem:$0x11C00] =	vst v63  }
0x18f: {  	s10 =	simm.s32 $0x4C00  }
0x190: {  	[tilespmem:s10], [sflag:$0x3] =	stream.indirect.gather [hbm4b:s5+s17], $0x40, s22, s17, $0xb8;
	[tilespmem:$0x11C00] =	vst v63  }
0x191: {  	s14 =	simm.s32 $0x900  }
0x192: {  	[tilespmem:s14], [sflag:$0x5] =	stream.indirect.gather [hbm4b:s6+s17], $0x1, s22, s17, $0xb8;
	[tilespmem:$0x11C00] =	vst v63  }
.Ltmp5:
0x193: {  	_ = 	snop;
	(pc) =	sbr.rel .LBB2_2-.Ltmp5, $4  }
0x194: {  	s19 =	simm.s32 $0x6C00  }
0x195: {  	[tilespmem:s19], [sflag:$0x3] =	stream.indirect.gather [hbm4b:s5+s17], $0x40, s25, s17, $0xb8;
	[tilespmem:$0x11C00] =	vst v63  }
0x196: {  	s0 =	sadd.s32 $0x1, s0;
	s20 =	simm.s32 $0x980  }
0x197: {  	[tilespmem:s20], [sflag:$0x5] =	stream.indirect.gather [hbm4b:s6+s17], $0x1, s25, s17, $0xb8;
	[tilespmem:$0x11C00] =	vst v63  }
.LBB2_9:
0x198: {  	_ =	sfence.sel $0x180000  }
0x199: {  	[bflag:$0x0] =	sbarrier.arrive $0xFFFF  }
0x19a: {  	_ =	strace $0x9000004A  }
0x19b: {  	s0 =	stileid.u32;
	[bflag:$0x2] =	sbarrier.arrive $0xFFFF  }
0x19c: {  	p0 =	sne.s32 s0, $0x0;
	s0 =	rddreg [dreg:$0x2]  }
0x19d: {  	s0 =	sadd.s32 @!p0 $0x100000, s0  }
0x19e: {  	[sflag:s0] =	ssyncadd.tile.s32 @!p0 $0x1;
	_ =	shalt  }
.Lfunc_end2:
_tile_overlayer_lowered:
.L_overlay_start_2:
0x19f: {  	(tag) =	ssettag $0x2  }
0x1a0: {  	s0 =	rddreg [dreg:$0x0];
	s2 =	stileid.u32  }
0x1a1: {  	s1 =	rddreg [dreg:$0x1];
	p0 =	sne.s32 s2, $0x0  }
0x1a2: {  	s3 =	rddreg [dreg:$0x2];
	[bflag:$0x3] =	sbarrier.arrive $0xFFFF;
	s2 =	simm.s32 @!p0 $0x1C09  }
0x1a3: {  	[timem:s3], [sflag:s2] =	dma.local @!p0 [hbm:s0], s1  }
0x1a4: {  	s0 =	simm.s32 @!p0 $0x9  }
0x1a5: {  	_ =	swait.ge @!p0 [sflag:s0], s1  }
0x1a6: {  	s1 =	ssub.s32 @!p0 $0x0, s1;
	[sflag:s0] =	ssyncset.done @!p0 $0x0  }
0x1a7: {  	[sflag:s0] =	ssyncadd.s32 @!p0 s1  }
0x1a8: {  	[bflag:$0x3] =	sbarrier.arrive $0xFFFF  }
0x1a9: {  	_ =	shalt  }

// kernel: kernel.7.cloned.1.call-start
scs
__scs_entry_jumppad:
0x0: {  	(pc) =	sbr.rel $0x88, $3  }
0x1: {  	(tag) =	ssettag $0x0;
	lr =	simm.s32 $0x1  }
0x2: {  	[smem:$0x3F98] =	sst lr;
	_ =	strace $0xD0000000  }
0x3: {  	_ = 	snop  }
0x4: {  	_ = 	snop  }
0x5: {  	_ = 	snop  }
0x6: {  	_ = 	snop  }
0x7: {  	_ = 	snop  }
__scs_overlays_trampoline_lowered:
0x8: {  	[smem:$0x3FA7] =	sst s0  }
0x9: {  	[smem:$0x3FA8] =	sst s1  }
0xa: {  	[smem:$0x3FA9] =	sst s2  }
0xb: {  	[smem:$0x3FAA] =	sst s3  }
0xc: {  	[smem:$0x3FAB] =	sst s4  }
0xd: {  	[smem:$0x3FAC] =	sst s5  }
0xe: {  	[smem:$0x3FAD] =	sst s6  }
0xf: {  	[smem:$0x3FAE] =	sst s7  }
0x10: {  	[smem:$0x3FAF] =	sst s8  }
0x11: {  	[smem:$0x3FB0] =	sst s9;
	s0 =	simm.s32 @!p0 $0x0  }
0x12: {  	s1 =	sld [smem:$0x3F96];
	s0 =	simm.s32 @p0 $0x1  }
0x13: {  	[smem:$0x3FB1] =	sst s0;
	s0 =	simm.s32 @!p1 $0x0  }
0x14: {  	s2 =	sld [smem:$0x3F95];
	s0 =	simm.s32 @p1 $0x1  }
0x15: {  	[smem:$0x3FB2] =	sst s0;
	s0 =	simm.s32 @!p2 $0x0  }
0x16: {  	s3 =	sld [smem:$0x3FDB];
	s0 =	simm.s32 @p2 $0x1  }
0x17: {  	s4 =	simm.s32 $0x1BF5;
	[smem:$0x3FB4] =	sst s0  }
0x18: {  	s0 =	sld [smem:$0x3F97];
	_ =	swait.ge [sflag:s4], $0x0  }
0x19: {  	s7 =	sld [smem:$0x3F98]  }
0x1a: {  	s8 =	sadd.s32 $0xFFFFE003, lr  }
0x1b: {  	s9 =	sadd.s32 $0xFFFFFEF7, lr;
	s5 =	simm.s32 $0xFFFFFFFF;
	p2 =	slt.u32 s8, $0xFFFFF086  }
0x1c: {  	p1 =	slt.u32 s9, $0xF7A;
	s5 =	simm.s32 @!p2 $0x0  }
0x1d: {  	s5 =	simm.s32 @p1 $0x1;
	p0 =	seq.s32 s7, s2  }
0x1e: {  	s7 =	smul.u32 @!p0 $0xF7A, s2;
	p2 =	seq.s32 @!p0 s5, $0x0  }
0x1f: {  	s9 =	smul.u32 $0xF7A, s1;
	s8 =	simm.s32 @!p0 $0x1BF5;
	p2 =	por !p2, p0  }
0x20: {  	[sflag:s8] =	ssyncset.s32 @!p0 $0xFFFFF086;
	s6 =	sadd.s32 @!p0 s3, s7;
	s7 =	simm.s32 @!p0 $0x108  }
0x21: {  	s3 =	sadd.s32 s3, s9;
	s6 =	sadd.s32 @!p0 $0x88, s6;
	s7 =	simm.s32 @p2 $0x1082  }
0x22: {  	[simem:s7], [sflag:s8] =	dma.local @!p0 [hbm:s6], $0xF7A  }
0x23: {  	s9 =	sor.u32 $0xD0000000, s2;
	s6 =	simm.s32 $0x108;
	_ =	swait.ge @!p0 [sflag:s8], $0x0  }
0x24: {  	s3 =	sadd.s32 $0x88, s3;
	s6 =	simm.s32 @!p1 $0x1082;
	[sflag:s4] =	ssyncset.s32 $0xFFFFF086  }
0x25: {  	[simem:s6], [sflag:s4] =	dma.local [hbm:s3], $0xF7A  }
0x26: {  	[smem:$0x3F98] =	sst s1;
	(tag) =	ssettag s2;
	_ =	strace s9  }
0x27: {  	s1 =	sld [smem:$0x3FA8]  }
0x28: {  	s2 =	sld [smem:$0x3FA9]  }
0x29: {  	s4 =	sld [smem:$0x3FAB]  }
0x2a: {  	p0 =	seq.s32 s5, $0x0;
	s5 =	sld [smem:$0x3FAC]  }
0x2b: {  	s6 =	sld [smem:$0x3FAD]  }
0x2c: {  	s7 =	sld [smem:$0x3FAE]  }
0x2d: {  	s3 =	simm.s32 $0x108;
	s8 =	sld [smem:$0x3FAF]  }
0x2e: {  	s3 =	simm.s32 @!p0 $0x1082;
	s9 =	sld [smem:$0x3FB0]  }
0x2f: {  	lr =	sadd.s32 s0, s3;
	s0 =	sld [smem:$0x3FA7]  }
0x30: {  	s3 =	sld [smem:$0x3FAA]  }
0x31: {  	[smem:$0x3FB3] =	sst s10  }
0x32: {  	s10 =	sld [smem:$0x3FB1];
	_ =	sdelay $0x3  }
0x33: {  	p0 =	seq.s32 s10, $0x1;
	s10 =	sld [smem:$0x3FB3];
	_ =	sdelay $0x3  }
0x34: {  	[smem:$0x3FB3] =	sst s10  }
0x35: {  	s10 =	sld [smem:$0x3FB2];
	_ =	sdelay $0x3  }
0x36: {  	p1 =	seq.s32 s10, $0x1;
	s10 =	sld [smem:$0x3FB3];
	_ =	sdelay $0x3  }
0x37: {  	[smem:$0x3FB3] =	sst s10  }
0x38: {  	s10 =	sld [smem:$0x3FB4]  }
0x39: {  	_ = 	snop;
	(pc) =	sbr.ind lr, $3  }
0x3a: {  	_ = 	snop  }
0x3b: {  	_ = 	snop  }
0x3c: {  	p2 =	seq.s32 s10, $0x1;
	s10 =	sld [smem:$0x3FB3]  }
0x3d: {  	_ =	shalt  }
0x3e: {  	_ =	shalt  }
0x3f: {  	_ =	shalt  }
0x40: {  	_ =	shalt  }
0x41: {  	_ =	shalt  }
0x42: {  	_ =	shalt  }
0x43: {  	_ =	shalt  }
0x44: {  	_ =	shalt  }
0x45: {  	_ =	shalt  }
0x46: {  	_ =	shalt  }
0x47: {  	_ =	shalt  }
0x48: {  	_ =	shalt  }
0x49: {  	_ =	shalt  }
0x4a: {  	_ =	shalt  }
0x4b: {  	_ =	shalt  }
0x4c: {  	_ =	shalt  }
0x4d: {  	_ =	shalt  }
0x4e: {  	_ =	shalt  }
0x4f: {  	_ =	shalt  }
0x50: {  	_ =	shalt  }
0x51: {  	_ =	shalt  }
0x52: {  	_ =	shalt  }
0x53: {  	_ =	shalt  }
0x54: {  	_ =	shalt  }
0x55: {  	_ =	shalt  }
0x56: {  	_ =	shalt  }
0x57: {  	_ =	shalt  }
0x58: {  	_ =	shalt  }
0x59: {  	_ =	shalt  }
0x5a: {  	_ =	shalt  }
0x5b: {  	_ =	shalt  }
0x5c: {  	_ =	shalt  }
0x5d: {  	_ =	shalt  }
0x5e: {  	_ =	shalt  }
0x5f: {  	_ =	shalt  }
0x60: {  	_ =	shalt  }
0x61: {  	_ =	shalt  }
0x62: {  	_ =	shalt  }
0x63: {  	_ =	shalt  }
0x64: {  	_ =	shalt  }
0x65: {  	_ =	shalt  }
0x66: {  	_ =	shalt  }
0x67: {  	_ =	shalt  }
0x68: {  	_ =	shalt  }
0x69: {  	_ =	shalt  }
0x6a: {  	_ =	shalt  }
0x6b: {  	_ =	shalt  }
0x6c: {  	_ =	shalt  }
0x6d: {  	_ =	shalt  }
0x6e: {  	_ =	shalt  }
0x6f: {  	_ =	shalt  }
0x70: {  	_ =	shalt  }
0x71: {  	_ =	shalt  }
0x72: {  	_ =	shalt  }
0x73: {  	_ =	shalt  }
0x74: {  	_ =	shalt  }
0x75: {  	_ =	shalt  }
0x76: {  	_ =	shalt  }
0x77: {  	_ =	shalt  }
0x78: {  	_ =	shalt  }
0x79: {  	_ =	shalt  }
0x7a: {  	_ =	shalt  }
0x7b: {  	_ =	shalt  }
0x7c: {  	_ =	shalt  }
0x7d: {  	_ =	shalt  }
0x7e: {  	_ =	shalt  }
0x7f: {  	_ =	shalt  }
0x80: {  	_ =	shalt  }
0x81: {  	_ =	shalt  }
0x82: {  	_ =	shalt  }
0x83: {  	_ =	shalt  }
0x84: {  	_ =	shalt  }
0x85: {  	_ =	shalt  }
0x86: {  	_ =	shalt  }
0x87: {  	_ =	shalt  }
.Lfunc_end0:
.L_simem_size_0:
called_computation_lowered:
.L_overlay_start_0:
0x88: {  	s2 =	sld [smem:$0x3FD9]  }
0x89: {  	s3 =	sld [smem:$0x3FFE];
	_ =	sdelay $0x1  }
0x8a: {  	s1 =	srdreg.scid  }
0x8b: {  	s0 =	sand.u32 $0x1, s1  }
0x8c: {  	s14 =	sshll.u32 s0, $0xA;
	s2 =	sadd.s32 s3, s2  }
0x8d: {  	s2 =	sadd.s32 s2, s14  }
0x8e: {  	[smem:$0x3FBF] =	sst s2  }
0x8f: {  	_ = 	snop  }
0x90: {  	s2 =	sld [smem:$0x3FD0];
	_ =	sdelay $0x1  }
0x91: {  	s15 =	sld [smem:$0x3FC9]  }
0x92: {  	s5 =	simm.s32 $0xA;
	s6 =	simm.s32 $0x10;
	s4 =	sld [smem:$0x3FC8]  }
0x93: {  	[smem:s6], [sflag:s5] =	dma.local [hbm:s2], $0x1  }
0x94: {  	_ =	swait.eq [sflag:s5], $0x1  }
0x95: {  	[sflag:s5] =	ssyncset.done $0x0  }
0x96: {  	s16 =	sld [smem:$0x10];
	[sflag:s5] =	ssyncadd.s32 $0xFFFFFFFF  }
0x97: {  	s17 =	sld [smem:$0x11];
	(tm) =	ssettm $0x1  }
0x98: {  	s18 =	sld [smem:$0x3FFB];
	_ =	sdelay $0x3  }
0x99: {  	_ =	strace s18  }
0x9a: {  	s6 =	sld [smem:$0x3FFC];
	_ =	sdelay $0x3  }
0x9b: {  	_ =	strace s6  }
0x9c: {  	s6 =	sld [smem:$0x3FFD];
	_ =	sdelay $0x3  }
0x9d: {  	_ =	strace s6  }
0x9e: {  	_ =	strace $0x8FFFFFFF  }
0x9f: {  	s19 =	sld [smem:$0x3FDB];
	_ =	sdelay $0x1  }
0xa0: {  	s7 =	simm.s32 $_scs_section_size  }
0xa1: {  	s8 =	simm.s32 $_size__tile_overlayer_lowered;
	s9 =	simm.s32 $_tile_overlayer_lowered  }
0xa2: {  	s22 =	simm.s32 $0x1BFF;
	s21 =	sshll.u32 s9, $0x1;
	s6 =	sadd.s32 s7, s19  }
0xa3: {  	s10 =	simm.s32 $0x0;
	s20 =	sshll.u32 s8, $0x1;
	s8 =	sadd.s32 s21, s6  }
0xa4: {  	[timem:s10], [sflag:s22] =	dma.local [hbm:s8], s20  }
0xa5: {  	_ =	swait.ge [sflag:s22], s20  }
0xa6: {  	s7 =	ssub.s32 $0x0, s20;
	[sflag:s22] =	ssyncset.done $0x0  }
0xa7: {  	[sflag:s22] =	ssyncadd.s32 s7;
	_ =	sdelay $0x1  }
0xa8: {  	s23 =	simm.s32 $0x1B8B  }
0xa9: {  	_ =	swait.ge [sflag:s23], $0x1  }
0xaa: {  	[sflag:s23] =	ssyncset.done $0x0  }
0xab: {  	s25 =	simm.s32 $0x1B8E;
	s24 =	sld [smem:$0x3FFE];
	[sflag:s23] =	ssyncadd.s32 $0xFFFFFFFF  }
0xac: {  	s26 =	simm.s32 $execute0_lowered;
	[smem:$0x3FD2] =	sst s25  }
0xad: {  	s8 =	sshll.u32 s26, $0x1;
	_ =	strace $0x80000046;
	[dreg:$0x1] =	wrdreg $0xFFFFFFFF  }
0xae: {  	s28 =	simm.s32 $_size_execute0_lowered;
	s6 =	sadd.s32 s6, s8;
	[dreg:$0x0] =	wrdreg $0x0  }
0xaf: {  	s8 =	sshll.u32 s28, $0x1;
	[dreg:$0x2] =	wrdreg s6  }
0xb0: {  	[dreg:$0x3] =	wrdreg s8  }
0xb1: {  	[dreg:$0x4] =	wrdreg $0xC0  }
0xb2: {  	_ =	task [dreg:s10], $0x5FFFF  }
0xb3: {  	[dreg:$0x1] =	wrdreg $0xFFFFFFFF  }
0xb4: {  	[dreg:$0x0] =	wrdreg $0x60  }
0xb5: {  	[dreg:$0x2] =	wrdreg s15  }
0xb6: {  	[dreg:$0x3] =	wrdreg s4  }
0xb7: {  	[dreg:$0x4] =	wrdreg s24  }
0xb8: {  	[dreg:$0x5] =	wrdreg s17  }
0xb9: {  	[dreg:$0x6] =	wrdreg s16  }
0xba: {  	[dreg:$0x7] =	wrdreg $0x9  }
0xbb: {  	_ =	task.clear_ibuf [dreg:s10], $0x8FFFF;
	_ =	strace $0x90000046  }
0xbc: {  	s29 =	simm.s32 $0x9;
	_ =	strace $0x80000048  }
0xbd: {  	_ =	swait.ge [sflag:s29], $0x1  }
0xbe: {  	[sflag:s29] =	ssyncadd.s32 $0xFFFFFFFF  }
0xbf: {  	_ =	strace $0x90000048  }
0xc0: {  	_ =	sfence  }
0xc1: {  	s30 =	sld [smem:$0x0];
	_ =	sdelay $0x2  }
0xc2: {  	s31 =	sshll.u32 s1, $0xD;
	s1 =	sshrl.u32 s1, $0x2  }
0xc3: {  	s3 =	sand.u32 $0x4000, s31;
	s1 =	sadd.s32 s1, s30  }
0xc4: {  	s0 =	sor.u32 s3, s0;
	s1 =	sshll.u32 s1, $0x11  }
0xc5: {  	s0 =	sor.u32 s1, s0  }
0xc6: {  	s0 =	sadd.s32 $0x8F2B, s0  }
0xc7: {  	[sflag:s0] =	ssyncadd.remote.s32 $0x1  }
0xc8: {  	_ =	sfence.sel $0xFFFF  }
0xc9: {  	[dreg:$0x0] =	wrdreg $0xFFFFFFFF;
	(pc) =	sbr.abs _section_cstart, $3  }
0xca: {  	[dreg:$0x1] =	wrdreg $0xFFFFFFFF  }
0xcb: {  	_ =	task.clear_ibuf [dreg:s10], $0x2FFFF;
	_ =	strace $0x9FFFFFFF  }
0xcc: {  	(tm) =	ssettm $0x7FFFFFFF  }
0xcd: {  	_ =	shalt  }
tec
execute0_lowered:
.L_overlay_start_1:
0x0: {  	(tag) =	ssettag $0x1  }
0x1: {  	s1 =	rddreg [dreg:$0x0]  }
0x2: {  	s2 =	rddreg [dreg:$0x1]  }
0x3: {  	s9 =	rddreg [dreg:$0x2]  }
0x4: {  	s3 =	rddreg [dreg:$0x3]  }
0x5: {  	s4 =	rddreg [dreg:$0x4]  }
0x6: {  	s0 =	rddreg [dreg:$0x5]  }
0x7: {  	s5 =	simm.s32 $0x0;
	s10 =	srdreg.scid;
	s16 =	simm.s32 $0x40  }
0x8: {  	s17 =	simm.s32 $0x80;
	s18 =	simm.s32 $0x880;
	s19 =	simm.s32 $0xC80  }
0x9: {  	s20 =	simm.s32 $0x1C80;
	s21 =	simm.s32 $0x1;
	s22 =	simm.s32 $0x2  }
0xa: {  	s23 =	simm.s32 $0x480;
	s24 =	simm.s32 $0x0;
	[smem:$0x7FF] =	sst s5  }
0xb: {  	s30 =	simm.s32 $0x0;
	s6 =	sadd.s32 $0x1EA200, s9;
	s7 =	sadd.s32 $0x126C00, s9  }
0xc: {  	s8 =	sadd.s32 $0x13F400, s9;
	s13 =	sand.u32 $0x1, s10;
	s10 =	sadd.s32 $0xC5000, s9  }
0xd: {  	s11 =	sadd.s32 $0x1A9000, s9;
	s12 =	sadd.s32 $0x1A1000, s9;
	s14 =	ssub.s32 $0x2, s13  }
0xe: {  	s9 =	stileid.u32;
	_ =	strace $0x80000047;
	s15 =	sshrl.u32 s14, $0x1  }
0xf: {  	s31 =	sshll.u32 s9, $0xA;
	s13 =	sshll.u32 s13, $0x9;
	s14 =	ssub.s32 s14, s15  }
0x10: {  	s13 =	sor.u32 s13, s31;
	s15 =	simm.s32 $0x3;
	s14 =	smax.u32 s14, $0x1  }
.LBB2_1:
0x11: {  	s25 =	simm.s32 $0x0  }
.LBB2_2:
0x12: {  	s26 =	sshll.u32 s25, $0x6  }
0x13: {  	s26 =	sadd.s32 s13, s26  }
0x14: {  	s28 =	sshrl.u32 s26, $0x3  }
0x15: {  	s29 =	sadd.s32 s1, s28  }
0x16: {  	[tilespmem:s30], [sflag:$0x3] =	stream.linear.gather [hbm4b:s29+s30], $0x40, $0x38;
	[tilespmem:$0x2C80] =	vst v63  }
0x17: {  	_ =	swait.ge [sflag:s15], $0x40  }
0x18: {  	[sflag:s15] =	ssyncset.done $0x0  }
0x19: {  	s28 =	sadd.s32 s2, s28;
	[sflag:s15] =	ssyncadd.s32 $0xFFFFFFC0  }
0x1a: {  	[tilespmem:s16], [sflag:$0x3] =	stream.linear.gather [hbm4b:s28+s30], $0x40, $0x38;
	[tilespmem:$0x2C80] =	vst v63  }
0x1b: {  	_ =	swait.ge [sflag:s15], $0x40  }
0x1c: {  	[sflag:s15] =	ssyncset.done $0x0  }
0x1d: {  	[sflag:s15] =	ssyncadd.s32 $0xFFFFFFC0  }
0x1e: {  	[tilespmem:s17], [sflag:$0x1] =	stream.indirect.gather [hbm4b:s6+s16], $0x10, s16, s16, $0xb8;
	[tilespmem:$0x2C80] =	vst v63  }
0x1f: {  	_ = 	snop  }
0x20: {  	[tilespmem:s18], [sflag:$0x2] =	stream.indirect.gather [hbm4b:s7+s16], $0x10, s16, s16, $0xb8;
	[tilespmem:$0x2C80] =	vst v63  }
0x21: {  	_ = 	snop  }
0x22: {  	[tilespmem:s19], [sflag:$0x2] =	stream.indirect.gather [hbm4b:s8+s16], $0x40, s30, s16, $0xb8;
	[tilespmem:$0x2C80] =	vst v63  }
0x23: {  	_ = 	snop  }
0x24: {  	[tilespmem:s20], [sflag:$0x2] =	stream.indirect.gather [hbm4b:s10+s16], $0x40, s16, s16, $0xb8;
	[tilespmem:$0x2C80] =	vst v63  }
0x25: {  	_ =	swait.ge [sflag:s21], $0x400  }
0x26: {  	[sflag:s21] =	ssyncset.done $0x0  }
0x27: {  	s28 =	simm.s32 $0x0;
	[sflag:s21] =	ssyncadd.s32 $0xFFFFFC00  }
0x28: {  	s29 =	simm.s32 $0x40;
	v0 =	vld [tilespmem:s28+$0x80]  }
.LBB2_3:
0x29: {  	p0 =	sne.s32 s29, $0xFC0  }
.Ltmp0:
0x2a: {  	_ = 	snop;
	(pc) =	sbr.rel @p0 .LBB2_3-.Ltmp0, $3  }
0x2b: {  	_ =	sdelay $0x1  }
0x2c: {  	[tilespmem:s28+$0x480] =	vst v0;
	s28 =	sshra.s32 s29, $0x2;
	s29 =	sadd.s32 $0x40, s29  }
0x2d: {  	v0 =	vld [tilespmem:s28+$0x80]  }
0x2e: {  	_ =	sdelay $0x3  }
0x2f: {  	[tilespmem:s28+$0x480] =	vst v0  }
0x30: {  	_ =	swait.ge [sflag:s22], $0x400  }
0x31: {  	[sflag:s22] =	ssyncset.done $0x0  }
0x32: {  	[sflag:s22] =	ssyncadd.s32 $0xFFFFFC00  }
0x33: {  	_ =	swait.ge [sflag:s22], $0x1000  }
0x34: {  	[sflag:s22] =	ssyncset.done $0x0  }
0x35: {  	[sflag:s22] =	ssyncadd.s32 $0xFFFFF000  }
0x36: {  	_ =	swait.ge [sflag:s22], $0x1000  }
0x37: {  	s31 =	sshll.u32 s26, $0x3;
	[sflag:s22] =	ssyncset.done $0x0  }
0x38: {  	s29 =	sadd.s32 s3, s31;
	[sflag:s22] =	ssyncadd.s32 $0xFFFFF000  }
0x39: {  	[hbm4b:s29+s5] =	stream.linear.scatter [tilespmem:s19], [sflag:$0x3], $0x1000, $0x38;
	[tilespmem:$0x2C80] =	vst v63  }
0x3a: {  	_ =	swait.ge [sflag:s15], $0x1000  }
0x3b: {  	[sflag:s15] =	ssyncset.done $0x0  }
0x3c: {  	s28 =	sadd.s32 s4, s31;
	[sflag:s15] =	ssyncadd.s32 $0xFFFFF000  }
0x3d: {  	[hbm4b:s28+s5] =	stream.linear.scatter [tilespmem:s20], [sflag:$0x3], $0x1000, $0x38;
	[tilespmem:$0x2C80] =	vst v63  }
0x3e: {  	_ =	swait.ge [sflag:s15], $0x1000  }
0x3f: {  	s29 =	sshll.u32 s26, $0x1;
	[sflag:s15] =	ssyncset.done $0x0  }
0x40: {  	s31 =	sadd.s32 s11, s29;
	[sflag:s15] =	ssyncadd.s32 $0xFFFFF000  }
0x41: {  	[hbm4b:s31+s5] =	stream.linear.scatter [tilespmem:s23], [sflag:$0x3], $0x400, $0x38;
	[tilespmem:$0x2C80] =	vst v63  }
0x42: {  	s25 =	sadd.s32 $0x1, s25;
	_ =	swait.ge [sflag:s15], $0x400  }
0x43: {  	p0 =	sne.s32 s25, $0x8;
	[sflag:s15] =	ssyncset.done $0x0  }
.Ltmp1:
0x44: {  	s26 =	sadd.s32 s12, s29;
	[sflag:s15] =	ssyncadd.s32 $0xFFFFFC00;
	(pc) =	sbr.rel @p0 .LBB2_2-.Ltmp1, $4  }
0x45: {  	[hbm4b:s26+s5] =	stream.linear.scatter [tilespmem:s18], [sflag:$0x3], $0x400, $0x38;
	[tilespmem:$0x2C80] =	vst v63  }
0x46: {  	_ =	swait.ge [sflag:s15], $0x400  }
0x47: {  	[sflag:s15] =	ssyncset.done $0x0  }
0x48: {  	[sflag:s15] =	ssyncadd.s32 $0xFFFFFC00  }
0x49: {  	s24 =	sadd.s32 $0x1, s24  }
0x4a: {  	p0 =	sne.s32 s24, s14  }
.Ltmp2:
0x4b: {  	_ = 	snop;
	(pc) =	sbr.rel @p0 .LBB2_1-.Ltmp2, $1  }
0x4c: {  	_ =	sdelay $0x3  }
0x4d: {  	_ =	sfence.sel $0x180000  }
0x4e: {  	[bflag:$0x0] =	sbarrier.arrive $0xFFFF  }
0x4f: {  	p0 =	sne.s32 s9, $0x0;
	_ =	strace $0x90000047  }
0x50: {  	s0 =	sadd.s32 @!p0 $0x100000, s0;
	[bflag:$0x2] =	sbarrier.arrive $0xFFFF  }
0x51: {  	[sflag:s0] =	ssyncadd.tile.s32 @!p0 $0x1;
	_ =	shalt  }
.Lfunc_end2:
_tile_overlayer_lowered:
.L_overlay_start_2:
0x52: {  	(tag) =	ssettag $0x2  }
0x53: {  	s0 =	rddreg [dreg:$0x0];
	s2 =	stileid.u32  }
0x54: {  	s1 =	rddreg [dreg:$0x1];
	p0 =	sne.s32 s2, $0x0  }
0x55: {  	s3 =	rddreg [dreg:$0x2];
	[bflag:$0x3] =	sbarrier.arrive $0xFFFF;
	s2 =	simm.s32 @!p0 $0x1C03  }
0x56: {  	[timem:s3], [sflag:s2] =	dma.local @!p0 [hbm:s0], s1  }
0x57: {  	s0 =	simm.s32 @!p0 $0x3  }
0x58: {  	_ =	swait.ge @!p0 [sflag:s0], s1  }
0x59: {  	s1 =	ssub.s32 @!p0 $0x0, s1;
	[sflag:s0] =	ssyncset.done @!p0 $0x0  }
0x5a: {  	[sflag:s0] =	ssyncadd.s32 @!p0 s1  }
0x5b: {  	[bflag:$0x3] =	sbarrier.arrive $0xFFFF  }
0x5c: {  	_ =	shalt  }

</sc_bundles>
